<compile_context>
chip_gen: v7x
topology: tpu7x:2x2x1
jax: 0.10.2.dev20260603
libtpu: 0.0.44.dev20260713+nightly
codegen_flags: <defaults>
</compile_context>

<pallas_src>
import functools

import jax
import jax.numpy as jnp
from jax import lax
from jax.experimental import pallas as pl
from jax.experimental.pallas import tpu as pltpu
from jax.experimental.pallas import tpu_sc as plsc

B, S, H, D = 4, 2048, 8, 128
HEAD_VOCAB = 100000
NC, NS, L = 2, 16, 16
NW = NC * NS
TOTAL = B * S * H
PER_W = TOTAL // NW
CH = 128
NCH = PER_W // CH


NSLOT = 6


@functools.partial(
    pl.kernel,
    out_type=jax.ShapeDtypeStruct((NW, NCH, CH, D), jnp.float32),
    mesh=plsc.VectorSubcoreMesh(
        core_axis_name="c", subcore_axis_name="s",
        num_cores=NC, num_subcores=NS,
    ),
    scratch_types=[
        pltpu.VMEM((PER_W,), jnp.int32),
        [pltpu.VMEM((CH, D), jnp.float32) for _ in range(NSLOT)],
        [pltpu.SemaphoreType.DMA for _ in range(NSLOT)],
        [pltpu.SemaphoreType.DMA for _ in range(NSLOT)],
    ],
)
def _engram_gather(idx_hbm, table_hbm, out_hbm, idx_v, bufs, gsems, osems):
    wid = lax.axis_index("s") * NC + lax.axis_index("c")
    pltpu.sync_copy(idx_hbm.at[pl.ds(wid * PER_W, PER_W)], idx_v)

    offs = (lax.iota(jnp.int32, L) & 7) * HEAD_VOCAB

    def shift_chunk(c):
        for p in range(CH // L):
            sl = pl.ds(c * CH + p * L, L)
            idx_v[sl] = idx_v[sl] + offs

    def start_gather(c):
        s = c % NSLOT
        return pltpu.async_copy(
            table_hbm.at[idx_v.at[pl.ds(c * CH, CH)]], bufs[s], gsems[s])

    gh = [None] * NCH
    oh = [None] * NCH
    for c in range(NSLOT - 1):
        shift_chunk(c)
        gh[c] = start_gather(c)
    for c in range(NCH):
        s = c % NSLOT
        gh[c].wait()
        n = c + NSLOT - 1
        if n < NCH:
            if c >= 1:
                oh[c - 1].wait()
            shift_chunk(n)
            gh[n] = start_gather(n)
        oh[c] = pltpu.async_copy(bufs[s], out_hbm.at[wid, c], osems[s])
    for c in range(NCH - NSLOT, NCH):
        oh[c].wait()


def kernel(input_ids, embedding_weight):
    idx = input_ids.reshape(TOTAL).astype(jnp.int32)
    out = _engram_gather(idx, embedding_weight)
    return out.reshape(B, S, H, D)

# --- scband reference (transcript-rebuilt; emitter-appended) ---
"""Pipeline reference for scband-engram-1606317769421 (READ-ONLY COPY).

The authoritative reference and input builder live on the scoring server;
editing this copy changes nothing except your own understanding.
"""

import jax, jax.numpy as jnp
import numpy as np

LIST_OF_N = [100000, 100000, 100000, 100000, 100000, 100000, 100000, 100000]
D = 128
BACKBONE_HIDDEN = 2048
B, S = 4, 2048
NUM_HEADS = len(LIST_OF_N)
TOTAL_N = sum(LIST_OF_N)


def setup_inputs(seed: int = 0) -> dict:
    key = jax.random.key(seed)
    k1, k2 = jax.random.split(key)
    input_ids = jax.random.randint(k1, (B, S, NUM_HEADS), 0, 100000, dtype=jnp.int64)
    # nn.Embedding weight initialized normal(0, 1/sqrt(backbone_hidden_size))
    embedding_weight = jax.random.normal(k2, (TOTAL_N, D), dtype=jnp.float32) * (1.0 / np.sqrt(BACKBONE_HIDDEN))
    return {"input_ids": input_ids, "embedding_weight": embedding_weight}


def reference(input_ids, embedding_weight):
    # offsets: cumulative start of each head's vocab slice in the fused table
    offsets_list = [0]
    for n in LIST_OF_N[:-1]:
        offsets_list.append(offsets_list[-1] + n)
    offsets = jnp.asarray(offsets_list, dtype=input_ids.dtype)
    shifted_input_ids = input_ids + offsets  # broadcast over last dim (num_heads)
    # embedding lookup: gather rows from fused table
    output = jnp.take(embedding_weight, shifted_input_ids, axis=0)  # [B, S, H, D]
    return output

if __name__ == "__main__":
    import jax
    _d = setup_inputs()
    print(jax.jit(kernel)(*tuple(_d.values())))

</pallas_src>

<mosaic_0001>
#map = affine_map<(d0, d1) -> (0)>
#map1 = affine_map<(d0, d1) -> (0, 0)>
#map2 = affine_map<(d0, d1) -> (0, 0, 0, 0)>
module attributes {stable_mosaic.version = 14 : i64} {
  func.func @_engram_gather(%arg0: i32, %arg1: i32, %arg2: memref<65536xi32, #tpu.memory_space<hbm>>, %arg3: memref<800000x128xf32, #tpu.memory_space<hbm>>, %arg4: memref<32x16x128x128xf32, #tpu.memory_space<hbm>>, %arg5: memref<2048xi32, #tpu.memory_space<vmem>>, %arg6: memref<128x128xf32, #tpu.memory_space<vmem>>, %arg7: memref<128x128xf32, #tpu.memory_space<vmem>>, %arg8: memref<128x128xf32, #tpu.memory_space<vmem>>, %arg9: memref<128x128xf32, #tpu.memory_space<vmem>>, %arg10: memref<128x128xf32, #tpu.memory_space<vmem>>, %arg11: memref<128x128xf32, #tpu.memory_space<vmem>>, %arg12: memref<!tpu.dma_semaphore, #tpu.memory_space<semaphore_mem>>, %arg13: memref<!tpu.dma_semaphore, #tpu.memory_space<semaphore_mem>>, %arg14: memref<!tpu.dma_semaphore, #tpu.memory_space<semaphore_mem>>, %arg15: memref<!tpu.dma_semaphore, #tpu.memory_space<semaphore_mem>>, %arg16: memref<!tpu.dma_semaphore, #tpu.memory_space<semaphore_mem>>, %arg17: memref<!tpu.dma_semaphore, #tpu.memory_space<semaphore_mem>>, %arg18: memref<!tpu.dma_semaphore, #tpu.memory_space<semaphore_mem>>, %arg19: memref<!tpu.dma_semaphore, #tpu.memory_space<semaphore_mem>>, %arg20: memref<!tpu.dma_semaphore, #tpu.memory_space<semaphore_mem>>, %arg21: memref<!tpu.dma_semaphore, #tpu.memory_space<semaphore_mem>>, %arg22: memref<!tpu.dma_semaphore, #tpu.memory_space<semaphore_mem>>, %arg23: memref<!tpu.dma_semaphore, #tpu.memory_space<semaphore_mem>>) attributes {dimension_semantics = [#tpu.dimension_semantics<core_parallel>, #tpu.dimension_semantics<subcore_parallel>], iteration_bounds = array<i64: 2, 16>, scalar_prefetch = 0 : i64, scratch_operands = 19 : i64, tpu.core_type = #tpu.core_type<sc_vector_subcore>, window_params = [{transform_indices = #map}, {transform_indices = #map1}, {transform_indices = #map2}]} {
    %mul3A = arith.constant 2 : i32
    %mul3A_0 = arith.muli %arg1, %mul3A : i32
    %add3A = arith.addi %mul3A_0, %arg0 : i32
    %mul3A_1 = arith.constant 2048 : i32
    %mul3A_2 = arith.muli %add3A, %mul3A_1 : i32
    "tpu.region"() ({
      %run_scoped3A = tpu.sem_alloc : memref<!tpu.dma_semaphore, #tpu.memory_space<semaphore_mem>>
      %dma_start3A_1476 = tpu.memref_slice %arg2[%mul3A_2] : memref<65536xi32, #tpu.memory_space<hbm>> -> memref<2048xi32, #tpu.memory_space<hbm>>
      %dma_start3A_1477 = tpu.memref_slice %arg2[%mul3A_2] : memref<65536xi32, #tpu.memory_space<hbm>> -> memref<2048xi32, #tpu.memory_space<hbm>>
      tpu.enqueue_dma source(%dma_start3A_1477 : memref<2048xi32, #tpu.memory_space<hbm>>) target(%arg5 : memref<2048xi32, #tpu.memory_space<vmem>>) target_semaphore(%run_scoped3A : memref<!tpu.dma_semaphore, #tpu.memory_space<semaphore_mem>>)
      %dma_wait3A_1478 = tpu.memref_slice %arg2[%mul3A_2] : memref<65536xi32, #tpu.memory_space<hbm>> -> memref<2048xi32, #tpu.memory_space<hbm>>
      %dma_wait3A_1479 = tpu.memref_slice %arg2[%mul3A_2] : memref<65536xi32, #tpu.memory_space<hbm>> -> memref<2048xi32, #tpu.memory_space<hbm>>
      tpu.wait_dma2 semaphore(%run_scoped3A : memref<!tpu.dma_semaphore, #tpu.memory_space<semaphore_mem>>) src(%dma_wait3A_1479 : memref<2048xi32, #tpu.memory_space<hbm>>) dst(%arg5 : memref<2048xi32, #tpu.memory_space<vmem>>)
      tpu.yield
    }) : () -> ()
    %iota3A = tpu.iota {dimensions = array<i32: 0>} : vector<16xi32>
    %and3A = arith.constant 7 : i32
    %and3A_3 = vector.broadcast %and3A : i32 to vector<16xi32>
    %and3A_4 = arith.andi %iota3A, %and3A_3 : vector<16xi32>
    %mul3A_5 = arith.constant 100000 : i32
    %mul3A_6 = vector.broadcast %mul3A_5 : i32 to vector<16xi32>
    %mul3A_7 = arith.muli %and3A_4, %mul3A_6 : vector<16xi32>
    %get3A = arith.constant 0 : index
    %get3A_8 = tpu.vector_load %arg5[%get3A] {strides = array<i32>} : memref<2048xi32, #tpu.memory_space<vmem>>, vector<16xi32>,
    %get3A_9 = vector.shape_cast %get3A_8 : vector<16xi32> to vector<16xi32>
    %add3A_10 = arith.addi %get3A_9, %mul3A_7 : vector<16xi32>
    %swap3A = arith.constant 0 : index
    %swap3A_11 = tpu.vector_load %arg5[%swap3A] {strides = array<i32>} : memref<2048xi32, #tpu.memory_space<vmem>>, vector<16xi32>,
    %swap3A_12 = vector.shape_cast %swap3A_11 : vector<16xi32> to vector<16xi32>
    %swap3A_13 = vector.shape_cast %add3A_10 : vector<16xi32> to vector<16xi32>
    tpu.vector_store %arg5[%swap3A], %swap3A_13 {strides = array<i32>} : memref<2048xi32, #tpu.memory_space<vmem>>, vector<16xi32>,
    %get3A_14 = arith.constant 16 : index
    %get3A_15 = tpu.vector_load %arg5[%get3A_14] {strides = array<i32>} : memref<2048xi32, #tpu.memory_space<vmem>>, vector<16xi32>,
    %get3A_16 = vector.shape_cast %get3A_15 : vector<16xi32> to vector<16xi32>
    %add3A_17 = arith.addi %get3A_16, %mul3A_7 : vector<16xi32>
    %swap3A_18 = arith.constant 16 : index
    %swap3A_19 = tpu.vector_load %arg5[%swap3A_18] {strides = array<i32>} : memref<2048xi32, #tpu.memory_space<vmem>>, vector<16xi32>,
    %swap3A_20 = vector.shape_cast %swap3A_19 : vector<16xi32> to vector<16xi32>
    %swap3A_21 = vector.shape_cast %add3A_17 : vector<16xi32> to vector<16xi32>
    tpu.vector_store %arg5[%swap3A_18], %swap3A_21 {strides = array<i32>} : memref<2048xi32, #tpu.memory_space<vmem>>, vector<16xi32>,
    %get3A_22 = arith.constant 32 : index
    %get3A_23 = tpu.vector_load %arg5[%get3A_22] {strides = array<i32>} : memref<2048xi32, #tpu.memory_space<vmem>>, vector<16xi32>,
    %get3A_24 = vector.shape_cast %get3A_23 : vector<16xi32> to vector<16xi32>
    %add3A_25 = arith.addi %get3A_24, %mul3A_7 : vector<16xi32>
    %swap3A_26 = arith.constant 32 : index
    %swap3A_27 = tpu.vector_load %arg5[%swap3A_26] {strides = array<i32>} : memref<2048xi32, #tpu.memory_space<vmem>>, vector<16xi32>,
    %swap3A_28 = vector.shape_cast %swap3A_27 : vector<16xi32> to vector<16xi32>
    %swap3A_29 = vector.shape_cast %add3A_25 : vector<16xi32> to vector<16xi32>
    tpu.vector_store %arg5[%swap3A_26], %swap3A_29 {strides = array<i32>} : memref<2048xi32, #tpu.memory_space<vmem>>, vector<16xi32>,
    %get3A_30 = arith.constant 48 : index
    %get3A_31 = tpu.vector_load %arg5[%get3A_30] {strides = array<i32>} : memref<2048xi32, #tpu.memory_space<vmem>>, vector<16xi32>,
    %get3A_32 = vector.shape_cast %get3A_31 : vector<16xi32> to vector<16xi32>
    %add3A_33 = arith.addi %get3A_32, %mul3A_7 : vector<16xi32>
    %swap3A_34 = arith.constant 48 : index
    %swap3A_35 = tpu.vector_load %arg5[%swap3A_34] {strides = array<i32>} : memref<2048xi32, #tpu.memory_space<vmem>>, vector<16xi32>,
    %swap3A_36 = vector.shape_cast %swap3A_35 : vector<16xi32> to vector<16xi32>
    %swap3A_37 = vector.shape_cast %add3A_33 : vector<16xi32> to vector<16xi32>
    tpu.vector_store %arg5[%swap3A_34], %swap3A_37 {strides = array<i32>} : memref<2048xi32, #tpu.memory_space<vmem>>, vector<16xi32>,
    %get3A_38 = arith.constant 64 : index
    %get3A_39 = tpu.vector_load %arg5[%get3A_38] {strides = array<i32>} : memref<2048xi32, #tpu.memory_space<vmem>>, vector<16xi32>,
    %get3A_40 = vector.shape_cast %get3A_39 : vector<16xi32> to vector<16xi32>
    %add3A_41 = arith.addi %get3A_40, %mul3A_7 : vector<16xi32>
    %swap3A_42 = arith.constant 64 : index
    %swap3A_43 = tpu.vector_load %arg5[%swap3A_42] {strides = array<i32>} : memref<2048xi32, #tpu.memory_space<vmem>>, vector<16xi32>,
    %swap3A_44 = vector.shape_cast %swap3A_43 : vector<16xi32> to vector<16xi32>
    %swap3A_45 = vector.shape_cast %add3A_41 : vector<16xi32> to vector<16xi32>
    tpu.vector_store %arg5[%swap3A_42], %swap3A_45 {strides = array<i32>} : memref<2048xi32, #tpu.memory_space<vmem>>, vector<16xi32>,
    %get3A_46 = arith.constant 80 : index
    %get3A_47 = tpu.vector_load %arg5[%get3A_46] {strides = array<i32>} : memref<2048xi32, #tpu.memory_space<vmem>>, vector<16xi32>,
    %get3A_48 = vector.shape_cast %get3A_47 : vector<16xi32> to vector<16xi32>
    %add3A_49 = arith.addi %get3A_48, %mul3A_7 : vector<16xi32>
    %swap3A_50 = arith.constant 80 : index
    %swap3A_51 = tpu.vector_load %arg5[%swap3A_50] {strides = array<i32>} : memref<2048xi32, #tpu.memory_space<vmem>>, vector<16xi32>,
    %swap3A_52 = vector.shape_cast %swap3A_51 : vector<16xi32> to vector<16xi32>
    %swap3A_53 = vector.shape_cast %add3A_49 : vector<16xi32> to vector<16xi32>
    tpu.vector_store %arg5[%swap3A_50], %swap3A_53 {strides = array<i32>} : memref<2048xi32, #tpu.memory_space<vmem>>, vector<16xi32>,
    %get3A_54 = arith.constant 96 : index
    %get3A_55 = tpu.vector_load %arg5[%get3A_54] {strides = array<i32>} : memref<2048xi32, #tpu.memory_space<vmem>>, vector<16xi32>,
    %get3A_56 = vector.shape_cast %get3A_55 : vector<16xi32> to vector<16xi32>
    %add3A_57 = arith.addi %get3A_56, %mul3A_7 : vector<16xi32>
    %swap3A_58 = arith.constant 96 : index
    %swap3A_59 = tpu.vector_load %arg5[%swap3A_58] {strides = array<i32>} : memref<2048xi32, #tpu.memory_space<vmem>>, vector<16xi32>,
    %swap3A_60 = vector.shape_cast %swap3A_59 : vector<16xi32> to vector<16xi32>
    %swap3A_61 = vector.shape_cast %add3A_57 : vector<16xi32> to vector<16xi32>
    tpu.vector_store %arg5[%swap3A_58], %swap3A_61 {strides = array<i32>} : memref<2048xi32, #tpu.memory_space<vmem>>, vector<16xi32>,
    %get3A_62 = arith.constant 112 : index
    %get3A_63 = tpu.vector_load %arg5[%get3A_62] {strides = array<i32>} : memref<2048xi32, #tpu.memory_space<vmem>>, vector<16xi32>,
    %get3A_64 = vector.shape_cast %get3A_63 : vector<16xi32> to vector<16xi32>
    %add3A_65 = arith.addi %get3A_64, %mul3A_7 : vector<16xi32>
    %swap3A_66 = arith.constant 112 : index
    %swap3A_67 = tpu.vector_load %arg5[%swap3A_66] {strides = array<i32>} : memref<2048xi32, #tpu.memory_space<vmem>>, vector<16xi32>,
    %swap3A_68 = vector.shape_cast %swap3A_67 : vector<16xi32> to vector<16xi32>
    %swap3A_69 = vector.shape_cast %add3A_65 : vector<16xi32> to vector<16xi32>
    tpu.vector_store %arg5[%swap3A_66], %swap3A_69 {strides = array<i32>} : memref<2048xi32, #tpu.memory_space<vmem>>, vector<16xi32>,
    %dma_start3A = arith.constant 0 : i32
    %dma_start3A_70 = tpu.memref_slice %arg5[%dma_start3A] : memref<2048xi32, #tpu.memory_space<vmem>> -> memref<128xi32, #tpu.memory_space<vmem>>
    %dma_start3A_71 = arith.constant 0 : i32
    %dma_start3A_72 = arith.constant 0 : i32
    %dma_start3A_73 = tpu.memref_slice %arg3[%dma_start3A_71, %dma_start3A_72] : memref<800000x128xf32, #tpu.memory_space<hbm>> -> memref<800000x128xf32, #tpu.memory_space<hbm>>
    tpu.enqueue_indirect_dma source(%dma_start3A_73 : memref<800000x128xf32, #tpu.memory_space<hbm>>) target(%arg6 : memref<128x128xf32, #tpu.memory_space<vmem>>) offsets(%dma_start3A_70 : memref<128xi32, #tpu.memory_space<vmem>>) semaphore(%arg12 : memref<!tpu.dma_semaphore, #tpu.memory_space<semaphore_mem>>)
    %get3A_74 = arith.constant 128 : index
    %get3A_75 = tpu.vector_load %arg5[%get3A_74] {strides = array<i32>} : memref<2048xi32, #tpu.memory_space<vmem>>, vector<16xi32>,
    %get3A_76 = vector.shape_cast %get3A_75 : vector<16xi32> to vector<16xi32>
    %add3A_77 = arith.addi %get3A_76, %mul3A_7 : vector<16xi32>
    %swap3A_78 = arith.constant 128 : index
    %swap3A_79 = tpu.vector_load %arg5[%swap3A_78] {strides = array<i32>} : memref<2048xi32, #tpu.memory_space<vmem>>, vector<16xi32>,
    %swap3A_80 = vector.shape_cast %swap3A_79 : vector<16xi32> to vector<16xi32>
    %swap3A_81 = vector.shape_cast %add3A_77 : vector<16xi32> to vector<16xi32>
    tpu.vector_store %arg5[%swap3A_78], %swap3A_81 {strides = array<i32>} : memref<2048xi32, #tpu.memory_space<vmem>>, vector<16xi32>,
    %get3A_82 = arith.constant 144 : index
    %get3A_83 = tpu.vector_load %arg5[%get3A_82] {strides = array<i32>} : memref<2048xi32, #tpu.memory_space<vmem>>, vector<16xi32>,
    %get3A_84 = vector.shape_cast %get3A_83 : vector<16xi32> to vector<16xi32>
    %add3A_85 = arith.addi %get3A_84, %mul3A_7 : vector<16xi32>
    %swap3A_86 = arith.constant 144 : index
    %swap3A_87 = tpu.vector_load %arg5[%swap3A_86] {strides = array<i32>} : memref<2048xi32, #tpu.memory_space<vmem>>, vector<16xi32>,
    %swap3A_88 = vector.shape_cast %swap3A_87 : vector<16xi32> to vector<16xi32>
    %swap3A_89 = vector.shape_cast %add3A_85 : vector<16xi32> to vector<16xi32>
    tpu.vector_store %arg5[%swap3A_86], %swap3A_89 {strides = array<i32>} : memref<2048xi32, #tpu.memory_space<vmem>>, vector<16xi32>,
    %get3A_90 = arith.constant 160 : index
    %get3A_91 = tpu.vector_load %arg5[%get3A_90] {strides = array<i32>} : memref<2048xi32, #tpu.memory_space<vmem>>, vector<16xi32>,
    %get3A_92 = vector.shape_cast %get3A_91 : vector<16xi32> to vector<16xi32>
    %add3A_93 = arith.addi %get3A_92, %mul3A_7 : vector<16xi32>
    %swap3A_94 = arith.constant 160 : index
    %swap3A_95 = tpu.vector_load %arg5[%swap3A_94] {strides = array<i32>} : memref<2048xi32, #tpu.memory_space<vmem>>, vector<16xi32>,
    %swap3A_96 = vector.shape_cast %swap3A_95 : vector<16xi32> to vector<16xi32>
    %swap3A_97 = vector.shape_cast %add3A_93 : vector<16xi32> to vector<16xi32>
    tpu.vector_store %arg5[%swap3A_94], %swap3A_97 {strides = array<i32>} : memref<2048xi32, #tpu.memory_space<vmem>>, vector<16xi32>,
    %get3A_98 = arith.constant 176 : index
    %get3A_99 = tpu.vector_load %arg5[%get3A_98] {strides = array<i32>} : memref<2048xi32, #tpu.memory_space<vmem>>, vector<16xi32>,
    %get3A_100 = vector.shape_cast %get3A_99 : vector<16xi32> to vector<16xi32>
    %add3A_101 = arith.addi %get3A_100, %mul3A_7 : vector<16xi32>
    %swap3A_102 = arith.constant 176 : index
    %swap3A_103 = tpu.vector_load %arg5[%swap3A_102] {strides = array<i32>} : memref<2048xi32, #tpu.memory_space<vmem>>, vector<16xi32>,
    %swap3A_104 = vector.shape_cast %swap3A_103 : vector<16xi32> to vector<16xi32>
    %swap3A_105 = vector.shape_cast %add3A_101 : vector<16xi32> to vector<16xi32>
    tpu.vector_store %arg5[%swap3A_102], %swap3A_105 {strides = array<i32>} : memref<2048xi32, #tpu.memory_space<vmem>>, vector<16xi32>,
    %get3A_106 = arith.constant 192 : index
    %get3A_107 = tpu.vector_load %arg5[%get3A_106] {strides = array<i32>} : memref<2048xi32, #tpu.memory_space<vmem>>, vector<16xi32>,
    %get3A_108 = vector.shape_cast %get3A_107 : vector<16xi32> to vector<16xi32>
    %add3A_109 = arith.addi %get3A_108, %mul3A_7 : vector<16xi32>
    %swap3A_110 = arith.constant 192 : index
    %swap3A_111 = tpu.vector_load %arg5[%swap3A_110] {strides = array<i32>} : memref<2048xi32, #tpu.memory_space<vmem>>, vector<16xi32>,
    %swap3A_112 = vector.shape_cast %swap3A_111 : vector<16xi32> to vector<16xi32>
    %swap3A_113 = vector.shape_cast %add3A_109 : vector<16xi32> to vector<16xi32>
    tpu.vector_store %arg5[%swap3A_110], %swap3A_113 {strides = array<i32>} : memref<2048xi32, #tpu.memory_space<vmem>>, vector<16xi32>,
    %get3A_114 = arith.constant 208 : index
    %get3A_115 = tpu.vector_load %arg5[%get3A_114] {strides = array<i32>} : memref<2048xi32, #tpu.memory_space<vmem>>, vector<16xi32>,
    %get3A_116 = vector.shape_cast %get3A_115 : vector<16xi32> to vector<16xi32>
    %add3A_117 = arith.addi %get3A_116, %mul3A_7 : vector<16xi32>
    %swap3A_118 = arith.constant 208 : index
    %swap3A_119 = tpu.vector_load %arg5[%swap3A_118] {strides = array<i32>} : memref<2048xi32, #tpu.memory_space<vmem>>, vector<16xi32>,
    %swap3A_120 = vector.shape_cast %swap3A_119 : vector<16xi32> to vector<16xi32>
    %swap3A_121 = vector.shape_cast %add3A_117 : vector<16xi32> to vector<16xi32>
    tpu.vector_store %arg5[%swap3A_118], %swap3A_121 {strides = array<i32>} : memref<2048xi32, #tpu.memory_space<vmem>>, vector<16xi32>,
    %get3A_122 = arith.constant 224 : index
    %get3A_123 = tpu.vector_load %arg5[%get3A_122] {strides = array<i32>} : memref<2048xi32, #tpu.memory_space<vmem>>, vector<16xi32>,
    %get3A_124 = vector.shape_cast %get3A_123 : vector<16xi32> to vector<16xi32>
    %add3A_125 = arith.addi %get3A_124, %mul3A_7 : vector<16xi32>
    %swap3A_126 = arith.constant 224 : index
    %swap3A_127 = tpu.vector_load %arg5[%swap3A_126] {strides = array<i32>} : memref<2048xi32, #tpu.memory_space<vmem>>, vector<16xi32>,
    %swap3A_128 = vector.shape_cast %swap3A_127 : vector<16xi32> to vector<16xi32>
    %swap3A_129 = vector.shape_cast %add3A_125 : vector<16xi32> to vector<16xi32>
    tpu.vector_store %arg5[%swap3A_126], %swap3A_129 {strides = array<i32>} : memref<2048xi32, #tpu.memory_space<vmem>>, vector<16xi32>,
    %get3A_130 = arith.constant 240 : index
    %get3A_131 = tpu.vector_load %arg5[%get3A_130] {strides = array<i32>} : memref<2048xi32, #tpu.memory_space<vmem>>, vector<16xi32>,
    %get3A_132 = vector.shape_cast %get3A_131 : vector<16xi32> to vector<16xi32>
    %add3A_133 = arith.addi %get3A_132, %mul3A_7 : vector<16xi32>
    %swap3A_134 = arith.constant 240 : index
    %swap3A_135 = tpu.vector_load %arg5[%swap3A_134] {strides = array<i32>} : memref<2048xi32, #tpu.memory_space<vmem>>, vector<16xi32>,
    %swap3A_136 = vector.shape_cast %swap3A_135 : vector<16xi32> to vector<16xi32>
    %swap3A_137 = vector.shape_cast %add3A_133 : vector<16xi32> to vector<16xi32>
    tpu.vector_store %arg5[%swap3A_134], %swap3A_137 {strides = array<i32>} : memref<2048xi32, #tpu.memory_space<vmem>>, vector<16xi32>,
    %dma_start3A_138 = arith.constant 128 : i32
    %dma_start3A_139 = tpu.memref_slice %arg5[%dma_start3A_138] : memref<2048xi32, #tpu.memory_space<vmem>> -> memref<128xi32, #tpu.memory_space<vmem>>
    %dma_start3A_140 = arith.constant 0 : i32
    %dma_start3A_141 = arith.constant 0 : i32
    %dma_start3A_142 = tpu.memref_slice %arg3[%dma_start3A_140, %dma_start3A_141] : memref<800000x128xf32, #tpu.memory_space<hbm>> -> memref<800000x128xf32, #tpu.memory_space<hbm>>
    tpu.enqueue_indirect_dma source(%dma_start3A_142 : memref<800000x128xf32, #tpu.memory_space<hbm>>) target(%arg7 : memref<128x128xf32, #tpu.memory_space<vmem>>) offsets(%dma_start3A_139 : memref<128xi32, #tpu.memory_space<vmem>>) semaphore(%arg13 : memref<!tpu.dma_semaphore, #tpu.memory_space<semaphore_mem>>)
    %get3A_143 = arith.constant 256 : index
    %get3A_144 = tpu.vector_load %arg5[%get3A_143] {strides = array<i32>} : memref<2048xi32, #tpu.memory_space<vmem>>, vector<16xi32>,
    %get3A_145 = vector.shape_cast %get3A_144 : vector<16xi32> to vector<16xi32>
    %add3A_146 = arith.addi %get3A_145, %mul3A_7 : vector<16xi32>
    %swap3A_147 = arith.constant 256 : index
    %swap3A_148 = tpu.vector_load %arg5[%swap3A_147] {strides = array<i32>} : memref<2048xi32, #tpu.memory_space<vmem>>, vector<16xi32>,
    %swap3A_149 = vector.shape_cast %swap3A_148 : vector<16xi32> to vector<16xi32>
    %swap3A_150 = vector.shape_cast %add3A_146 : vector<16xi32> to vector<16xi32>
    tpu.vector_store %arg5[%swap3A_147], %swap3A_150 {strides = array<i32>} : memref<2048xi32, #tpu.memory_space<vmem>>, vector<16xi32>,
    %get3A_151 = arith.constant 272 : index
    %get3A_152 = tpu.vector_load %arg5[%get3A_151] {strides = array<i32>} : memref<2048xi32, #tpu.memory_space<vmem>>, vector<16xi32>,
    %get3A_153 = vector.shape_cast %get3A_152 : vector<16xi32> to vector<16xi32>
    %add3A_154 = arith.addi %get3A_153, %mul3A_7 : vector<16xi32>
    %swap3A_155 = arith.constant 272 : index
    %swap3A_156 = tpu.vector_load %arg5[%swap3A_155] {strides = array<i32>} : memref<2048xi32, #tpu.memory_space<vmem>>, vector<16xi32>,
    %swap3A_157 = vector.shape_cast %swap3A_156 : vector<16xi32> to vector<16xi32>
    %swap3A_158 = vector.shape_cast %add3A_154 : vector<16xi32> to vector<16xi32>
    tpu.vector_store %arg5[%swap3A_155], %swap3A_158 {strides = array<i32>} : memref<2048xi32, #tpu.memory_space<vmem>>, vector<16xi32>,
    %get3A_159 = arith.constant 288 : index
    %get3A_160 = tpu.vector_load %arg5[%get3A_159] {strides = array<i32>} : memref<2048xi32, #tpu.memory_space<vmem>>, vector<16xi32>,
    %get3A_161 = vector.shape_cast %get3A_160 : vector<16xi32> to vector<16xi32>
    %add3A_162 = arith.addi %get3A_161, %mul3A_7 : vector<16xi32>
    %swap3A_163 = arith.constant 288 : index
    %swap3A_164 = tpu.vector_load %arg5[%swap3A_163] {strides = array<i32>} : memref<2048xi32, #tpu.memory_space<vmem>>, vector<16xi32>,
    %swap3A_165 = vector.shape_cast %swap3A_164 : vector<16xi32> to vector<16xi32>
    %swap3A_166 = vector.shape_cast %add3A_162 : vector<16xi32> to vector<16xi32>
    tpu.vector_store %arg5[%swap3A_163], %swap3A_166 {strides = array<i32>} : memref<2048xi32, #tpu.memory_space<vmem>>, vector<16xi32>,
    %get3A_167 = arith.constant 304 : index
    %get3A_168 = tpu.vector_load %arg5[%get3A_167] {strides = array<i32>} : memref<2048xi32, #tpu.memory_space<vmem>>, vector<16xi32>,
    %get3A_169 = vector.shape_cast %get3A_168 : vector<16xi32> to vector<16xi32>
    %add3A_170 = arith.addi %get3A_169, %mul3A_7 : vector<16xi32>
    %swap3A_171 = arith.constant 304 : index
    %swap3A_172 = tpu.vector_load %arg5[%swap3A_171] {strides = array<i32>} : memref<2048xi32, #tpu.memory_space<vmem>>, vector<16xi32>,
    %swap3A_173 = vector.shape_cast %swap3A_172 : vector<16xi32> to vector<16xi32>
    %swap3A_174 = vector.shape_cast %add3A_170 : vector<16xi32> to vector<16xi32>
    tpu.vector_store %arg5[%swap3A_171], %swap3A_174 {strides = array<i32>} : memref<2048xi32, #tpu.memory_space<vmem>>, vector<16xi32>,
    %get3A_175 = arith.constant 320 : index
    %get3A_176 = tpu.vector_load %arg5[%get3A_175] {strides = array<i32>} : memref<2048xi32, #tpu.memory_space<vmem>>, vector<16xi32>,
    %get3A_177 = vector.shape_cast %get3A_176 : vector<16xi32> to vector<16xi32>
    %add3A_178 = arith.addi %get3A_177, %mul3A_7 : vector<16xi32>
    %swap3A_179 = arith.constant 320 : index
    %swap3A_180 = tpu.vector_load %arg5[%swap3A_179] {strides = array<i32>} : memref<2048xi32, #tpu.memory_space<vmem>>, vector<16xi32>,
    %swap3A_181 = vector.shape_cast %swap3A_180 : vector<16xi32> to vector<16xi32>
    %swap3A_182 = vector.shape_cast %add3A_178 : vector<16xi32> to vector<16xi32>
    tpu.vector_store %arg5[%swap3A_179], %swap3A_182 {strides = array<i32>} : memref<2048xi32, #tpu.memory_space<vmem>>, vector<16xi32>,
    %get3A_183 = arith.constant 336 : index
    %get3A_184 = tpu.vector_load %arg5[%get3A_183] {strides = array<i32>} : memref<2048xi32, #tpu.memory_space<vmem>>, vector<16xi32>,
    %get3A_185 = vector.shape_cast %get3A_184 : vector<16xi32> to vector<16xi32>
    %add3A_186 = arith.addi %get3A_185, %mul3A_7 : vector<16xi32>
    %swap3A_187 = arith.constant 336 : index
    %swap3A_188 = tpu.vector_load %arg5[%swap3A_187] {strides = array<i32>} : memref<2048xi32, #tpu.memory_space<vmem>>, vector<16xi32>,
    %swap3A_189 = vector.shape_cast %swap3A_188 : vector<16xi32> to vector<16xi32>
    %swap3A_190 = vector.shape_cast %add3A_186 : vector<16xi32> to vector<16xi32>
    tpu.vector_store %arg5[%swap3A_187], %swap3A_190 {strides = array<i32>} : memref<2048xi32, #tpu.memory_space<vmem>>, vector<16xi32>,
    %get3A_191 = arith.constant 352 : index
    %get3A_192 = tpu.vector_load %arg5[%get3A_191] {strides = array<i32>} : memref<2048xi32, #tpu.memory_space<vmem>>, vector<16xi32>,
    %get3A_193 = vector.shape_cast %get3A_192 : vector<16xi32> to vector<16xi32>
    %add3A_194 = arith.addi %get3A_193, %mul3A_7 : vector<16xi32>
    %swap3A_195 = arith.constant 352 : index
    %swap3A_196 = tpu.vector_load %arg5[%swap3A_195] {strides = array<i32>} : memref<2048xi32, #tpu.memory_space<vmem>>, vector<16xi32>,
    %swap3A_197 = vector.shape_cast %swap3A_196 : vector<16xi32> to vector<16xi32>
    %swap3A_198 = vector.shape_cast %add3A_194 : vector<16xi32> to vector<16xi32>
    tpu.vector_store %arg5[%swap3A_195], %swap3A_198 {strides = array<i32>} : memref<2048xi32, #tpu.memory_space<vmem>>, vector<16xi32>,
    %get3A_199 = arith.constant 368 : index
    %get3A_200 = tpu.vector_load %arg5[%get3A_199] {strides = array<i32>} : memref<2048xi32, #tpu.memory_space<vmem>>, vector<16xi32>,
    %get3A_201 = vector.shape_cast %get3A_200 : vector<16xi32> to vector<16xi32>
    %add3A_202 = arith.addi %get3A_201, %mul3A_7 : vector<16xi32>
    %swap3A_203 = arith.constant 368 : index
    %swap3A_204 = tpu.vector_load %arg5[%swap3A_203] {strides = array<i32>} : memref<2048xi32, #tpu.memory_space<vmem>>, vector<16xi32>,
    %swap3A_205 = vector.shape_cast %swap3A_204 : vector<16xi32> to vector<16xi32>
    %swap3A_206 = vector.shape_cast %add3A_202 : vector<16xi32> to vector<16xi32>
    tpu.vector_store %arg5[%swap3A_203], %swap3A_206 {strides = array<i32>} : memref<2048xi32, #tpu.memory_space<vmem>>, vector<16xi32>,
    %dma_start3A_207 = arith.constant 256 : i32
    %dma_start3A_208 = tpu.memref_slice %arg5[%dma_start3A_207] : memref<2048xi32, #tpu.memory_space<vmem>> -> memref<128xi32, #tpu.memory_space<vmem>>
    %dma_start3A_209 = arith.constant 0 : i32
    %dma_start3A_210 = arith.constant 0 : i32
    %dma_start3A_211 = tpu.memref_slice %arg3[%dma_start3A_209, %dma_start3A_210] : memref<800000x128xf32, #tpu.memory_space<hbm>> -> memref<800000x128xf32, #tpu.memory_space<hbm>>
    tpu.enqueue_indirect_dma source(%dma_start3A_211 : memref<800000x128xf32, #tpu.memory_space<hbm>>) target(%arg8 : memref<128x128xf32, #tpu.memory_space<vmem>>) offsets(%dma_start3A_208 : memref<128xi32, #tpu.memory_space<vmem>>) semaphore(%arg14 : memref<!tpu.dma_semaphore, #tpu.memory_space<semaphore_mem>>)
    %get3A_212 = arith.constant 384 : index
    %get3A_213 = tpu.vector_load %arg5[%get3A_212] {strides = array<i32>} : memref<2048xi32, #tpu.memory_space<vmem>>, vector<16xi32>,
    %get3A_214 = vector.shape_cast %get3A_213 : vector<16xi32> to vector<16xi32>
    %add3A_215 = arith.addi %get3A_214, %mul3A_7 : vector<16xi32>
    %swap3A_216 = arith.constant 384 : index
    %swap3A_217 = tpu.vector_load %arg5[%swap3A_216] {strides = array<i32>} : memref<2048xi32, #tpu.memory_space<vmem>>, vector<16xi32>,
    %swap3A_218 = vector.shape_cast %swap3A_217 : vector<16xi32> to vector<16xi32>
    %swap3A_219 = vector.shape_cast %add3A_215 : vector<16xi32> to vector<16xi32>
    tpu.vector_store %arg5[%swap3A_216], %swap3A_219 {strides = array<i32>} : memref<2048xi32, #tpu.memory_space<vmem>>, vector<16xi32>,
    %get3A_220 = arith.constant 400 : index
    %get3A_221 = tpu.vector_load %arg5[%get3A_220] {strides = array<i32>} : memref<2048xi32, #tpu.memory_space<vmem>>, vector<16xi32>,
    %get3A_222 = vector.shape_cast %get3A_221 : vector<16xi32> to vector<16xi32>
    %add3A_223 = arith.addi %get3A_222, %mul3A_7 : vector<16xi32>
    %swap3A_224 = arith.constant 400 : index
    %swap3A_225 = tpu.vector_load %arg5[%swap3A_224] {strides = array<i32>} : memref<2048xi32, #tpu.memory_space<vmem>>, vector<16xi32>,
    %swap3A_226 = vector.shape_cast %swap3A_225 : vector<16xi32> to vector<16xi32>
    %swap3A_227 = vector.shape_cast %add3A_223 : vector<16xi32> to vector<16xi32>
    tpu.vector_store %arg5[%swap3A_224], %swap3A_227 {strides = array<i32>} : memref<2048xi32, #tpu.memory_space<vmem>>, vector<16xi32>,
    %get3A_228 = arith.constant 416 : index
    %get3A_229 = tpu.vector_load %arg5[%get3A_228] {strides = array<i32>} : memref<2048xi32, #tpu.memory_space<vmem>>, vector<16xi32>,
    %get3A_230 = vector.shape_cast %get3A_229 : vector<16xi32> to vector<16xi32>
    %add3A_231 = arith.addi %get3A_230, %mul3A_7 : vector<16xi32>
    %swap3A_232 = arith.constant 416 : index
    %swap3A_233 = tpu.vector_load %arg5[%swap3A_232] {strides = array<i32>} : memref<2048xi32, #tpu.memory_space<vmem>>, vector<16xi32>,
    %swap3A_234 = vector.shape_cast %swap3A_233 : vector<16xi32> to vector<16xi32>
    %swap3A_235 = vector.shape_cast %add3A_231 : vector<16xi32> to vector<16xi32>
    tpu.vector_store %arg5[%swap3A_232], %swap3A_235 {strides = array<i32>} : memref<2048xi32, #tpu.memory_space<vmem>>, vector<16xi32>,
    %get3A_236 = arith.constant 432 : index
    %get3A_237 = tpu.vector_load %arg5[%get3A_236] {strides = array<i32>} : memref<2048xi32, #tpu.memory_space<vmem>>, vector<16xi32>,
    %get3A_238 = vector.shape_cast %get3A_237 : vector<16xi32> to vector<16xi32>
    %add3A_239 = arith.addi %get3A_238, %mul3A_7 : vector<16xi32>
    %swap3A_240 = arith.constant 432 : index
    %swap3A_241 = tpu.vector_load %arg5[%swap3A_240] {strides = array<i32>} : memref<2048xi32, #tpu.memory_space<vmem>>, vector<16xi32>,
    %swap3A_242 = vector.shape_cast %swap3A_241 : vector<16xi32> to vector<16xi32>
    %swap3A_243 = vector.shape_cast %add3A_239 : vector<16xi32> to vector<16xi32>
    tpu.vector_store %arg5[%swap3A_240], %swap3A_243 {strides = array<i32>} : memref<2048xi32, #tpu.memory_space<vmem>>, vector<16xi32>,
    %get3A_244 = arith.constant 448 : index
    %get3A_245 = tpu.vector_load %arg5[%get3A_244] {strides = array<i32>} : memref<2048xi32, #tpu.memory_space<vmem>>, vector<16xi32>,
    %get3A_246 = vector.shape_cast %get3A_245 : vector<16xi32> to vector<16xi32>
    %add3A_247 = arith.addi %get3A_246, %mul3A_7 : vector<16xi32>
    %swap3A_248 = arith.constant 448 : index
    %swap3A_249 = tpu.vector_load %arg5[%swap3A_248] {strides = array<i32>} : memref<2048xi32, #tpu.memory_space<vmem>>, vector<16xi32>,
    %swap3A_250 = vector.shape_cast %swap3A_249 : vector<16xi32> to vector<16xi32>
    %swap3A_251 = vector.shape_cast %add3A_247 : vector<16xi32> to vector<16xi32>
    tpu.vector_store %arg5[%swap3A_248], %swap3A_251 {strides = array<i32>} : memref<2048xi32, #tpu.memory_space<vmem>>, vector<16xi32>,
    %get3A_252 = arith.constant 464 : index
    %get3A_253 = tpu.vector_load %arg5[%get3A_252] {strides = array<i32>} : memref<2048xi32, #tpu.memory_space<vmem>>, vector<16xi32>,
    %get3A_254 = vector.shape_cast %get3A_253 : vector<16xi32> to vector<16xi32>
    %add3A_255 = arith.addi %get3A_254, %mul3A_7 : vector<16xi32>
    %swap3A_256 = arith.constant 464 : index
    %swap3A_257 = tpu.vector_load %arg5[%swap3A_256] {strides = array<i32>} : memref<2048xi32, #tpu.memory_space<vmem>>, vector<16xi32>,
    %swap3A_258 = vector.shape_cast %swap3A_257 : vector<16xi32> to vector<16xi32>
    %swap3A_259 = vector.shape_cast %add3A_255 : vector<16xi32> to vector<16xi32>
    tpu.vector_store %arg5[%swap3A_256], %swap3A_259 {strides = array<i32>} : memref<2048xi32, #tpu.memory_space<vmem>>, vector<16xi32>,
    %get3A_260 = arith.constant 480 : index
    %get3A_261 = tpu.vector_load %arg5[%get3A_260] {strides = array<i32>} : memref<2048xi32, #tpu.memory_space<vmem>>, vector<16xi32>,
    %get3A_262 = vector.shape_cast %get3A_261 : vector<16xi32> to vector<16xi32>
    %add3A_263 = arith.addi %get3A_262, %mul3A_7 : vector<16xi32>
    %swap3A_264 = arith.constant 480 : index
    %swap3A_265 = tpu.vector_load %arg5[%swap3A_264] {strides = array<i32>} : memref<2048xi32, #tpu.memory_space<vmem>>, vector<16xi32>,
    %swap3A_266 = vector.shape_cast %swap3A_265 : vector<16xi32> to vector<16xi32>
    %swap3A_267 = vector.shape_cast %add3A_263 : vector<16xi32> to vector<16xi32>
    tpu.vector_store %arg5[%swap3A_264], %swap3A_267 {strides = array<i32>} : memref<2048xi32, #tpu.memory_space<vmem>>, vector<16xi32>,
    %get3A_268 = arith.constant 496 : index
    %get3A_269 = tpu.vector_load %arg5[%get3A_268] {strides = array<i32>} : memref<2048xi32, #tpu.memory_space<vmem>>, vector<16xi32>,
    %get3A_270 = vector.shape_cast %get3A_269 : vector<16xi32> to vector<16xi32>
    %add3A_271 = arith.addi %get3A_270, %mul3A_7 : vector<16xi32>
    %swap3A_272 = arith.constant 496 : index
    %swap3A_273 = tpu.vector_load %arg5[%swap3A_272] {strides = array<i32>} : memref<2048xi32, #tpu.memory_space<vmem>>, vector<16xi32>,
    %swap3A_274 = vector.shape_cast %swap3A_273 : vector<16xi32> to vector<16xi32>
    %swap3A_275 = vector.shape_cast %add3A_271 : vector<16xi32> to vector<16xi32>
    tpu.vector_store %arg5[%swap3A_272], %swap3A_275 {strides = array<i32>} : memref<2048xi32, #tpu.memory_space<vmem>>, vector<16xi32>,
    %dma_start3A_276 = arith.constant 384 : i32
    %dma_start3A_277 = tpu.memref_slice %arg5[%dma_start3A_276] : memref<2048xi32, #tpu.memory_space<vmem>> -> memref<128xi32, #tpu.memory_space<vmem>>
    %dma_start3A_278 = arith.constant 0 : i32
    %dma_start3A_279 = arith.constant 0 : i32
    %dma_start3A_280 = tpu.memref_slice %arg3[%dma_start3A_278, %dma_start3A_279] : memref<800000x128xf32, #tpu.memory_space<hbm>> -> memref<800000x128xf32, #tpu.memory_space<hbm>>
    tpu.enqueue_indirect_dma source(%dma_start3A_280 : memref<800000x128xf32, #tpu.memory_space<hbm>>) target(%arg9 : memref<128x128xf32, #tpu.memory_space<vmem>>) offsets(%dma_start3A_277 : memref<128xi32, #tpu.memory_space<vmem>>) semaphore(%arg15 : memref<!tpu.dma_semaphore, #tpu.memory_space<semaphore_mem>>)
    %get3A_281 = arith.constant 512 : index
    %get3A_282 = tpu.vector_load %arg5[%get3A_281] {strides = array<i32>} : memref<2048xi32, #tpu.memory_space<vmem>>, vector<16xi32>,
    %get3A_283 = vector.shape_cast %get3A_282 : vector<16xi32> to vector<16xi32>
    %add3A_284 = arith.addi %get3A_283, %mul3A_7 : vector<16xi32>
    %swap3A_285 = arith.constant 512 : index
    %swap3A_286 = tpu.vector_load %arg5[%swap3A_285] {strides = array<i32>} : memref<2048xi32, #tpu.memory_space<vmem>>, vector<16xi32>,
    %swap3A_287 = vector.shape_cast %swap3A_286 : vector<16xi32> to vector<16xi32>
    %swap3A_288 = vector.shape_cast %add3A_284 : vector<16xi32> to vector<16xi32>
    tpu.vector_store %arg5[%swap3A_285], %swap3A_288 {strides = array<i32>} : memref<2048xi32, #tpu.memory_space<vmem>>, vector<16xi32>,
    %get3A_289 = arith.constant 528 : index
    %get3A_290 = tpu.vector_load %arg5[%get3A_289] {strides = array<i32>} : memref<2048xi32, #tpu.memory_space<vmem>>, vector<16xi32>,
    %get3A_291 = vector.shape_cast %get3A_290 : vector<16xi32> to vector<16xi32>
    %add3A_292 = arith.addi %get3A_291, %mul3A_7 : vector<16xi32>
    %swap3A_293 = arith.constant 528 : index
    %swap3A_294 = tpu.vector_load %arg5[%swap3A_293] {strides = array<i32>} : memref<2048xi32, #tpu.memory_space<vmem>>, vector<16xi32>,
    %swap3A_295 = vector.shape_cast %swap3A_294 : vector<16xi32> to vector<16xi32>
    %swap3A_296 = vector.shape_cast %add3A_292 : vector<16xi32> to vector<16xi32>
    tpu.vector_store %arg5[%swap3A_293], %swap3A_296 {strides = array<i32>} : memref<2048xi32, #tpu.memory_space<vmem>>, vector<16xi32>,
    %get3A_297 = arith.constant 544 : index
    %get3A_298 = tpu.vector_load %arg5[%get3A_297] {strides = array<i32>} : memref<2048xi32, #tpu.memory_space<vmem>>, vector<16xi32>,
    %get3A_299 = vector.shape_cast %get3A_298 : vector<16xi32> to vector<16xi32>
    %add3A_300 = arith.addi %get3A_299, %mul3A_7 : vector<16xi32>
    %swap3A_301 = arith.constant 544 : index
    %swap3A_302 = tpu.vector_load %arg5[%swap3A_301] {strides = array<i32>} : memref<2048xi32, #tpu.memory_space<vmem>>, vector<16xi32>,
    %swap3A_303 = vector.shape_cast %swap3A_302 : vector<16xi32> to vector<16xi32>
    %swap3A_304 = vector.shape_cast %add3A_300 : vector<16xi32> to vector<16xi32>
    tpu.vector_store %arg5[%swap3A_301], %swap3A_304 {strides = array<i32>} : memref<2048xi32, #tpu.memory_space<vmem>>, vector<16xi32>,
    %get3A_305 = arith.constant 560 : index
    %get3A_306 = tpu.vector_load %arg5[%get3A_305] {strides = array<i32>} : memref<2048xi32, #tpu.memory_space<vmem>>, vector<16xi32>,
    %get3A_307 = vector.shape_cast %get3A_306 : vector<16xi32> to vector<16xi32>
    %add3A_308 = arith.addi %get3A_307, %mul3A_7 : vector<16xi32>
    %swap3A_309 = arith.constant 560 : index
    %swap3A_310 = tpu.vector_load %arg5[%swap3A_309] {strides = array<i32>} : memref<2048xi32, #tpu.memory_space<vmem>>, vector<16xi32>,
    %swap3A_311 = vector.shape_cast %swap3A_310 : vector<16xi32> to vector<16xi32>
    %swap3A_312 = vector.shape_cast %add3A_308 : vector<16xi32> to vector<16xi32>
    tpu.vector_store %arg5[%swap3A_309], %swap3A_312 {strides = array<i32>} : memref<2048xi32, #tpu.memory_space<vmem>>, vector<16xi32>,
    %get3A_313 = arith.constant 576 : index
    %get3A_314 = tpu.vector_load %arg5[%get3A_313] {strides = array<i32>} : memref<2048xi32, #tpu.memory_space<vmem>>, vector<16xi32>,
    %get3A_315 = vector.shape_cast %get3A_314 : vector<16xi32> to vector<16xi32>
    %add3A_316 = arith.addi %get3A_315, %mul3A_7 : vector<16xi32>
    %swap3A_317 = arith.constant 576 : index
    %swap3A_318 = tpu.vector_load %arg5[%swap3A_317] {strides = array<i32>} : memref<2048xi32, #tpu.memory_space<vmem>>, vector<16xi32>,
    %swap3A_319 = vector.shape_cast %swap3A_318 : vector<16xi32> to vector<16xi32>
    %swap3A_320 = vector.shape_cast %add3A_316 : vector<16xi32> to vector<16xi32>
    tpu.vector_store %arg5[%swap3A_317], %swap3A_320 {strides = array<i32>} : memref<2048xi32, #tpu.memory_space<vmem>>, vector<16xi32>,
    %get3A_321 = arith.constant 592 : index
    %get3A_322 = tpu.vector_load %arg5[%get3A_321] {strides = array<i32>} : memref<2048xi32, #tpu.memory_space<vmem>>, vector<16xi32>,
    %get3A_323 = vector.shape_cast %get3A_322 : vector<16xi32> to vector<16xi32>
    %add3A_324 = arith.addi %get3A_323, %mul3A_7 : vector<16xi32>
    %swap3A_325 = arith.constant 592 : index
    %swap3A_326 = tpu.vector_load %arg5[%swap3A_325] {strides = array<i32>} : memref<2048xi32, #tpu.memory_space<vmem>>, vector<16xi32>,
    %swap3A_327 = vector.shape_cast %swap3A_326 : vector<16xi32> to vector<16xi32>
    %swap3A_328 = vector.shape_cast %add3A_324 : vector<16xi32> to vector<16xi32>
    tpu.vector_store %arg5[%swap3A_325], %swap3A_328 {strides = array<i32>} : memref<2048xi32, #tpu.memory_space<vmem>>, vector<16xi32>,
    %get3A_329 = arith.constant 608 : index
    %get3A_330 = tpu.vector_load %arg5[%get3A_329] {strides = array<i32>} : memref<2048xi32, #tpu.memory_space<vmem>>, vector<16xi32>,
    %get3A_331 = vector.shape_cast %get3A_330 : vector<16xi32> to vector<16xi32>
    %add3A_332 = arith.addi %get3A_331, %mul3A_7 : vector<16xi32>
    %swap3A_333 = arith.constant 608 : index
    %swap3A_334 = tpu.vector_load %arg5[%swap3A_333] {strides = array<i32>} : memref<2048xi32, #tpu.memory_space<vmem>>, vector<16xi32>,
    %swap3A_335 = vector.shape_cast %swap3A_334 : vector<16xi32> to vector<16xi32>
    %swap3A_336 = vector.shape_cast %add3A_332 : vector<16xi32> to vector<16xi32>
    tpu.vector_store %arg5[%swap3A_333], %swap3A_336 {strides = array<i32>} : memref<2048xi32, #tpu.memory_space<vmem>>, vector<16xi32>,
    %get3A_337 = arith.constant 624 : index
    %get3A_338 = tpu.vector_load %arg5[%get3A_337] {strides = array<i32>} : memref<2048xi32, #tpu.memory_space<vmem>>, vector<16xi32>,
    %get3A_339 = vector.shape_cast %get3A_338 : vector<16xi32> to vector<16xi32>
    %add3A_340 = arith.addi %get3A_339, %mul3A_7 : vector<16xi32>
    %swap3A_341 = arith.constant 624 : index
    %swap3A_342 = tpu.vector_load %arg5[%swap3A_341] {strides = array<i32>} : memref<2048xi32, #tpu.memory_space<vmem>>, vector<16xi32>,
    %swap3A_343 = vector.shape_cast %swap3A_342 : vector<16xi32> to vector<16xi32>
    %swap3A_344 = vector.shape_cast %add3A_340 : vector<16xi32> to vector<16xi32>
    tpu.vector_store %arg5[%swap3A_341], %swap3A_344 {strides = array<i32>} : memref<2048xi32, #tpu.memory_space<vmem>>, vector<16xi32>,
    %dma_start3A_345 = arith.constant 512 : i32
    %dma_start3A_346 = tpu.memref_slice %arg5[%dma_start3A_345] : memref<2048xi32, #tpu.memory_space<vmem>> -> memref<128xi32, #tpu.memory_space<vmem>>
    %dma_start3A_347 = arith.constant 0 : i32
    %dma_start3A_348 = arith.constant 0 : i32
    %dma_start3A_349 = tpu.memref_slice %arg3[%dma_start3A_347, %dma_start3A_348] : memref<800000x128xf32, #tpu.memory_space<hbm>> -> memref<800000x128xf32, #tpu.memory_space<hbm>>
    tpu.enqueue_indirect_dma source(%dma_start3A_349 : memref<800000x128xf32, #tpu.memory_space<hbm>>) target(%arg10 : memref<128x128xf32, #tpu.memory_space<vmem>>) offsets(%dma_start3A_346 : memref<128xi32, #tpu.memory_space<vmem>>) semaphore(%arg16 : memref<!tpu.dma_semaphore, #tpu.memory_space<semaphore_mem>>)
    %dma_wait3A = arith.constant 0 : i32
    %dma_wait3A_350 = tpu.memref_slice %arg5[%dma_wait3A] : memref<2048xi32, #tpu.memory_space<vmem>> -> memref<128xi32, #tpu.memory_space<vmem>>
    %dma_wait3A_351 = arith.constant 0 : i32
    %dma_wait3A_352 = arith.constant 0 : i32
    %dma_wait3A_353 = tpu.memref_slice %arg3[%dma_wait3A_351, %dma_wait3A_352] : memref<800000x128xf32, #tpu.memory_space<hbm>> -> memref<800000x128xf32, #tpu.memory_space<hbm>>
    tpu.wait_indirect_dma semaphore(%arg12 : memref<!tpu.dma_semaphore, #tpu.memory_space<semaphore_mem>>) src(%dma_wait3A_353 : memref<800000x128xf32, #tpu.memory_space<hbm>>) dst(%arg6 : memref<128x128xf32, #tpu.memory_space<vmem>>)
    %get3A_354 = arith.constant 640 : index
    %get3A_355 = tpu.vector_load %arg5[%get3A_354] {strides = array<i32>} : memref<2048xi32, #tpu.memory_space<vmem>>, vector<16xi32>,
    %get3A_356 = vector.shape_cast %get3A_355 : vector<16xi32> to vector<16xi32>
    %add3A_357 = arith.addi %get3A_356, %mul3A_7 : vector<16xi32>
    %swap3A_358 = arith.constant 640 : index
    %swap3A_359 = tpu.vector_load %arg5[%swap3A_358] {strides = array<i32>} : memref<2048xi32, #tpu.memory_space<vmem>>, vector<16xi32>,
    %swap3A_360 = vector.shape_cast %swap3A_359 : vector<16xi32> to vector<16xi32>
    %swap3A_361 = vector.shape_cast %add3A_357 : vector<16xi32> to vector<16xi32>
    tpu.vector_store %arg5[%swap3A_358], %swap3A_361 {strides = array<i32>} : memref<2048xi32, #tpu.memory_space<vmem>>, vector<16xi32>,
    %get3A_362 = arith.constant 656 : index
    %get3A_363 = tpu.vector_load %arg5[%get3A_362] {strides = array<i32>} : memref<2048xi32, #tpu.memory_space<vmem>>, vector<16xi32>,
    %get3A_364 = vector.shape_cast %get3A_363 : vector<16xi32> to vector<16xi32>
    %add3A_365 = arith.addi %get3A_364, %mul3A_7 : vector<16xi32>
    %swap3A_366 = arith.constant 656 : index
    %swap3A_367 = tpu.vector_load %arg5[%swap3A_366] {strides = array<i32>} : memref<2048xi32, #tpu.memory_space<vmem>>, vector<16xi32>,
    %swap3A_368 = vector.shape_cast %swap3A_367 : vector<16xi32> to vector<16xi32>
    %swap3A_369 = vector.shape_cast %add3A_365 : vector<16xi32> to vector<16xi32>
    tpu.vector_store %arg5[%swap3A_366], %swap3A_369 {strides = array<i32>} : memref<2048xi32, #tpu.memory_space<vmem>>, vector<16xi32>,
    %get3A_370 = arith.constant 672 : index
    %get3A_371 = tpu.vector_load %arg5[%get3A_370] {strides = array<i32>} : memref<2048xi32, #tpu.memory_space<vmem>>, vector<16xi32>,
    %get3A_372 = vector.shape_cast %get3A_371 : vector<16xi32> to vector<16xi32>
    %add3A_373 = arith.addi %get3A_372, %mul3A_7 : vector<16xi32>
    %swap3A_374 = arith.constant 672 : index
    %swap3A_375 = tpu.vector_load %arg5[%swap3A_374] {strides = array<i32>} : memref<2048xi32, #tpu.memory_space<vmem>>, vector<16xi32>,
    %swap3A_376 = vector.shape_cast %swap3A_375 : vector<16xi32> to vector<16xi32>
    %swap3A_377 = vector.shape_cast %add3A_373 : vector<16xi32> to vector<16xi32>
    tpu.vector_store %arg5[%swap3A_374], %swap3A_377 {strides = array<i32>} : memref<2048xi32, #tpu.memory_space<vmem>>, vector<16xi32>,
    %get3A_378 = arith.constant 688 : index
    %get3A_379 = tpu.vector_load %arg5[%get3A_378] {strides = array<i32>} : memref<2048xi32, #tpu.memory_space<vmem>>, vector<16xi32>,
    %get3A_380 = vector.shape_cast %get3A_379 : vector<16xi32> to vector<16xi32>
    %add3A_381 = arith.addi %get3A_380, %mul3A_7 : vector<16xi32>
    %swap3A_382 = arith.constant 688 : index
    %swap3A_383 = tpu.vector_load %arg5[%swap3A_382] {strides = array<i32>} : memref<2048xi32, #tpu.memory_space<vmem>>, vector<16xi32>,
    %swap3A_384 = vector.shape_cast %swap3A_383 : vector<16xi32> to vector<16xi32>
    %swap3A_385 = vector.shape_cast %add3A_381 : vector<16xi32> to vector<16xi32>
    tpu.vector_store %arg5[%swap3A_382], %swap3A_385 {strides = array<i32>} : memref<2048xi32, #tpu.memory_space<vmem>>, vector<16xi32>,
    %get3A_386 = arith.constant 704 : index
    %get3A_387 = tpu.vector_load %arg5[%get3A_386] {strides = array<i32>} : memref<2048xi32, #tpu.memory_space<vmem>>, vector<16xi32>,
    %get3A_388 = vector.shape_cast %get3A_387 : vector<16xi32> to vector<16xi32>
    %add3A_389 = arith.addi %get3A_388, %mul3A_7 : vector<16xi32>
    %swap3A_390 = arith.constant 704 : index
    %swap3A_391 = tpu.vector_load %arg5[%swap3A_390] {strides = array<i32>} : memref<2048xi32, #tpu.memory_space<vmem>>, vector<16xi32>,
    %swap3A_392 = vector.shape_cast %swap3A_391 : vector<16xi32> to vector<16xi32>
    %swap3A_393 = vector.shape_cast %add3A_389 : vector<16xi32> to vector<16xi32>
    tpu.vector_store %arg5[%swap3A_390], %swap3A_393 {strides = array<i32>} : memref<2048xi32, #tpu.memory_space<vmem>>, vector<16xi32>,
    %get3A_394 = arith.constant 720 : index
    %get3A_395 = tpu.vector_load %arg5[%get3A_394] {strides = array<i32>} : memref<2048xi32, #tpu.memory_space<vmem>>, vector<16xi32>,
    %get3A_396 = vector.shape_cast %get3A_395 : vector<16xi32> to vector<16xi32>
    %add3A_397 = arith.addi %get3A_396, %mul3A_7 : vector<16xi32>
    %swap3A_398 = arith.constant 720 : index
    %swap3A_399 = tpu.vector_load %arg5[%swap3A_398] {strides = array<i32>} : memref<2048xi32, #tpu.memory_space<vmem>>, vector<16xi32>,
    %swap3A_400 = vector.shape_cast %swap3A_399 : vector<16xi32> to vector<16xi32>
    %swap3A_401 = vector.shape_cast %add3A_397 : vector<16xi32> to vector<16xi32>
    tpu.vector_store %arg5[%swap3A_398], %swap3A_401 {strides = array<i32>} : memref<2048xi32, #tpu.memory_space<vmem>>, vector<16xi32>,
    %get3A_402 = arith.constant 736 : index
    %get3A_403 = tpu.vector_load %arg5[%get3A_402] {strides = array<i32>} : memref<2048xi32, #tpu.memory_space<vmem>>, vector<16xi32>,
    %get3A_404 = vector.shape_cast %get3A_403 : vector<16xi32> to vector<16xi32>
    %add3A_405 = arith.addi %get3A_404, %mul3A_7 : vector<16xi32>
    %swap3A_406 = arith.constant 736 : index
    %swap3A_407 = tpu.vector_load %arg5[%swap3A_406] {strides = array<i32>} : memref<2048xi32, #tpu.memory_space<vmem>>, vector<16xi32>,
    %swap3A_408 = vector.shape_cast %swap3A_407 : vector<16xi32> to vector<16xi32>
    %swap3A_409 = vector.shape_cast %add3A_405 : vector<16xi32> to vector<16xi32>
    tpu.vector_store %arg5[%swap3A_406], %swap3A_409 {strides = array<i32>} : memref<2048xi32, #tpu.memory_space<vmem>>, vector<16xi32>,
    %get3A_410 = arith.constant 752 : index
    %get3A_411 = tpu.vector_load %arg5[%get3A_410] {strides = array<i32>} : memref<2048xi32, #tpu.memory_space<vmem>>, vector<16xi32>,
    %get3A_412 = vector.shape_cast %get3A_411 : vector<16xi32> to vector<16xi32>
    %add3A_413 = arith.addi %get3A_412, %mul3A_7 : vector<16xi32>
    %swap3A_414 = arith.constant 752 : index
    %swap3A_415 = tpu.vector_load %arg5[%swap3A_414] {strides = array<i32>} : memref<2048xi32, #tpu.memory_space<vmem>>, vector<16xi32>,
    %swap3A_416 = vector.shape_cast %swap3A_415 : vector<16xi32> to vector<16xi32>
    %swap3A_417 = vector.shape_cast %add3A_413 : vector<16xi32> to vector<16xi32>
    tpu.vector_store %arg5[%swap3A_414], %swap3A_417 {strides = array<i32>} : memref<2048xi32, #tpu.memory_space<vmem>>, vector<16xi32>,
    %dma_start3A_418 = arith.constant 640 : i32
    %dma_start3A_419 = tpu.memref_slice %arg5[%dma_start3A_418] : memref<2048xi32, #tpu.memory_space<vmem>> -> memref<128xi32, #tpu.memory_space<vmem>>
    %dma_start3A_420 = arith.constant 0 : i32
    %dma_start3A_421 = arith.constant 0 : i32
    %dma_start3A_422 = tpu.memref_slice %arg3[%dma_start3A_420, %dma_start3A_421] : memref<800000x128xf32, #tpu.memory_space<hbm>> -> memref<800000x128xf32, #tpu.memory_space<hbm>>
    tpu.enqueue_indirect_dma source(%dma_start3A_422 : memref<800000x128xf32, #tpu.memory_space<hbm>>) target(%arg11 : memref<128x128xf32, #tpu.memory_space<vmem>>) offsets(%dma_start3A_419 : memref<128xi32, #tpu.memory_space<vmem>>) semaphore(%arg17 : memref<!tpu.dma_semaphore, #tpu.memory_space<semaphore_mem>>)
    %dma_start3A_423 = arith.constant 0 : i32
    %dma_start3A_424 = arith.constant 0 : i32
    %dma_start3A_425 = arith.constant 0 : i32
    %dma_start3A_426 = tpu.memref_slice %arg4[%add3A, %dma_start3A_423, %dma_start3A_424, %dma_start3A_425] : memref<32x16x128x128xf32, #tpu.memory_space<hbm>> -> memref<1x1x128x128xf32, #tpu.memory_space<hbm>>
    %dma_start3A_427 = tpu.memref_squeeze %dma_start3A_426 : memref<1x1x128x128xf32, #tpu.memory_space<hbm>> -> memref<128x128xf32, #tpu.memory_space<hbm>>
    %dma_start3A_428 = arith.constant 0 : i32
    %dma_start3A_429 = arith.constant 0 : i32
    %dma_start3A_430 = tpu.memref_slice %arg4[%add3A, %dma_start3A_423, %dma_start3A_428, %dma_start3A_429] : memref<32x16x128x128xf32, #tpu.memory_space<hbm>> -> memref<1x1x128x128xf32, #tpu.memory_space<hbm>>
    %dma_start3A_431 = tpu.memref_squeeze %dma_start3A_430 : memref<1x1x128x128xf32, #tpu.memory_space<hbm>> -> memref<128x128xf32, #tpu.memory_space<hbm>>
    tpu.enqueue_dma source(%arg6 : memref<128x128xf32, #tpu.memory_space<vmem>>) target(%dma_start3A_431 : memref<128x128xf32, #tpu.memory_space<hbm>>) target_semaphore(%arg18 : memref<!tpu.dma_semaphore, #tpu.memory_space<semaphore_mem>>)
    %dma_wait3A_432 = arith.constant 128 : i32
    %dma_wait3A_433 = tpu.memref_slice %arg5[%dma_wait3A_432] : memref<2048xi32, #tpu.memory_space<vmem>> -> memref<128xi32, #tpu.memory_space<vmem>>
    %dma_wait3A_434 = arith.constant 0 : i32
    %dma_wait3A_435 = arith.constant 0 : i32
    %dma_wait3A_436 = tpu.memref_slice %arg3[%dma_wait3A_434, %dma_wait3A_435] : memref<800000x128xf32, #tpu.memory_space<hbm>> -> memref<800000x128xf32, #tpu.memory_space<hbm>>
    tpu.wait_indirect_dma semaphore(%arg13 : memref<!tpu.dma_semaphore, #tpu.memory_space<semaphore_mem>>) src(%dma_wait3A_436 : memref<800000x128xf32, #tpu.memory_space<hbm>>) dst(%arg7 : memref<128x128xf32, #tpu.memory_space<vmem>>)
    %dma_wait3A_437 = arith.constant 0 : i32
    %dma_wait3A_438 = arith.constant 0 : i32
    %dma_wait3A_439 = arith.constant 0 : i32
    %dma_wait3A_440 = tpu.memref_slice %arg4[%add3A, %dma_wait3A_437, %dma_wait3A_438, %dma_wait3A_439] : memref<32x16x128x128xf32, #tpu.memory_space<hbm>> -> memref<1x1x128x128xf32, #tpu.memory_space<hbm>>
    %dma_wait3A_441 = tpu.memref_squeeze %dma_wait3A_440 : memref<1x1x128x128xf32, #tpu.memory_space<hbm>> -> memref<128x128xf32, #tpu.memory_space<hbm>>
    %dma_wait3A_442 = arith.constant 0 : i32
    %dma_wait3A_443 = arith.constant 0 : i32
    %dma_wait3A_444 = tpu.memref_slice %arg4[%add3A, %dma_wait3A_437, %dma_wait3A_442, %dma_wait3A_443] : memref<32x16x128x128xf32, #tpu.memory_space<hbm>> -> memref<1x1x128x128xf32, #tpu.memory_space<hbm>>
    %dma_wait3A_445 = tpu.memref_squeeze %dma_wait3A_444 : memref<1x1x128x128xf32, #tpu.memory_space<hbm>> -> memref<128x128xf32, #tpu.memory_space<hbm>>
    tpu.wait_dma2 semaphore(%arg18 : memref<!tpu.dma_semaphore, #tpu.memory_space<semaphore_mem>>) src(%arg6 : memref<128x128xf32, #tpu.memory_space<vmem>>) dst(%dma_wait3A_445 : memref<128x128xf32, #tpu.memory_space<hbm>>)
    %get3A_446 = arith.constant 768 : index
    %get3A_447 = tpu.vector_load %arg5[%get3A_446] {strides = array<i32>} : memref<2048xi32, #tpu.memory_space<vmem>>, vector<16xi32>,
    %get3A_448 = vector.shape_cast %get3A_447 : vector<16xi32> to vector<16xi32>
    %add3A_449 = arith.addi %get3A_448, %mul3A_7 : vector<16xi32>
    %swap3A_450 = arith.constant 768 : index
    %swap3A_451 = tpu.vector_load %arg5[%swap3A_450] {strides = array<i32>} : memref<2048xi32, #tpu.memory_space<vmem>>, vector<16xi32>,
    %swap3A_452 = vector.shape_cast %swap3A_451 : vector<16xi32> to vector<16xi32>
    %swap3A_453 = vector.shape_cast %add3A_449 : vector<16xi32> to vector<16xi32>
    tpu.vector_store %arg5[%swap3A_450], %swap3A_453 {strides = array<i32>} : memref<2048xi32, #tpu.memory_space<vmem>>, vector<16xi32>,
    %get3A_454 = arith.constant 784 : index
    %get3A_455 = tpu.vector_load %arg5[%get3A_454] {strides = array<i32>} : memref<2048xi32, #tpu.memory_space<vmem>>, vector<16xi32>,
    %get3A_456 = vector.shape_cast %get3A_455 : vector<16xi32> to vector<16xi32>
    %add3A_457 = arith.addi %get3A_456, %mul3A_7 : vector<16xi32>
    %swap3A_458 = arith.constant 784 : index
    %swap3A_459 = tpu.vector_load %arg5[%swap3A_458] {strides = array<i32>} : memref<2048xi32, #tpu.memory_space<vmem>>, vector<16xi32>,
    %swap3A_460 = vector.shape_cast %swap3A_459 : vector<16xi32> to vector<16xi32>
    %swap3A_461 = vector.shape_cast %add3A_457 : vector<16xi32> to vector<16xi32>
    tpu.vector_store %arg5[%swap3A_458], %swap3A_461 {strides = array<i32>} : memref<2048xi32, #tpu.memory_space<vmem>>, vector<16xi32>,
    %get3A_462 = arith.constant 800 : index
    %get3A_463 = tpu.vector_load %arg5[%get3A_462] {strides = array<i32>} : memref<2048xi32, #tpu.memory_space<vmem>>, vector<16xi32>,
    %get3A_464 = vector.shape_cast %get3A_463 : vector<16xi32> to vector<16xi32>
    %add3A_465 = arith.addi %get3A_464, %mul3A_7 : vector<16xi32>
    %swap3A_466 = arith.constant 800 : index
    %swap3A_467 = tpu.vector_load %arg5[%swap3A_466] {strides = array<i32>} : memref<2048xi32, #tpu.memory_space<vmem>>, vector<16xi32>,
    %swap3A_468 = vector.shape_cast %swap3A_467 : vector<16xi32> to vector<16xi32>
    %swap3A_469 = vector.shape_cast %add3A_465 : vector<16xi32> to vector<16xi32>
    tpu.vector_store %arg5[%swap3A_466], %swap3A_469 {strides = array<i32>} : memref<2048xi32, #tpu.memory_space<vmem>>, vector<16xi32>,
    %get3A_470 = arith.constant 816 : index
    %get3A_471 = tpu.vector_load %arg5[%get3A_470] {strides = array<i32>} : memref<2048xi32, #tpu.memory_space<vmem>>, vector<16xi32>,
    %get3A_472 = vector.shape_cast %get3A_471 : vector<16xi32> to vector<16xi32>
    %add3A_473 = arith.addi %get3A_472, %mul3A_7 : vector<16xi32>
    %swap3A_474 = arith.constant 816 : index
    %swap3A_475 = tpu.vector_load %arg5[%swap3A_474] {strides = array<i32>} : memref<2048xi32, #tpu.memory_space<vmem>>, vector<16xi32>,
    %swap3A_476 = vector.shape_cast %swap3A_475 : vector<16xi32> to vector<16xi32>
    %swap3A_477 = vector.shape_cast %add3A_473 : vector<16xi32> to vector<16xi32>
    tpu.vector_store %arg5[%swap3A_474], %swap3A_477 {strides = array<i32>} : memref<2048xi32, #tpu.memory_space<vmem>>, vector<16xi32>,
    %get3A_478 = arith.constant 832 : index
    %get3A_479 = tpu.vector_load %arg5[%get3A_478] {strides = array<i32>} : memref<2048xi32, #tpu.memory_space<vmem>>, vector<16xi32>,
    %get3A_480 = vector.shape_cast %get3A_479 : vector<16xi32> to vector<16xi32>
    %add3A_481 = arith.addi %get3A_480, %mul3A_7 : vector<16xi32>
    %swap3A_482 = arith.constant 832 : index
    %swap3A_483 = tpu.vector_load %arg5[%swap3A_482] {strides = array<i32>} : memref<2048xi32, #tpu.memory_space<vmem>>, vector<16xi32>,
    %swap3A_484 = vector.shape_cast %swap3A_483 : vector<16xi32> to vector<16xi32>
    %swap3A_485 = vector.shape_cast %add3A_481 : vector<16xi32> to vector<16xi32>
    tpu.vector_store %arg5[%swap3A_482], %swap3A_485 {strides = array<i32>} : memref<2048xi32, #tpu.memory_space<vmem>>, vector<16xi32>,
    %get3A_486 = arith.constant 848 : index
    %get3A_487 = tpu.vector_load %arg5[%get3A_486] {strides = array<i32>} : memref<2048xi32, #tpu.memory_space<vmem>>, vector<16xi32>,
    %get3A_488 = vector.shape_cast %get3A_487 : vector<16xi32> to vector<16xi32>
    %add3A_489 = arith.addi %get3A_488, %mul3A_7 : vector<16xi32>
    %swap3A_490 = arith.constant 848 : index
    %swap3A_491 = tpu.vector_load %arg5[%swap3A_490] {strides = array<i32>} : memref<2048xi32, #tpu.memory_space<vmem>>, vector<16xi32>,
    %swap3A_492 = vector.shape_cast %swap3A_491 : vector<16xi32> to vector<16xi32>
    %swap3A_493 = vector.shape_cast %add3A_489 : vector<16xi32> to vector<16xi32>
    tpu.vector_store %arg5[%swap3A_490], %swap3A_493 {strides = array<i32>} : memref<2048xi32, #tpu.memory_space<vmem>>, vector<16xi32>,
    %get3A_494 = arith.constant 864 : index
    %get3A_495 = tpu.vector_load %arg5[%get3A_494] {strides = array<i32>} : memref<2048xi32, #tpu.memory_space<vmem>>, vector<16xi32>,
    %get3A_496 = vector.shape_cast %get3A_495 : vector<16xi32> to vector<16xi32>
    %add3A_497 = arith.addi %get3A_496, %mul3A_7 : vector<16xi32>
    %swap3A_498 = arith.constant 864 : index
    %swap3A_499 = tpu.vector_load %arg5[%swap3A_498] {strides = array<i32>} : memref<2048xi32, #tpu.memory_space<vmem>>, vector<16xi32>,
    %swap3A_500 = vector.shape_cast %swap3A_499 : vector<16xi32> to vector<16xi32>
    %swap3A_501 = vector.shape_cast %add3A_497 : vector<16xi32> to vector<16xi32>
    tpu.vector_store %arg5[%swap3A_498], %swap3A_501 {strides = array<i32>} : memref<2048xi32, #tpu.memory_space<vmem>>, vector<16xi32>,
    %get3A_502 = arith.constant 880 : index
    %get3A_503 = tpu.vector_load %arg5[%get3A_502] {strides = array<i32>} : memref<2048xi32, #tpu.memory_space<vmem>>, vector<16xi32>,
    %get3A_504 = vector.shape_cast %get3A_503 : vector<16xi32> to vector<16xi32>
    %add3A_505 = arith.addi %get3A_504, %mul3A_7 : vector<16xi32>
    %swap3A_506 = arith.constant 880 : index
    %swap3A_507 = tpu.vector_load %arg5[%swap3A_506] {strides = array<i32>} : memref<2048xi32, #tpu.memory_space<vmem>>, vector<16xi32>,
    %swap3A_508 = vector.shape_cast %swap3A_507 : vector<16xi32> to vector<16xi32>
    %swap3A_509 = vector.shape_cast %add3A_505 : vector<16xi32> to vector<16xi32>
    tpu.vector_store %arg5[%swap3A_506], %swap3A_509 {strides = array<i32>} : memref<2048xi32, #tpu.memory_space<vmem>>, vector<16xi32>,
    %dma_start3A_510 = arith.constant 768 : i32
    %dma_start3A_511 = tpu.memref_slice %arg5[%dma_start3A_510] : memref<2048xi32, #tpu.memory_space<vmem>> -> memref<128xi32, #tpu.memory_space<vmem>>
    %dma_start3A_512 = arith.constant 0 : i32
    %dma_start3A_513 = arith.constant 0 : i32
    %dma_start3A_514 = tpu.memref_slice %arg3[%dma_start3A_512, %dma_start3A_513] : memref<800000x128xf32, #tpu.memory_space<hbm>> -> memref<800000x128xf32, #tpu.memory_space<hbm>>
    tpu.enqueue_indirect_dma source(%dma_start3A_514 : memref<800000x128xf32, #tpu.memory_space<hbm>>) target(%arg6 : memref<128x128xf32, #tpu.memory_space<vmem>>) offsets(%dma_start3A_511 : memref<128xi32, #tpu.memory_space<vmem>>) semaphore(%arg12 : memref<!tpu.dma_semaphore, #tpu.memory_space<semaphore_mem>>)
    %dma_start3A_515 = arith.constant 1 : i32
    %dma_start3A_516 = arith.constant 0 : i32
    %dma_start3A_517 = arith.constant 0 : i32
    %dma_start3A_518 = tpu.memref_slice %arg4[%add3A, %dma_start3A_515, %dma_start3A_516, %dma_start3A_517] : memref<32x16x128x128xf32, #tpu.memory_space<hbm>> -> memref<1x1x128x128xf32, #tpu.memory_space<hbm>>
    %dma_start3A_519 = tpu.memref_squeeze %dma_start3A_518 : memref<1x1x128x128xf32, #tpu.memory_space<hbm>> -> memref<128x128xf32, #tpu.memory_space<hbm>>
    %dma_start3A_520 = arith.constant 0 : i32
    %dma_start3A_521 = arith.constant 0 : i32
    %dma_start3A_522 = tpu.memref_slice %arg4[%add3A, %dma_start3A_515, %dma_start3A_520, %dma_start3A_521] : memref<32x16x128x128xf32, #tpu.memory_space<hbm>> -> memref<1x1x128x128xf32, #tpu.memory_space<hbm>>
    %dma_start3A_523 = tpu.memref_squeeze %dma_start3A_522 : memref<1x1x128x128xf32, #tpu.memory_space<hbm>> -> memref<128x128xf32, #tpu.memory_space<hbm>>
    tpu.enqueue_dma source(%arg7 : memref<128x128xf32, #tpu.memory_space<vmem>>) target(%dma_start3A_523 : memref<128x128xf32, #tpu.memory_space<hbm>>) target_semaphore(%arg19 : memref<!tpu.dma_semaphore, #tpu.memory_space<semaphore_mem>>)
    %dma_wait3A_524 = arith.constant 256 : i32
    %dma_wait3A_525 = tpu.memref_slice %arg5[%dma_wait3A_524] : memref<2048xi32, #tpu.memory_space<vmem>> -> memref<128xi32, #tpu.memory_space<vmem>>
    %dma_wait3A_526 = arith.constant 0 : i32
    %dma_wait3A_527 = arith.constant 0 : i32
    %dma_wait3A_528 = tpu.memref_slice %arg3[%dma_wait3A_526, %dma_wait3A_527] : memref<800000x128xf32, #tpu.memory_space<hbm>> -> memref<800000x128xf32, #tpu.memory_space<hbm>>
    tpu.wait_indirect_dma semaphore(%arg14 : memref<!tpu.dma_semaphore, #tpu.memory_space<semaphore_mem>>) src(%dma_wait3A_528 : memref<800000x128xf32, #tpu.memory_space<hbm>>) dst(%arg8 : memref<128x128xf32, #tpu.memory_space<vmem>>)
    %dma_wait3A_529 = arith.constant 1 : i32
    %dma_wait3A_530 = arith.constant 0 : i32
    %dma_wait3A_531 = arith.constant 0 : i32
    %dma_wait3A_532 = tpu.memref_slice %arg4[%add3A, %dma_wait3A_529, %dma_wait3A_530, %dma_wait3A_531] : memref<32x16x128x128xf32, #tpu.memory_space<hbm>> -> memref<1x1x128x128xf32, #tpu.memory_space<hbm>>
    %dma_wait3A_533 = tpu.memref_squeeze %dma_wait3A_532 : memref<1x1x128x128xf32, #tpu.memory_space<hbm>> -> memref<128x128xf32, #tpu.memory_space<hbm>>
    %dma_wait3A_534 = arith.constant 0 : i32
    %dma_wait3A_535 = arith.constant 0 : i32
    %dma_wait3A_536 = tpu.memref_slice %arg4[%add3A, %dma_wait3A_529, %dma_wait3A_534, %dma_wait3A_535] : memref<32x16x128x128xf32, #tpu.memory_space<hbm>> -> memref<1x1x128x128xf32, #tpu.memory_space<hbm>>
    %dma_wait3A_537 = tpu.memref_squeeze %dma_wait3A_536 : memref<1x1x128x128xf32, #tpu.memory_space<hbm>> -> memref<128x128xf32, #tpu.memory_space<hbm>>
    tpu.wait_dma2 semaphore(%arg19 : memref<!tpu.dma_semaphore, #tpu.memory_space<semaphore_mem>>) src(%arg7 : memref<128x128xf32, #tpu.memory_space<vmem>>) dst(%dma_wait3A_537 : memref<128x128xf32, #tpu.memory_space<hbm>>)
    %get3A_538 = arith.constant 896 : index
    %get3A_539 = tpu.vector_load %arg5[%get3A_538] {strides = array<i32>} : memref<2048xi32, #tpu.memory_space<vmem>>, vector<16xi32>,
    %get3A_540 = vector.shape_cast %get3A_539 : vector<16xi32> to vector<16xi32>
    %add3A_541 = arith.addi %get3A_540, %mul3A_7 : vector<16xi32>
    %swap3A_542 = arith.constant 896 : index
    %swap3A_543 = tpu.vector_load %arg5[%swap3A_542] {strides = array<i32>} : memref<2048xi32, #tpu.memory_space<vmem>>, vector<16xi32>,
    %swap3A_544 = vector.shape_cast %swap3A_543 : vector<16xi32> to vector<16xi32>
    %swap3A_545 = vector.shape_cast %add3A_541 : vector<16xi32> to vector<16xi32>
    tpu.vector_store %arg5[%swap3A_542], %swap3A_545 {strides = array<i32>} : memref<2048xi32, #tpu.memory_space<vmem>>, vector<16xi32>,
    %get3A_546 = arith.constant 912 : index
    %get3A_547 = tpu.vector_load %arg5[%get3A_546] {strides = array<i32>} : memref<2048xi32, #tpu.memory_space<vmem>>, vector<16xi32>,
    %get3A_548 = vector.shape_cast %get3A_547 : vector<16xi32> to vector<16xi32>
    %add3A_549 = arith.addi %get3A_548, %mul3A_7 : vector<16xi32>
    %swap3A_550 = arith.constant 912 : index
    %swap3A_551 = tpu.vector_load %arg5[%swap3A_550] {strides = array<i32>} : memref<2048xi32, #tpu.memory_space<vmem>>, vector<16xi32>,
    %swap3A_552 = vector.shape_cast %swap3A_551 : vector<16xi32> to vector<16xi32>
    %swap3A_553 = vector.shape_cast %add3A_549 : vector<16xi32> to vector<16xi32>
    tpu.vector_store %arg5[%swap3A_550], %swap3A_553 {strides = array<i32>} : memref<2048xi32, #tpu.memory_space<vmem>>, vector<16xi32>,
    %get3A_554 = arith.constant 928 : index
    %get3A_555 = tpu.vector_load %arg5[%get3A_554] {strides = array<i32>} : memref<2048xi32, #tpu.memory_space<vmem>>, vector<16xi32>,
    %get3A_556 = vector.shape_cast %get3A_555 : vector<16xi32> to vector<16xi32>
    %add3A_557 = arith.addi %get3A_556, %mul3A_7 : vector<16xi32>
    %swap3A_558 = arith.constant 928 : index
    %swap3A_559 = tpu.vector_load %arg5[%swap3A_558] {strides = array<i32>} : memref<2048xi32, #tpu.memory_space<vmem>>, vector<16xi32>,
    %swap3A_560 = vector.shape_cast %swap3A_559 : vector<16xi32> to vector<16xi32>
    %swap3A_561 = vector.shape_cast %add3A_557 : vector<16xi32> to vector<16xi32>
    tpu.vector_store %arg5[%swap3A_558], %swap3A_561 {strides = array<i32>} : memref<2048xi32, #tpu.memory_space<vmem>>, vector<16xi32>,
    %get3A_562 = arith.constant 944 : index
    %get3A_563 = tpu.vector_load %arg5[%get3A_562] {strides = array<i32>} : memref<2048xi32, #tpu.memory_space<vmem>>, vector<16xi32>,
    %get3A_564 = vector.shape_cast %get3A_563 : vector<16xi32> to vector<16xi32>
    %add3A_565 = arith.addi %get3A_564, %mul3A_7 : vector<16xi32>
    %swap3A_566 = arith.constant 944 : index
    %swap3A_567 = tpu.vector_load %arg5[%swap3A_566] {strides = array<i32>} : memref<2048xi32, #tpu.memory_space<vmem>>, vector<16xi32>,
    %swap3A_568 = vector.shape_cast %swap3A_567 : vector<16xi32> to vector<16xi32>
    %swap3A_569 = vector.shape_cast %add3A_565 : vector<16xi32> to vector<16xi32>
    tpu.vector_store %arg5[%swap3A_566], %swap3A_569 {strides = array<i32>} : memref<2048xi32, #tpu.memory_space<vmem>>, vector<16xi32>,
    %get3A_570 = arith.constant 960 : index
    %get3A_571 = tpu.vector_load %arg5[%get3A_570] {strides = array<i32>} : memref<2048xi32, #tpu.memory_space<vmem>>, vector<16xi32>,
    %get3A_572 = vector.shape_cast %get3A_571 : vector<16xi32> to vector<16xi32>
    %add3A_573 = arith.addi %get3A_572, %mul3A_7 : vector<16xi32>
    %swap3A_574 = arith.constant 960 : index
    %swap3A_575 = tpu.vector_load %arg5[%swap3A_574] {strides = array<i32>} : memref<2048xi32, #tpu.memory_space<vmem>>, vector<16xi32>,
    %swap3A_576 = vector.shape_cast %swap3A_575 : vector<16xi32> to vector<16xi32>
    %swap3A_577 = vector.shape_cast %add3A_573 : vector<16xi32> to vector<16xi32>
    tpu.vector_store %arg5[%swap3A_574], %swap3A_577 {strides = array<i32>} : memref<2048xi32, #tpu.memory_space<vmem>>, vector<16xi32>,
    %get3A_578 = arith.constant 976 : index
    %get3A_579 = tpu.vector_load %arg5[%get3A_578] {strides = array<i32>} : memref<2048xi32, #tpu.memory_space<vmem>>, vector<16xi32>,
    %get3A_580 = vector.shape_cast %get3A_579 : vector<16xi32> to vector<16xi32>
    %add3A_581 = arith.addi %get3A_580, %mul3A_7 : vector<16xi32>
    %swap3A_582 = arith.constant 976 : index
    %swap3A_583 = tpu.vector_load %arg5[%swap3A_582] {strides = array<i32>} : memref<2048xi32, #tpu.memory_space<vmem>>, vector<16xi32>,
    %swap3A_584 = vector.shape_cast %swap3A_583 : vector<16xi32> to vector<16xi32>
    %swap3A_585 = vector.shape_cast %add3A_581 : vector<16xi32> to vector<16xi32>
    tpu.vector_store %arg5[%swap3A_582], %swap3A_585 {strides = array<i32>} : memref<2048xi32, #tpu.memory_space<vmem>>, vector<16xi32>,
    %get3A_586 = arith.constant 992 : index
    %get3A_587 = tpu.vector_load %arg5[%get3A_586] {strides = array<i32>} : memref<2048xi32, #tpu.memory_space<vmem>>, vector<16xi32>,
    %get3A_588 = vector.shape_cast %get3A_587 : vector<16xi32> to vector<16xi32>
    %add3A_589 = arith.addi %get3A_588, %mul3A_7 : vector<16xi32>
    %swap3A_590 = arith.constant 992 : index
    %swap3A_591 = tpu.vector_load %arg5[%swap3A_590] {strides = array<i32>} : memref<2048xi32, #tpu.memory_space<vmem>>, vector<16xi32>,
    %swap3A_592 = vector.shape_cast %swap3A_591 : vector<16xi32> to vector<16xi32>
    %swap3A_593 = vector.shape_cast %add3A_589 : vector<16xi32> to vector<16xi32>
    tpu.vector_store %arg5[%swap3A_590], %swap3A_593 {strides = array<i32>} : memref<2048xi32, #tpu.memory_space<vmem>>, vector<16xi32>,
    %get3A_594 = arith.constant 1008 : index
    %get3A_595 = tpu.vector_load %arg5[%get3A_594] {strides = array<i32>} : memref<2048xi32, #tpu.memory_space<vmem>>, vector<16xi32>,
    %get3A_596 = vector.shape_cast %get3A_595 : vector<16xi32> to vector<16xi32>
    %add3A_597 = arith.addi %get3A_596, %mul3A_7 : vector<16xi32>
    %swap3A_598 = arith.constant 1008 : index
    %swap3A_599 = tpu.vector_load %arg5[%swap3A_598] {strides = array<i32>} : memref<2048xi32, #tpu.memory_space<vmem>>, vector<16xi32>,
    %swap3A_600 = vector.shape_cast %swap3A_599 : vector<16xi32> to vector<16xi32>
    %swap3A_601 = vector.shape_cast %add3A_597 : vector<16xi32> to vector<16xi32>
    tpu.vector_store %arg5[%swap3A_598], %swap3A_601 {strides = array<i32>} : memref<2048xi32, #tpu.memory_space<vmem>>, vector<16xi32>,
    %dma_start3A_602 = arith.constant 896 : i32
    %dma_start3A_603 = tpu.memref_slice %arg5[%dma_start3A_602] : memref<2048xi32, #tpu.memory_space<vmem>> -> memref<128xi32, #tpu.memory_space<vmem>>
    %dma_start3A_604 = arith.constant 0 : i32
    %dma_start3A_605 = arith.constant 0 : i32
    %dma_start3A_606 = tpu.memref_slice %arg3[%dma_start3A_604, %dma_start3A_605] : memref<800000x128xf32, #tpu.memory_space<hbm>> -> memref<800000x128xf32, #tpu.memory_space<hbm>>
    tpu.enqueue_indirect_dma source(%dma_start3A_606 : memref<800000x128xf32, #tpu.memory_space<hbm>>) target(%arg7 : memref<128x128xf32, #tpu.memory_space<vmem>>) offsets(%dma_start3A_603 : memref<128xi32, #tpu.memory_space<vmem>>) semaphore(%arg13 : memref<!tpu.dma_semaphore, #tpu.memory_space<semaphore_mem>>)
    %dma_start3A_607 = arith.constant 2 : i32
    %dma_start3A_608 = arith.constant 0 : i32
    %dma_start3A_609 = arith.constant 0 : i32
    %dma_start3A_610 = tpu.memref_slice %arg4[%add3A, %dma_start3A_607, %dma_start3A_608, %dma_start3A_609] : memref<32x16x128x128xf32, #tpu.memory_space<hbm>> -> memref<1x1x128x128xf32, #tpu.memory_space<hbm>>
    %dma_start3A_611 = tpu.memref_squeeze %dma_start3A_610 : memref<1x1x128x128xf32, #tpu.memory_space<hbm>> -> memref<128x128xf32, #tpu.memory_space<hbm>>
    %dma_start3A_612 = arith.constant 0 : i32
    %dma_start3A_613 = arith.constant 0 : i32
    %dma_start3A_614 = tpu.memref_slice %arg4[%add3A, %dma_start3A_607, %dma_start3A_612, %dma_start3A_613] : memref<32x16x128x128xf32, #tpu.memory_space<hbm>> -> memref<1x1x128x128xf32, #tpu.memory_space<hbm>>
    %dma_start3A_615 = tpu.memref_squeeze %dma_start3A_614 : memref<1x1x128x128xf32, #tpu.memory_space<hbm>> -> memref<128x128xf32, #tpu.memory_space<hbm>>
    tpu.enqueue_dma source(%arg8 : memref<128x128xf32, #tpu.memory_space<vmem>>) target(%dma_start3A_615 : memref<128x128xf32, #tpu.memory_space<hbm>>) target_semaphore(%arg20 : memref<!tpu.dma_semaphore, #tpu.memory_space<semaphore_mem>>)
    %dma_wait3A_616 = arith.constant 384 : i32
    %dma_wait3A_617 = tpu.memref_slice %arg5[%dma_wait3A_616] : memref<2048xi32, #tpu.memory_space<vmem>> -> memref<128xi32, #tpu.memory_space<vmem>>
    %dma_wait3A_618 = arith.constant 0 : i32
    %dma_wait3A_619 = arith.constant 0 : i32
    %dma_wait3A_620 = tpu.memref_slice %arg3[%dma_wait3A_618, %dma_wait3A_619] : memref<800000x128xf32, #tpu.memory_space<hbm>> -> memref<800000x128xf32, #tpu.memory_space<hbm>>
    tpu.wait_indirect_dma semaphore(%arg15 : memref<!tpu.dma_semaphore, #tpu.memory_space<semaphore_mem>>) src(%dma_wait3A_620 : memref<800000x128xf32, #tpu.memory_space<hbm>>) dst(%arg9 : memref<128x128xf32, #tpu.memory_space<vmem>>)
    %dma_wait3A_621 = arith.constant 2 : i32
    %dma_wait3A_622 = arith.constant 0 : i32
    %dma_wait3A_623 = arith.constant 0 : i32
    %dma_wait3A_624 = tpu.memref_slice %arg4[%add3A, %dma_wait3A_621, %dma_wait3A_622, %dma_wait3A_623] : memref<32x16x128x128xf32, #tpu.memory_space<hbm>> -> memref<1x1x128x128xf32, #tpu.memory_space<hbm>>
    %dma_wait3A_625 = tpu.memref_squeeze %dma_wait3A_624 : memref<1x1x128x128xf32, #tpu.memory_space<hbm>> -> memref<128x128xf32, #tpu.memory_space<hbm>>
    %dma_wait3A_626 = arith.constant 0 : i32
    %dma_wait3A_627 = arith.constant 0 : i32
    %dma_wait3A_628 = tpu.memref_slice %arg4[%add3A, %dma_wait3A_621, %dma_wait3A_626, %dma_wait3A_627] : memref<32x16x128x128xf32, #tpu.memory_space<hbm>> -> memref<1x1x128x128xf32, #tpu.memory_space<hbm>>
    %dma_wait3A_629 = tpu.memref_squeeze %dma_wait3A_628 : memref<1x1x128x128xf32, #tpu.memory_space<hbm>> -> memref<128x128xf32, #tpu.memory_space<hbm>>
    tpu.wait_dma2 semaphore(%arg20 : memref<!tpu.dma_semaphore, #tpu.memory_space<semaphore_mem>>) src(%arg8 : memref<128x128xf32, #tpu.memory_space<vmem>>) dst(%dma_wait3A_629 : memref<128x128xf32, #tpu.memory_space<hbm>>)
    %get3A_630 = arith.constant 1024 : index
    %get3A_631 = tpu.vector_load %arg5[%get3A_630] {strides = array<i32>} : memref<2048xi32, #tpu.memory_space<vmem>>, vector<16xi32>,
    %get3A_632 = vector.shape_cast %get3A_631 : vector<16xi32> to vector<16xi32>
    %add3A_633 = arith.addi %get3A_632, %mul3A_7 : vector<16xi32>
    %swap3A_634 = arith.constant 1024 : index
    %swap3A_635 = tpu.vector_load %arg5[%swap3A_634] {strides = array<i32>} : memref<2048xi32, #tpu.memory_space<vmem>>, vector<16xi32>,
    %swap3A_636 = vector.shape_cast %swap3A_635 : vector<16xi32> to vector<16xi32>
    %swap3A_637 = vector.shape_cast %add3A_633 : vector<16xi32> to vector<16xi32>
    tpu.vector_store %arg5[%swap3A_634], %swap3A_637 {strides = array<i32>} : memref<2048xi32, #tpu.memory_space<vmem>>, vector<16xi32>,
    %get3A_638 = arith.constant 1040 : index
    %get3A_639 = tpu.vector_load %arg5[%get3A_638] {strides = array<i32>} : memref<2048xi32, #tpu.memory_space<vmem>>, vector<16xi32>,
    %get3A_640 = vector.shape_cast %get3A_639 : vector<16xi32> to vector<16xi32>
    %add3A_641 = arith.addi %get3A_640, %mul3A_7 : vector<16xi32>
    %swap3A_642 = arith.constant 1040 : index
    %swap3A_643 = tpu.vector_load %arg5[%swap3A_642] {strides = array<i32>} : memref<2048xi32, #tpu.memory_space<vmem>>, vector<16xi32>,
    %swap3A_644 = vector.shape_cast %swap3A_643 : vector<16xi32> to vector<16xi32>
    %swap3A_645 = vector.shape_cast %add3A_641 : vector<16xi32> to vector<16xi32>
    tpu.vector_store %arg5[%swap3A_642], %swap3A_645 {strides = array<i32>} : memref<2048xi32, #tpu.memory_space<vmem>>, vector<16xi32>,
    %get3A_646 = arith.constant 1056 : index
    %get3A_647 = tpu.vector_load %arg5[%get3A_646] {strides = array<i32>} : memref<2048xi32, #tpu.memory_space<vmem>>, vector<16xi32>,
    %get3A_648 = vector.shape_cast %get3A_647 : vector<16xi32> to vector<16xi32>
    %add3A_649 = arith.addi %get3A_648, %mul3A_7 : vector<16xi32>
    %swap3A_650 = arith.constant 1056 : index
    %swap3A_651 = tpu.vector_load %arg5[%swap3A_650] {strides = array<i32>} : memref<2048xi32, #tpu.memory_space<vmem>>, vector<16xi32>,
    %swap3A_652 = vector.shape_cast %swap3A_651 : vector<16xi32> to vector<16xi32>
    %swap3A_653 = vector.shape_cast %add3A_649 : vector<16xi32> to vector<16xi32>
    tpu.vector_store %arg5[%swap3A_650], %swap3A_653 {strides = array<i32>} : memref<2048xi32, #tpu.memory_space<vmem>>, vector<16xi32>,
    %get3A_654 = arith.constant 1072 : index
    %get3A_655 = tpu.vector_load %arg5[%get3A_654] {strides = array<i32>} : memref<2048xi32, #tpu.memory_space<vmem>>, vector<16xi32>,
    %get3A_656 = vector.shape_cast %get3A_655 : vector<16xi32> to vector<16xi32>
    %add3A_657 = arith.addi %get3A_656, %mul3A_7 : vector<16xi32>
    %swap3A_658 = arith.constant 1072 : index
    %swap3A_659 = tpu.vector_load %arg5[%swap3A_658] {strides = array<i32>} : memref<2048xi32, #tpu.memory_space<vmem>>, vector<16xi32>,
    %swap3A_660 = vector.shape_cast %swap3A_659 : vector<16xi32> to vector<16xi32>
    %swap3A_661 = vector.shape_cast %add3A_657 : vector<16xi32> to vector<16xi32>
    tpu.vector_store %arg5[%swap3A_658], %swap3A_661 {strides = array<i32>} : memref<2048xi32, #tpu.memory_space<vmem>>, vector<16xi32>,
    %get3A_662 = arith.constant 1088 : index
    %get3A_663 = tpu.vector_load %arg5[%get3A_662] {strides = array<i32>} : memref<2048xi32, #tpu.memory_space<vmem>>, vector<16xi32>,
    %get3A_664 = vector.shape_cast %get3A_663 : vector<16xi32> to vector<16xi32>
    %add3A_665 = arith.addi %get3A_664, %mul3A_7 : vector<16xi32>
    %swap3A_666 = arith.constant 1088 : index
    %swap3A_667 = tpu.vector_load %arg5[%swap3A_666] {strides = array<i32>} : memref<2048xi32, #tpu.memory_space<vmem>>, vector<16xi32>,
    %swap3A_668 = vector.shape_cast %swap3A_667 : vector<16xi32> to vector<16xi32>
    %swap3A_669 = vector.shape_cast %add3A_665 : vector<16xi32> to vector<16xi32>
    tpu.vector_store %arg5[%swap3A_666], %swap3A_669 {strides = array<i32>} : memref<2048xi32, #tpu.memory_space<vmem>>, vector<16xi32>,
    %get3A_670 = arith.constant 1104 : index
    %get3A_671 = tpu.vector_load %arg5[%get3A_670] {strides = array<i32>} : memref<2048xi32, #tpu.memory_space<vmem>>, vector<16xi32>,
    %get3A_672 = vector.shape_cast %get3A_671 : vector<16xi32> to vector<16xi32>
    %add3A_673 = arith.addi %get3A_672, %mul3A_7 : vector<16xi32>
    %swap3A_674 = arith.constant 1104 : index
    %swap3A_675 = tpu.vector_load %arg5[%swap3A_674] {strides = array<i32>} : memref<2048xi32, #tpu.memory_space<vmem>>, vector<16xi32>,
    %swap3A_676 = vector.shape_cast %swap3A_675 : vector<16xi32> to vector<16xi32>
    %swap3A_677 = vector.shape_cast %add3A_673 : vector<16xi32> to vector<16xi32>
    tpu.vector_store %arg5[%swap3A_674], %swap3A_677 {strides = array<i32>} : memref<2048xi32, #tpu.memory_space<vmem>>, vector<16xi32>,
    %get3A_678 = arith.constant 1120 : index
    %get3A_679 = tpu.vector_load %arg5[%get3A_678] {strides = array<i32>} : memref<2048xi32, #tpu.memory_space<vmem>>, vector<16xi32>,
    %get3A_680 = vector.shape_cast %get3A_679 : vector<16xi32> to vector<16xi32>
    %add3A_681 = arith.addi %get3A_680, %mul3A_7 : vector<16xi32>
    %swap3A_682 = arith.constant 1120 : index
    %swap3A_683 = tpu.vector_load %arg5[%swap3A_682] {strides = array<i32>} : memref<2048xi32, #tpu.memory_space<vmem>>, vector<16xi32>,
    %swap3A_684 = vector.shape_cast %swap3A_683 : vector<16xi32> to vector<16xi32>
    %swap3A_685 = vector.shape_cast %add3A_681 : vector<16xi32> to vector<16xi32>
    tpu.vector_store %arg5[%swap3A_682], %swap3A_685 {strides = array<i32>} : memref<2048xi32, #tpu.memory_space<vmem>>, vector<16xi32>,
    %get3A_686 = arith.constant 1136 : index
    %get3A_687 = tpu.vector_load %arg5[%get3A_686] {strides = array<i32>} : memref<2048xi32, #tpu.memory_space<vmem>>, vector<16xi32>,
    %get3A_688 = vector.shape_cast %get3A_687 : vector<16xi32> to vector<16xi32>
    %add3A_689 = arith.addi %get3A_688, %mul3A_7 : vector<16xi32>
    %swap3A_690 = arith.constant 1136 : index
    %swap3A_691 = tpu.vector_load %arg5[%swap3A_690] {strides = array<i32>} : memref<2048xi32, #tpu.memory_space<vmem>>, vector<16xi32>,
    %swap3A_692 = vector.shape_cast %swap3A_691 : vector<16xi32> to vector<16xi32>
    %swap3A_693 = vector.shape_cast %add3A_689 : vector<16xi32> to vector<16xi32>
    tpu.vector_store %arg5[%swap3A_690], %swap3A_693 {strides = array<i32>} : memref<2048xi32, #tpu.memory_space<vmem>>, vector<16xi32>,
    %dma_start3A_694 = arith.constant 1024 : i32
    %dma_start3A_695 = tpu.memref_slice %arg5[%dma_start3A_694] : memref<2048xi32, #tpu.memory_space<vmem>> -> memref<128xi32, #tpu.memory_space<vmem>>
    %dma_start3A_696 = arith.constant 0 : i32
    %dma_start3A_697 = arith.constant 0 : i32
    %dma_start3A_698 = tpu.memref_slice %arg3[%dma_start3A_696, %dma_start3A_697] : memref<800000x128xf32, #tpu.memory_space<hbm>> -> memref<800000x128xf32, #tpu.memory_space<hbm>>
    tpu.enqueue_indirect_dma source(%dma_start3A_698 : memref<800000x128xf32, #tpu.memory_space<hbm>>) target(%arg8 : memref<128x128xf32, #tpu.memory_space<vmem>>) offsets(%dma_start3A_695 : memref<128xi32, #tpu.memory_space<vmem>>) semaphore(%arg14 : memref<!tpu.dma_semaphore, #tpu.memory_space<semaphore_mem>>)
    %dma_start3A_699 = arith.constant 3 : i32
    %dma_start3A_700 = arith.constant 0 : i32
    %dma_start3A_701 = arith.constant 0 : i32
    %dma_start3A_702 = tpu.memref_slice %arg4[%add3A, %dma_start3A_699, %dma_start3A_700, %dma_start3A_701] : memref<32x16x128x128xf32, #tpu.memory_space<hbm>> -> memref<1x1x128x128xf32, #tpu.memory_space<hbm>>
    %dma_start3A_703 = tpu.memref_squeeze %dma_start3A_702 : memref<1x1x128x128xf32, #tpu.memory_space<hbm>> -> memref<128x128xf32, #tpu.memory_space<hbm>>
    %dma_start3A_704 = arith.constant 0 : i32
    %dma_start3A_705 = arith.constant 0 : i32
    %dma_start3A_706 = tpu.memref_slice %arg4[%add3A, %dma_start3A_699, %dma_start3A_704, %dma_start3A_705] : memref<32x16x128x128xf32, #tpu.memory_space<hbm>> -> memref<1x1x128x128xf32, #tpu.memory_space<hbm>>
    %dma_start3A_707 = tpu.memref_squeeze %dma_start3A_706 : memref<1x1x128x128xf32, #tpu.memory_space<hbm>> -> memref<128x128xf32, #tpu.memory_space<hbm>>
    tpu.enqueue_dma source(%arg9 : memref<128x128xf32, #tpu.memory_space<vmem>>) target(%dma_start3A_707 : memref<128x128xf32, #tpu.memory_space<hbm>>) target_semaphore(%arg21 : memref<!tpu.dma_semaphore, #tpu.memory_space<semaphore_mem>>)
    %dma_wait3A_708 = arith.constant 512 : i32
    %dma_wait3A_709 = tpu.memref_slice %arg5[%dma_wait3A_708] : memref<2048xi32, #tpu.memory_space<vmem>> -> memref<128xi32, #tpu.memory_space<vmem>>
    %dma_wait3A_710 = arith.constant 0 : i32
    %dma_wait3A_711 = arith.constant 0 : i32
    %dma_wait3A_712 = tpu.memref_slice %arg3[%dma_wait3A_710, %dma_wait3A_711] : memref<800000x128xf32, #tpu.memory_space<hbm>> -> memref<800000x128xf32, #tpu.memory_space<hbm>>
    tpu.wait_indirect_dma semaphore(%arg16 : memref<!tpu.dma_semaphore, #tpu.memory_space<semaphore_mem>>) src(%dma_wait3A_712 : memref<800000x128xf32, #tpu.memory_space<hbm>>) dst(%arg10 : memref<128x128xf32, #tpu.memory_space<vmem>>)
    %dma_wait3A_713 = arith.constant 3 : i32
    %dma_wait3A_714 = arith.constant 0 : i32
    %dma_wait3A_715 = arith.constant 0 : i32
    %dma_wait3A_716 = tpu.memref_slice %arg4[%add3A, %dma_wait3A_713, %dma_wait3A_714, %dma_wait3A_715] : memref<32x16x128x128xf32, #tpu.memory_space<hbm>> -> memref<1x1x128x128xf32, #tpu.memory_space<hbm>>
    %dma_wait3A_717 = tpu.memref_squeeze %dma_wait3A_716 : memref<1x1x128x128xf32, #tpu.memory_space<hbm>> -> memref<128x128xf32, #tpu.memory_space<hbm>>
    %dma_wait3A_718 = arith.constant 0 : i32
    %dma_wait3A_719 = arith.constant 0 : i32
    %dma_wait3A_720 = tpu.memref_slice %arg4[%add3A, %dma_wait3A_713, %dma_wait3A_718, %dma_wait3A_719] : memref<32x16x128x128xf32, #tpu.memory_space<hbm>> -> memref<1x1x128x128xf32, #tpu.memory_space<hbm>>
    %dma_wait3A_721 = tpu.memref_squeeze %dma_wait3A_720 : memref<1x1x128x128xf32, #tpu.memory_space<hbm>> -> memref<128x128xf32, #tpu.memory_space<hbm>>
    tpu.wait_dma2 semaphore(%arg21 : memref<!tpu.dma_semaphore, #tpu.memory_space<semaphore_mem>>) src(%arg9 : memref<128x128xf32, #tpu.memory_space<vmem>>) dst(%dma_wait3A_721 : memref<128x128xf32, #tpu.memory_space<hbm>>)
    %get3A_722 = arith.constant 1152 : index
    %get3A_723 = tpu.vector_load %arg5[%get3A_722] {strides = array<i32>} : memref<2048xi32, #tpu.memory_space<vmem>>, vector<16xi32>,
    %get3A_724 = vector.shape_cast %get3A_723 : vector<16xi32> to vector<16xi32>
    %add3A_725 = arith.addi %get3A_724, %mul3A_7 : vector<16xi32>
    %swap3A_726 = arith.constant 1152 : index
    %swap3A_727 = tpu.vector_load %arg5[%swap3A_726] {strides = array<i32>} : memref<2048xi32, #tpu.memory_space<vmem>>, vector<16xi32>,
    %swap3A_728 = vector.shape_cast %swap3A_727 : vector<16xi32> to vector<16xi32>
    %swap3A_729 = vector.shape_cast %add3A_725 : vector<16xi32> to vector<16xi32>
    tpu.vector_store %arg5[%swap3A_726], %swap3A_729 {strides = array<i32>} : memref<2048xi32, #tpu.memory_space<vmem>>, vector<16xi32>,
    %get3A_730 = arith.constant 1168 : index
    %get3A_731 = tpu.vector_load %arg5[%get3A_730] {strides = array<i32>} : memref<2048xi32, #tpu.memory_space<vmem>>, vector<16xi32>,
    %get3A_732 = vector.shape_cast %get3A_731 : vector<16xi32> to vector<16xi32>
    %add3A_733 = arith.addi %get3A_732, %mul3A_7 : vector<16xi32>
    %swap3A_734 = arith.constant 1168 : index
    %swap3A_735 = tpu.vector_load %arg5[%swap3A_734] {strides = array<i32>} : memref<2048xi32, #tpu.memory_space<vmem>>, vector<16xi32>,
    %swap3A_736 = vector.shape_cast %swap3A_735 : vector<16xi32> to vector<16xi32>
    %swap3A_737 = vector.shape_cast %add3A_733 : vector<16xi32> to vector<16xi32>
    tpu.vector_store %arg5[%swap3A_734], %swap3A_737 {strides = array<i32>} : memref<2048xi32, #tpu.memory_space<vmem>>, vector<16xi32>,
    %get3A_738 = arith.constant 1184 : index
    %get3A_739 = tpu.vector_load %arg5[%get3A_738] {strides = array<i32>} : memref<2048xi32, #tpu.memory_space<vmem>>, vector<16xi32>,
    %get3A_740 = vector.shape_cast %get3A_739 : vector<16xi32> to vector<16xi32>
    %add3A_741 = arith.addi %get3A_740, %mul3A_7 : vector<16xi32>
    %swap3A_742 = arith.constant 1184 : index
    %swap3A_743 = tpu.vector_load %arg5[%swap3A_742] {strides = array<i32>} : memref<2048xi32, #tpu.memory_space<vmem>>, vector<16xi32>,
    %swap3A_744 = vector.shape_cast %swap3A_743 : vector<16xi32> to vector<16xi32>
    %swap3A_745 = vector.shape_cast %add3A_741 : vector<16xi32> to vector<16xi32>
    tpu.vector_store %arg5[%swap3A_742], %swap3A_745 {strides = array<i32>} : memref<2048xi32, #tpu.memory_space<vmem>>, vector<16xi32>,
    %get3A_746 = arith.constant 1200 : index
    %get3A_747 = tpu.vector_load %arg5[%get3A_746] {strides = array<i32>} : memref<2048xi32, #tpu.memory_space<vmem>>, vector<16xi32>,
    %get3A_748 = vector.shape_cast %get3A_747 : vector<16xi32> to vector<16xi32>
    %add3A_749 = arith.addi %get3A_748, %mul3A_7 : vector<16xi32>
    %swap3A_750 = arith.constant 1200 : index
    %swap3A_751 = tpu.vector_load %arg5[%swap3A_750] {strides = array<i32>} : memref<2048xi32, #tpu.memory_space<vmem>>, vector<16xi32>,
    %swap3A_752 = vector.shape_cast %swap3A_751 : vector<16xi32> to vector<16xi32>
    %swap3A_753 = vector.shape_cast %add3A_749 : vector<16xi32> to vector<16xi32>
    tpu.vector_store %arg5[%swap3A_750], %swap3A_753 {strides = array<i32>} : memref<2048xi32, #tpu.memory_space<vmem>>, vector<16xi32>,
    %get3A_754 = arith.constant 1216 : index
    %get3A_755 = tpu.vector_load %arg5[%get3A_754] {strides = array<i32>} : memref<2048xi32, #tpu.memory_space<vmem>>, vector<16xi32>,
    %get3A_756 = vector.shape_cast %get3A_755 : vector<16xi32> to vector<16xi32>
    %add3A_757 = arith.addi %get3A_756, %mul3A_7 : vector<16xi32>
    %swap3A_758 = arith.constant 1216 : index
    %swap3A_759 = tpu.vector_load %arg5[%swap3A_758] {strides = array<i32>} : memref<2048xi32, #tpu.memory_space<vmem>>, vector<16xi32>,
    %swap3A_760 = vector.shape_cast %swap3A_759 : vector<16xi32> to vector<16xi32>
    %swap3A_761 = vector.shape_cast %add3A_757 : vector<16xi32> to vector<16xi32>
    tpu.vector_store %arg5[%swap3A_758], %swap3A_761 {strides = array<i32>} : memref<2048xi32, #tpu.memory_space<vmem>>, vector<16xi32>,
    %get3A_762 = arith.constant 1232 : index
    %get3A_763 = tpu.vector_load %arg5[%get3A_762] {strides = array<i32>} : memref<2048xi32, #tpu.memory_space<vmem>>, vector<16xi32>,
    %get3A_764 = vector.shape_cast %get3A_763 : vector<16xi32> to vector<16xi32>
    %add3A_765 = arith.addi %get3A_764, %mul3A_7 : vector<16xi32>
    %swap3A_766 = arith.constant 1232 : index
    %swap3A_767 = tpu.vector_load %arg5[%swap3A_766] {strides = array<i32>} : memref<2048xi32, #tpu.memory_space<vmem>>, vector<16xi32>,
    %swap3A_768 = vector.shape_cast %swap3A_767 : vector<16xi32> to vector<16xi32>
    %swap3A_769 = vector.shape_cast %add3A_765 : vector<16xi32> to vector<16xi32>
    tpu.vector_store %arg5[%swap3A_766], %swap3A_769 {strides = array<i32>} : memref<2048xi32, #tpu.memory_space<vmem>>, vector<16xi32>,
    %get3A_770 = arith.constant 1248 : index
    %get3A_771 = tpu.vector_load %arg5[%get3A_770] {strides = array<i32>} : memref<2048xi32, #tpu.memory_space<vmem>>, vector<16xi32>,
    %get3A_772 = vector.shape_cast %get3A_771 : vector<16xi32> to vector<16xi32>
    %add3A_773 = arith.addi %get3A_772, %mul3A_7 : vector<16xi32>
    %swap3A_774 = arith.constant 1248 : index
    %swap3A_775 = tpu.vector_load %arg5[%swap3A_774] {strides = array<i32>} : memref<2048xi32, #tpu.memory_space<vmem>>, vector<16xi32>,
    %swap3A_776 = vector.shape_cast %swap3A_775 : vector<16xi32> to vector<16xi32>
    %swap3A_777 = vector.shape_cast %add3A_773 : vector<16xi32> to vector<16xi32>
    tpu.vector_store %arg5[%swap3A_774], %swap3A_777 {strides = array<i32>} : memref<2048xi32, #tpu.memory_space<vmem>>, vector<16xi32>,
    %get3A_778 = arith.constant 1264 : index
    %get3A_779 = tpu.vector_load %arg5[%get3A_778] {strides = array<i32>} : memref<2048xi32, #tpu.memory_space<vmem>>, vector<16xi32>,
    %get3A_780 = vector.shape_cast %get3A_779 : vector<16xi32> to vector<16xi32>
    %add3A_781 = arith.addi %get3A_780, %mul3A_7 : vector<16xi32>
    %swap3A_782 = arith.constant 1264 : index
    %swap3A_783 = tpu.vector_load %arg5[%swap3A_782] {strides = array<i32>} : memref<2048xi32, #tpu.memory_space<vmem>>, vector<16xi32>,
    %swap3A_784 = vector.shape_cast %swap3A_783 : vector<16xi32> to vector<16xi32>
    %swap3A_785 = vector.shape_cast %add3A_781 : vector<16xi32> to vector<16xi32>
    tpu.vector_store %arg5[%swap3A_782], %swap3A_785 {strides = array<i32>} : memref<2048xi32, #tpu.memory_space<vmem>>, vector<16xi32>,
    %dma_start3A_786 = arith.constant 1152 : i32
    %dma_start3A_787 = tpu.memref_slice %arg5[%dma_start3A_786] : memref<2048xi32, #tpu.memory_space<vmem>> -> memref<128xi32, #tpu.memory_space<vmem>>
    %dma_start3A_788 = arith.constant 0 : i32
    %dma_start3A_789 = arith.constant 0 : i32
    %dma_start3A_790 = tpu.memref_slice %arg3[%dma_start3A_788, %dma_start3A_789] : memref<800000x128xf32, #tpu.memory_space<hbm>> -> memref<800000x128xf32, #tpu.memory_space<hbm>>
    tpu.enqueue_indirect_dma source(%dma_start3A_790 : memref<800000x128xf32, #tpu.memory_space<hbm>>) target(%arg9 : memref<128x128xf32, #tpu.memory_space<vmem>>) offsets(%dma_start3A_787 : memref<128xi32, #tpu.memory_space<vmem>>) semaphore(%arg15 : memref<!tpu.dma_semaphore, #tpu.memory_space<semaphore_mem>>)
    %dma_start3A_791 = arith.constant 4 : i32
    %dma_start3A_792 = arith.constant 0 : i32
    %dma_start3A_793 = arith.constant 0 : i32
    %dma_start3A_794 = tpu.memref_slice %arg4[%add3A, %dma_start3A_791, %dma_start3A_792, %dma_start3A_793] : memref<32x16x128x128xf32, #tpu.memory_space<hbm>> -> memref<1x1x128x128xf32, #tpu.memory_space<hbm>>
    %dma_start3A_795 = tpu.memref_squeeze %dma_start3A_794 : memref<1x1x128x128xf32, #tpu.memory_space<hbm>> -> memref<128x128xf32, #tpu.memory_space<hbm>>
    %dma_start3A_796 = arith.constant 0 : i32
    %dma_start3A_797 = arith.constant 0 : i32
    %dma_start3A_798 = tpu.memref_slice %arg4[%add3A, %dma_start3A_791, %dma_start3A_796, %dma_start3A_797] : memref<32x16x128x128xf32, #tpu.memory_space<hbm>> -> memref<1x1x128x128xf32, #tpu.memory_space<hbm>>
    %dma_start3A_799 = tpu.memref_squeeze %dma_start3A_798 : memref<1x1x128x128xf32, #tpu.memory_space<hbm>> -> memref<128x128xf32, #tpu.memory_space<hbm>>
    tpu.enqueue_dma source(%arg10 : memref<128x128xf32, #tpu.memory_space<vmem>>) target(%dma_start3A_799 : memref<128x128xf32, #tpu.memory_space<hbm>>) target_semaphore(%arg22 : memref<!tpu.dma_semaphore, #tpu.memory_space<semaphore_mem>>)
    %dma_wait3A_800 = arith.constant 640 : i32
    %dma_wait3A_801 = tpu.memref_slice %arg5[%dma_wait3A_800] : memref<2048xi32, #tpu.memory_space<vmem>> -> memref<128xi32, #tpu.memory_space<vmem>>
    %dma_wait3A_802 = arith.constant 0 : i32
    %dma_wait3A_803 = arith.constant 0 : i32
    %dma_wait3A_804 = tpu.memref_slice %arg3[%dma_wait3A_802, %dma_wait3A_803] : memref<800000x128xf32, #tpu.memory_space<hbm>> -> memref<800000x128xf32, #tpu.memory_space<hbm>>
    tpu.wait_indirect_dma semaphore(%arg17 : memref<!tpu.dma_semaphore, #tpu.memory_space<semaphore_mem>>) src(%dma_wait3A_804 : memref<800000x128xf32, #tpu.memory_space<hbm>>) dst(%arg11 : memref<128x128xf32, #tpu.memory_space<vmem>>)
    %dma_wait3A_805 = arith.constant 4 : i32
    %dma_wait3A_806 = arith.constant 0 : i32
    %dma_wait3A_807 = arith.constant 0 : i32
    %dma_wait3A_808 = tpu.memref_slice %arg4[%add3A, %dma_wait3A_805, %dma_wait3A_806, %dma_wait3A_807] : memref<32x16x128x128xf32, #tpu.memory_space<hbm>> -> memref<1x1x128x128xf32, #tpu.memory_space<hbm>>
    %dma_wait3A_809 = tpu.memref_squeeze %dma_wait3A_808 : memref<1x1x128x128xf32, #tpu.memory_space<hbm>> -> memref<128x128xf32, #tpu.memory_space<hbm>>
    %dma_wait3A_810 = arith.constant 0 : i32
    %dma_wait3A_811 = arith.constant 0 : i32
    %dma_wait3A_812 = tpu.memref_slice %arg4[%add3A, %dma_wait3A_805, %dma_wait3A_810, %dma_wait3A_811] : memref<32x16x128x128xf32, #tpu.memory_space<hbm>> -> memref<1x1x128x128xf32, #tpu.memory_space<hbm>>
    %dma_wait3A_813 = tpu.memref_squeeze %dma_wait3A_812 : memref<1x1x128x128xf32, #tpu.memory_space<hbm>> -> memref<128x128xf32, #tpu.memory_space<hbm>>
    tpu.wait_dma2 semaphore(%arg22 : memref<!tpu.dma_semaphore, #tpu.memory_space<semaphore_mem>>) src(%arg10 : memref<128x128xf32, #tpu.memory_space<vmem>>) dst(%dma_wait3A_813 : memref<128x128xf32, #tpu.memory_space<hbm>>)
    %get3A_814 = arith.constant 1280 : index
    %get3A_815 = tpu.vector_load %arg5[%get3A_814] {strides = array<i32>} : memref<2048xi32, #tpu.memory_space<vmem>>, vector<16xi32>,
    %get3A_816 = vector.shape_cast %get3A_815 : vector<16xi32> to vector<16xi32>
    %add3A_817 = arith.addi %get3A_816, %mul3A_7 : vector<16xi32>
    %swap3A_818 = arith.constant 1280 : index
    %swap3A_819 = tpu.vector_load %arg5[%swap3A_818] {strides = array<i32>} : memref<2048xi32, #tpu.memory_space<vmem>>, vector<16xi32>,
    %swap3A_820 = vector.shape_cast %swap3A_819 : vector<16xi32> to vector<16xi32>
    %swap3A_821 = vector.shape_cast %add3A_817 : vector<16xi32> to vector<16xi32>
    tpu.vector_store %arg5[%swap3A_818], %swap3A_821 {strides = array<i32>} : memref<2048xi32, #tpu.memory_space<vmem>>, vector<16xi32>,
    %get3A_822 = arith.constant 1296 : index
    %get3A_823 = tpu.vector_load %arg5[%get3A_822] {strides = array<i32>} : memref<2048xi32, #tpu.memory_space<vmem>>, vector<16xi32>,
    %get3A_824 = vector.shape_cast %get3A_823 : vector<16xi32> to vector<16xi32>
    %add3A_825 = arith.addi %get3A_824, %mul3A_7 : vector<16xi32>
    %swap3A_826 = arith.constant 1296 : index
    %swap3A_827 = tpu.vector_load %arg5[%swap3A_826] {strides = array<i32>} : memref<2048xi32, #tpu.memory_space<vmem>>, vector<16xi32>,
    %swap3A_828 = vector.shape_cast %swap3A_827 : vector<16xi32> to vector<16xi32>
    %swap3A_829 = vector.shape_cast %add3A_825 : vector<16xi32> to vector<16xi32>
    tpu.vector_store %arg5[%swap3A_826], %swap3A_829 {strides = array<i32>} : memref<2048xi32, #tpu.memory_space<vmem>>, vector<16xi32>,
    %get3A_830 = arith.constant 1312 : index
    %get3A_831 = tpu.vector_load %arg5[%get3A_830] {strides = array<i32>} : memref<2048xi32, #tpu.memory_space<vmem>>, vector<16xi32>,
    %get3A_832 = vector.shape_cast %get3A_831 : vector<16xi32> to vector<16xi32>
    %add3A_833 = arith.addi %get3A_832, %mul3A_7 : vector<16xi32>
    %swap3A_834 = arith.constant 1312 : index
    %swap3A_835 = tpu.vector_load %arg5[%swap3A_834] {strides = array<i32>} : memref<2048xi32, #tpu.memory_space<vmem>>, vector<16xi32>,
    %swap3A_836 = vector.shape_cast %swap3A_835 : vector<16xi32> to vector<16xi32>
    %swap3A_837 = vector.shape_cast %add3A_833 : vector<16xi32> to vector<16xi32>
    tpu.vector_store %arg5[%swap3A_834], %swap3A_837 {strides = array<i32>} : memref<2048xi32, #tpu.memory_space<vmem>>, vector<16xi32>,
    %get3A_838 = arith.constant 1328 : index
    %get3A_839 = tpu.vector_load %arg5[%get3A_838] {strides = array<i32>} : memref<2048xi32, #tpu.memory_space<vmem>>, vector<16xi32>,
    %get3A_840 = vector.shape_cast %get3A_839 : vector<16xi32> to vector<16xi32>
    %add3A_841 = arith.addi %get3A_840, %mul3A_7 : vector<16xi32>
    %swap3A_842 = arith.constant 1328 : index
    %swap3A_843 = tpu.vector_load %arg5[%swap3A_842] {strides = array<i32>} : memref<2048xi32, #tpu.memory_space<vmem>>, vector<16xi32>,
    %swap3A_844 = vector.shape_cast %swap3A_843 : vector<16xi32> to vector<16xi32>
    %swap3A_845 = vector.shape_cast %add3A_841 : vector<16xi32> to vector<16xi32>
    tpu.vector_store %arg5[%swap3A_842], %swap3A_845 {strides = array<i32>} : memref<2048xi32, #tpu.memory_space<vmem>>, vector<16xi32>,
    %get3A_846 = arith.constant 1344 : index
    %get3A_847 = tpu.vector_load %arg5[%get3A_846] {strides = array<i32>} : memref<2048xi32, #tpu.memory_space<vmem>>, vector<16xi32>,
    %get3A_848 = vector.shape_cast %get3A_847 : vector<16xi32> to vector<16xi32>
    %add3A_849 = arith.addi %get3A_848, %mul3A_7 : vector<16xi32>
    %swap3A_850 = arith.constant 1344 : index
    %swap3A_851 = tpu.vector_load %arg5[%swap3A_850] {strides = array<i32>} : memref<2048xi32, #tpu.memory_space<vmem>>, vector<16xi32>,
    %swap3A_852 = vector.shape_cast %swap3A_851 : vector<16xi32> to vector<16xi32>
    %swap3A_853 = vector.shape_cast %add3A_849 : vector<16xi32> to vector<16xi32>
    tpu.vector_store %arg5[%swap3A_850], %swap3A_853 {strides = array<i32>} : memref<2048xi32, #tpu.memory_space<vmem>>, vector<16xi32>,
    %get3A_854 = arith.constant 1360 : index
    %get3A_855 = tpu.vector_load %arg5[%get3A_854] {strides = array<i32>} : memref<2048xi32, #tpu.memory_space<vmem>>, vector<16xi32>,
    %get3A_856 = vector.shape_cast %get3A_855 : vector<16xi32> to vector<16xi32>
    %add3A_857 = arith.addi %get3A_856, %mul3A_7 : vector<16xi32>
    %swap3A_858 = arith.constant 1360 : index
    %swap3A_859 = tpu.vector_load %arg5[%swap3A_858] {strides = array<i32>} : memref<2048xi32, #tpu.memory_space<vmem>>, vector<16xi32>,
    %swap3A_860 = vector.shape_cast %swap3A_859 : vector<16xi32> to vector<16xi32>
    %swap3A_861 = vector.shape_cast %add3A_857 : vector<16xi32> to vector<16xi32>
    tpu.vector_store %arg5[%swap3A_858], %swap3A_861 {strides = array<i32>} : memref<2048xi32, #tpu.memory_space<vmem>>, vector<16xi32>,
    %get3A_862 = arith.constant 1376 : index
    %get3A_863 = tpu.vector_load %arg5[%get3A_862] {strides = array<i32>} : memref<2048xi32, #tpu.memory_space<vmem>>, vector<16xi32>,
    %get3A_864 = vector.shape_cast %get3A_863 : vector<16xi32> to vector<16xi32>
    %add3A_865 = arith.addi %get3A_864, %mul3A_7 : vector<16xi32>
    %swap3A_866 = arith.constant 1376 : index
    %swap3A_867 = tpu.vector_load %arg5[%swap3A_866] {strides = array<i32>} : memref<2048xi32, #tpu.memory_space<vmem>>, vector<16xi32>,
    %swap3A_868 = vector.shape_cast %swap3A_867 : vector<16xi32> to vector<16xi32>
    %swap3A_869 = vector.shape_cast %add3A_865 : vector<16xi32> to vector<16xi32>
    tpu.vector_store %arg5[%swap3A_866], %swap3A_869 {strides = array<i32>} : memref<2048xi32, #tpu.memory_space<vmem>>, vector<16xi32>,
    %get3A_870 = arith.constant 1392 : index
    %get3A_871 = tpu.vector_load %arg5[%get3A_870] {strides = array<i32>} : memref<2048xi32, #tpu.memory_space<vmem>>, vector<16xi32>,
    %get3A_872 = vector.shape_cast %get3A_871 : vector<16xi32> to vector<16xi32>
    %add3A_873 = arith.addi %get3A_872, %mul3A_7 : vector<16xi32>
    %swap3A_874 = arith.constant 1392 : index
    %swap3A_875 = tpu.vector_load %arg5[%swap3A_874] {strides = array<i32>} : memref<2048xi32, #tpu.memory_space<vmem>>, vector<16xi32>,
    %swap3A_876 = vector.shape_cast %swap3A_875 : vector<16xi32> to vector<16xi32>
    %swap3A_877 = vector.shape_cast %add3A_873 : vector<16xi32> to vector<16xi32>
    tpu.vector_store %arg5[%swap3A_874], %swap3A_877 {strides = array<i32>} : memref<2048xi32, #tpu.memory_space<vmem>>, vector<16xi32>,
    %dma_start3A_878 = arith.constant 1280 : i32
    %dma_start3A_879 = tpu.memref_slice %arg5[%dma_start3A_878] : memref<2048xi32, #tpu.memory_space<vmem>> -> memref<128xi32, #tpu.memory_space<vmem>>
    %dma_start3A_880 = arith.constant 0 : i32
    %dma_start3A_881 = arith.constant 0 : i32
    %dma_start3A_882 = tpu.memref_slice %arg3[%dma_start3A_880, %dma_start3A_881] : memref<800000x128xf32, #tpu.memory_space<hbm>> -> memref<800000x128xf32, #tpu.memory_space<hbm>>
    tpu.enqueue_indirect_dma source(%dma_start3A_882 : memref<800000x128xf32, #tpu.memory_space<hbm>>) target(%arg10 : memref<128x128xf32, #tpu.memory_space<vmem>>) offsets(%dma_start3A_879 : memref<128xi32, #tpu.memory_space<vmem>>) semaphore(%arg16 : memref<!tpu.dma_semaphore, #tpu.memory_space<semaphore_mem>>)
    %dma_start3A_883 = arith.constant 5 : i32
    %dma_start3A_884 = arith.constant 0 : i32
    %dma_start3A_885 = arith.constant 0 : i32
    %dma_start3A_886 = tpu.memref_slice %arg4[%add3A, %dma_start3A_883, %dma_start3A_884, %dma_start3A_885] : memref<32x16x128x128xf32, #tpu.memory_space<hbm>> -> memref<1x1x128x128xf32, #tpu.memory_space<hbm>>
    %dma_start3A_887 = tpu.memref_squeeze %dma_start3A_886 : memref<1x1x128x128xf32, #tpu.memory_space<hbm>> -> memref<128x128xf32, #tpu.memory_space<hbm>>
    %dma_start3A_888 = arith.constant 0 : i32
    %dma_start3A_889 = arith.constant 0 : i32
    %dma_start3A_890 = tpu.memref_slice %arg4[%add3A, %dma_start3A_883, %dma_start3A_888, %dma_start3A_889] : memref<32x16x128x128xf32, #tpu.memory_space<hbm>> -> memref<1x1x128x128xf32, #tpu.memory_space<hbm>>
    %dma_start3A_891 = tpu.memref_squeeze %dma_start3A_890 : memref<1x1x128x128xf32, #tpu.memory_space<hbm>> -> memref<128x128xf32, #tpu.memory_space<hbm>>
    tpu.enqueue_dma source(%arg11 : memref<128x128xf32, #tpu.memory_space<vmem>>) target(%dma_start3A_891 : memref<128x128xf32, #tpu.memory_space<hbm>>) target_semaphore(%arg23 : memref<!tpu.dma_semaphore, #tpu.memory_space<semaphore_mem>>)
    %dma_wait3A_892 = arith.constant 768 : i32
    %dma_wait3A_893 = tpu.memref_slice %arg5[%dma_wait3A_892] : memref<2048xi32, #tpu.memory_space<vmem>> -> memref<128xi32, #tpu.memory_space<vmem>>
    %dma_wait3A_894 = arith.constant 0 : i32
    %dma_wait3A_895 = arith.constant 0 : i32
    %dma_wait3A_896 = tpu.memref_slice %arg3[%dma_wait3A_894, %dma_wait3A_895] : memref<800000x128xf32, #tpu.memory_space<hbm>> -> memref<800000x128xf32, #tpu.memory_space<hbm>>
    tpu.wait_indirect_dma semaphore(%arg12 : memref<!tpu.dma_semaphore, #tpu.memory_space<semaphore_mem>>) src(%dma_wait3A_896 : memref<800000x128xf32, #tpu.memory_space<hbm>>) dst(%arg6 : memref<128x128xf32, #tpu.memory_space<vmem>>)
    %dma_wait3A_897 = arith.constant 5 : i32
    %dma_wait3A_898 = arith.constant 0 : i32
    %dma_wait3A_899 = arith.constant 0 : i32
    %dma_wait3A_900 = tpu.memref_slice %arg4[%add3A, %dma_wait3A_897, %dma_wait3A_898, %dma_wait3A_899] : memref<32x16x128x128xf32, #tpu.memory_space<hbm>> -> memref<1x1x128x128xf32, #tpu.memory_space<hbm>>
    %dma_wait3A_901 = tpu.memref_squeeze %dma_wait3A_900 : memref<1x1x128x128xf32, #tpu.memory_space<hbm>> -> memref<128x128xf32, #tpu.memory_space<hbm>>
    %dma_wait3A_902 = arith.constant 0 : i32
    %dma_wait3A_903 = arith.constant 0 : i32
    %dma_wait3A_904 = tpu.memref_slice %arg4[%add3A, %dma_wait3A_897, %dma_wait3A_902, %dma_wait3A_903] : memref<32x16x128x128xf32, #tpu.memory_space<hbm>> -> memref<1x1x128x128xf32, #tpu.memory_space<hbm>>
    %dma_wait3A_905 = tpu.memref_squeeze %dma_wait3A_904 : memref<1x1x128x128xf32, #tpu.memory_space<hbm>> -> memref<128x128xf32, #tpu.memory_space<hbm>>
    tpu.wait_dma2 semaphore(%arg23 : memref<!tpu.dma_semaphore, #tpu.memory_space<semaphore_mem>>) src(%arg11 : memref<128x128xf32, #tpu.memory_space<vmem>>) dst(%dma_wait3A_905 : memref<128x128xf32, #tpu.memory_space<hbm>>)
    %get3A_906 = arith.constant 1408 : index
    %get3A_907 = tpu.vector_load %arg5[%get3A_906] {strides = array<i32>} : memref<2048xi32, #tpu.memory_space<vmem>>, vector<16xi32>,
    %get3A_908 = vector.shape_cast %get3A_907 : vector<16xi32> to vector<16xi32>
    %add3A_909 = arith.addi %get3A_908, %mul3A_7 : vector<16xi32>
    %swap3A_910 = arith.constant 1408 : index
    %swap3A_911 = tpu.vector_load %arg5[%swap3A_910] {strides = array<i32>} : memref<2048xi32, #tpu.memory_space<vmem>>, vector<16xi32>,
    %swap3A_912 = vector.shape_cast %swap3A_911 : vector<16xi32> to vector<16xi32>
    %swap3A_913 = vector.shape_cast %add3A_909 : vector<16xi32> to vector<16xi32>
    tpu.vector_store %arg5[%swap3A_910], %swap3A_913 {strides = array<i32>} : memref<2048xi32, #tpu.memory_space<vmem>>, vector<16xi32>,
    %get3A_914 = arith.constant 1424 : index
    %get3A_915 = tpu.vector_load %arg5[%get3A_914] {strides = array<i32>} : memref<2048xi32, #tpu.memory_space<vmem>>, vector<16xi32>,
    %get3A_916 = vector.shape_cast %get3A_915 : vector<16xi32> to vector<16xi32>
    %add3A_917 = arith.addi %get3A_916, %mul3A_7 : vector<16xi32>
    %swap3A_918 = arith.constant 1424 : index
    %swap3A_919 = tpu.vector_load %arg5[%swap3A_918] {strides = array<i32>} : memref<2048xi32, #tpu.memory_space<vmem>>, vector<16xi32>,
    %swap3A_920 = vector.shape_cast %swap3A_919 : vector<16xi32> to vector<16xi32>
    %swap3A_921 = vector.shape_cast %add3A_917 : vector<16xi32> to vector<16xi32>
    tpu.vector_store %arg5[%swap3A_918], %swap3A_921 {strides = array<i32>} : memref<2048xi32, #tpu.memory_space<vmem>>, vector<16xi32>,
    %get3A_922 = arith.constant 1440 : index
    %get3A_923 = tpu.vector_load %arg5[%get3A_922] {strides = array<i32>} : memref<2048xi32, #tpu.memory_space<vmem>>, vector<16xi32>,
    %get3A_924 = vector.shape_cast %get3A_923 : vector<16xi32> to vector<16xi32>
    %add3A_925 = arith.addi %get3A_924, %mul3A_7 : vector<16xi32>
    %swap3A_926 = arith.constant 1440 : index
    %swap3A_927 = tpu.vector_load %arg5[%swap3A_926] {strides = array<i32>} : memref<2048xi32, #tpu.memory_space<vmem>>, vector<16xi32>,
    %swap3A_928 = vector.shape_cast %swap3A_927 : vector<16xi32> to vector<16xi32>
    %swap3A_929 = vector.shape_cast %add3A_925 : vector<16xi32> to vector<16xi32>
    tpu.vector_store %arg5[%swap3A_926], %swap3A_929 {strides = array<i32>} : memref<2048xi32, #tpu.memory_space<vmem>>, vector<16xi32>,
    %get3A_930 = arith.constant 1456 : index
    %get3A_931 = tpu.vector_load %arg5[%get3A_930] {strides = array<i32>} : memref<2048xi32, #tpu.memory_space<vmem>>, vector<16xi32>,
    %get3A_932 = vector.shape_cast %get3A_931 : vector<16xi32> to vector<16xi32>
    %add3A_933 = arith.addi %get3A_932, %mul3A_7 : vector<16xi32>
    %swap3A_934 = arith.constant 1456 : index
    %swap3A_935 = tpu.vector_load %arg5[%swap3A_934] {strides = array<i32>} : memref<2048xi32, #tpu.memory_space<vmem>>, vector<16xi32>,
    %swap3A_936 = vector.shape_cast %swap3A_935 : vector<16xi32> to vector<16xi32>
    %swap3A_937 = vector.shape_cast %add3A_933 : vector<16xi32> to vector<16xi32>
    tpu.vector_store %arg5[%swap3A_934], %swap3A_937 {strides = array<i32>} : memref<2048xi32, #tpu.memory_space<vmem>>, vector<16xi32>,
    %get3A_938 = arith.constant 1472 : index
    %get3A_939 = tpu.vector_load %arg5[%get3A_938] {strides = array<i32>} : memref<2048xi32, #tpu.memory_space<vmem>>, vector<16xi32>,
    %get3A_940 = vector.shape_cast %get3A_939 : vector<16xi32> to vector<16xi32>
    %add3A_941 = arith.addi %get3A_940, %mul3A_7 : vector<16xi32>
    %swap3A_942 = arith.constant 1472 : index
    %swap3A_943 = tpu.vector_load %arg5[%swap3A_942] {strides = array<i32>} : memref<2048xi32, #tpu.memory_space<vmem>>, vector<16xi32>,
    %swap3A_944 = vector.shape_cast %swap3A_943 : vector<16xi32> to vector<16xi32>
    %swap3A_945 = vector.shape_cast %add3A_941 : vector<16xi32> to vector<16xi32>
    tpu.vector_store %arg5[%swap3A_942], %swap3A_945 {strides = array<i32>} : memref<2048xi32, #tpu.memory_space<vmem>>, vector<16xi32>,
    %get3A_946 = arith.constant 1488 : index
    %get3A_947 = tpu.vector_load %arg5[%get3A_946] {strides = array<i32>} : memref<2048xi32, #tpu.memory_space<vmem>>, vector<16xi32>,
    %get3A_948 = vector.shape_cast %get3A_947 : vector<16xi32> to vector<16xi32>
    %add3A_949 = arith.addi %get3A_948, %mul3A_7 : vector<16xi32>
    %swap3A_950 = arith.constant 1488 : index
    %swap3A_951 = tpu.vector_load %arg5[%swap3A_950] {strides = array<i32>} : memref<2048xi32, #tpu.memory_space<vmem>>, vector<16xi32>,
    %swap3A_952 = vector.shape_cast %swap3A_951 : vector<16xi32> to vector<16xi32>
    %swap3A_953 = vector.shape_cast %add3A_949 : vector<16xi32> to vector<16xi32>
    tpu.vector_store %arg5[%swap3A_950], %swap3A_953 {strides = array<i32>} : memref<2048xi32, #tpu.memory_space<vmem>>, vector<16xi32>,
    %get3A_954 = arith.constant 1504 : index
    %get3A_955 = tpu.vector_load %arg5[%get3A_954] {strides = array<i32>} : memref<2048xi32, #tpu.memory_space<vmem>>, vector<16xi32>,
    %get3A_956 = vector.shape_cast %get3A_955 : vector<16xi32> to vector<16xi32>
    %add3A_957 = arith.addi %get3A_956, %mul3A_7 : vector<16xi32>
    %swap3A_958 = arith.constant 1504 : index
    %swap3A_959 = tpu.vector_load %arg5[%swap3A_958] {strides = array<i32>} : memref<2048xi32, #tpu.memory_space<vmem>>, vector<16xi32>,
    %swap3A_960 = vector.shape_cast %swap3A_959 : vector<16xi32> to vector<16xi32>
    %swap3A_961 = vector.shape_cast %add3A_957 : vector<16xi32> to vector<16xi32>
    tpu.vector_store %arg5[%swap3A_958], %swap3A_961 {strides = array<i32>} : memref<2048xi32, #tpu.memory_space<vmem>>, vector<16xi32>,
    %get3A_962 = arith.constant 1520 : index
    %get3A_963 = tpu.vector_load %arg5[%get3A_962] {strides = array<i32>} : memref<2048xi32, #tpu.memory_space<vmem>>, vector<16xi32>,
    %get3A_964 = vector.shape_cast %get3A_963 : vector<16xi32> to vector<16xi32>
    %add3A_965 = arith.addi %get3A_964, %mul3A_7 : vector<16xi32>
    %swap3A_966 = arith.constant 1520 : index
    %swap3A_967 = tpu.vector_load %arg5[%swap3A_966] {strides = array<i32>} : memref<2048xi32, #tpu.memory_space<vmem>>, vector<16xi32>,
    %swap3A_968 = vector.shape_cast %swap3A_967 : vector<16xi32> to vector<16xi32>
    %swap3A_969 = vector.shape_cast %add3A_965 : vector<16xi32> to vector<16xi32>
    tpu.vector_store %arg5[%swap3A_966], %swap3A_969 {strides = array<i32>} : memref<2048xi32, #tpu.memory_space<vmem>>, vector<16xi32>,
    %dma_start3A_970 = arith.constant 1408 : i32
    %dma_start3A_971 = tpu.memref_slice %arg5[%dma_start3A_970] : memref<2048xi32, #tpu.memory_space<vmem>> -> memref<128xi32, #tpu.memory_space<vmem>>
    %dma_start3A_972 = arith.constant 0 : i32
    %dma_start3A_973 = arith.constant 0 : i32
    %dma_start3A_974 = tpu.memref_slice %arg3[%dma_start3A_972, %dma_start3A_973] : memref<800000x128xf32, #tpu.memory_space<hbm>> -> memref<800000x128xf32, #tpu.memory_space<hbm>>
    tpu.enqueue_indirect_dma source(%dma_start3A_974 : memref<800000x128xf32, #tpu.memory_space<hbm>>) target(%arg11 : memref<128x128xf32, #tpu.memory_space<vmem>>) offsets(%dma_start3A_971 : memref<128xi32, #tpu.memory_space<vmem>>) semaphore(%arg17 : memref<!tpu.dma_semaphore, #tpu.memory_space<semaphore_mem>>)
    %dma_start3A_975 = arith.constant 6 : i32
    %dma_start3A_976 = arith.constant 0 : i32
    %dma_start3A_977 = arith.constant 0 : i32
    %dma_start3A_978 = tpu.memref_slice %arg4[%add3A, %dma_start3A_975, %dma_start3A_976, %dma_start3A_977] : memref<32x16x128x128xf32, #tpu.memory_space<hbm>> -> memref<1x1x128x128xf32, #tpu.memory_space<hbm>>
    %dma_start3A_979 = tpu.memref_squeeze %dma_start3A_978 : memref<1x1x128x128xf32, #tpu.memory_space<hbm>> -> memref<128x128xf32, #tpu.memory_space<hbm>>
    %dma_start3A_980 = arith.constant 0 : i32
    %dma_start3A_981 = arith.constant 0 : i32
    %dma_start3A_982 = tpu.memref_slice %arg4[%add3A, %dma_start3A_975, %dma_start3A_980, %dma_start3A_981] : memref<32x16x128x128xf32, #tpu.memory_space<hbm>> -> memref<1x1x128x128xf32, #tpu.memory_space<hbm>>
    %dma_start3A_983 = tpu.memref_squeeze %dma_start3A_982 : memref<1x1x128x128xf32, #tpu.memory_space<hbm>> -> memref<128x128xf32, #tpu.memory_space<hbm>>
    tpu.enqueue_dma source(%arg6 : memref<128x128xf32, #tpu.memory_space<vmem>>) target(%dma_start3A_983 : memref<128x128xf32, #tpu.memory_space<hbm>>) target_semaphore(%arg18 : memref<!tpu.dma_semaphore, #tpu.memory_space<semaphore_mem>>)
    %dma_wait3A_984 = arith.constant 896 : i32
    %dma_wait3A_985 = tpu.memref_slice %arg5[%dma_wait3A_984] : memref<2048xi32, #tpu.memory_space<vmem>> -> memref<128xi32, #tpu.memory_space<vmem>>
    %dma_wait3A_986 = arith.constant 0 : i32
    %dma_wait3A_987 = arith.constant 0 : i32
    %dma_wait3A_988 = tpu.memref_slice %arg3[%dma_wait3A_986, %dma_wait3A_987] : memref<800000x128xf32, #tpu.memory_space<hbm>> -> memref<800000x128xf32, #tpu.memory_space<hbm>>
    tpu.wait_indirect_dma semaphore(%arg13 : memref<!tpu.dma_semaphore, #tpu.memory_space<semaphore_mem>>) src(%dma_wait3A_988 : memref<800000x128xf32, #tpu.memory_space<hbm>>) dst(%arg7 : memref<128x128xf32, #tpu.memory_space<vmem>>)
    %dma_wait3A_989 = arith.constant 6 : i32
    %dma_wait3A_990 = arith.constant 0 : i32
    %dma_wait3A_991 = arith.constant 0 : i32
    %dma_wait3A_992 = tpu.memref_slice %arg4[%add3A, %dma_wait3A_989, %dma_wait3A_990, %dma_wait3A_991] : memref<32x16x128x128xf32, #tpu.memory_space<hbm>> -> memref<1x1x128x128xf32, #tpu.memory_space<hbm>>
    %dma_wait3A_993 = tpu.memref_squeeze %dma_wait3A_992 : memref<1x1x128x128xf32, #tpu.memory_space<hbm>> -> memref<128x128xf32, #tpu.memory_space<hbm>>
    %dma_wait3A_994 = arith.constant 0 : i32
    %dma_wait3A_995 = arith.constant 0 : i32
    %dma_wait3A_996 = tpu.memref_slice %arg4[%add3A, %dma_wait3A_989, %dma_wait3A_994, %dma_wait3A_995] : memref<32x16x128x128xf32, #tpu.memory_space<hbm>> -> memref<1x1x128x128xf32, #tpu.memory_space<hbm>>
    %dma_wait3A_997 = tpu.memref_squeeze %dma_wait3A_996 : memref<1x1x128x128xf32, #tpu.memory_space<hbm>> -> memref<128x128xf32, #tpu.memory_space<hbm>>
    tpu.wait_dma2 semaphore(%arg18 : memref<!tpu.dma_semaphore, #tpu.memory_space<semaphore_mem>>) src(%arg6 : memref<128x128xf32, #tpu.memory_space<vmem>>) dst(%dma_wait3A_997 : memref<128x128xf32, #tpu.memory_space<hbm>>)
    %get3A_998 = arith.constant 1536 : index
    %get3A_999 = tpu.vector_load %arg5[%get3A_998] {strides = array<i32>} : memref<2048xi32, #tpu.memory_space<vmem>>, vector<16xi32>,
    %get3A_1000 = vector.shape_cast %get3A_999 : vector<16xi32> to vector<16xi32>
    %add3A_1001 = arith.addi %get3A_1000, %mul3A_7 : vector<16xi32>
    %swap3A_1002 = arith.constant 1536 : index
    %swap3A_1003 = tpu.vector_load %arg5[%swap3A_1002] {strides = array<i32>} : memref<2048xi32, #tpu.memory_space<vmem>>, vector<16xi32>,
    %swap3A_1004 = vector.shape_cast %swap3A_1003 : vector<16xi32> to vector<16xi32>
    %swap3A_1005 = vector.shape_cast %add3A_1001 : vector<16xi32> to vector<16xi32>
    tpu.vector_store %arg5[%swap3A_1002], %swap3A_1005 {strides = array<i32>} : memref<2048xi32, #tpu.memory_space<vmem>>, vector<16xi32>,
    %get3A_1006 = arith.constant 1552 : index
    %get3A_1007 = tpu.vector_load %arg5[%get3A_1006] {strides = array<i32>} : memref<2048xi32, #tpu.memory_space<vmem>>, vector<16xi32>,
    %get3A_1008 = vector.shape_cast %get3A_1007 : vector<16xi32> to vector<16xi32>
    %add3A_1009 = arith.addi %get3A_1008, %mul3A_7 : vector<16xi32>
    %swap3A_1010 = arith.constant 1552 : index
    %swap3A_1011 = tpu.vector_load %arg5[%swap3A_1010] {strides = array<i32>} : memref<2048xi32, #tpu.memory_space<vmem>>, vector<16xi32>,
    %swap3A_1012 = vector.shape_cast %swap3A_1011 : vector<16xi32> to vector<16xi32>
    %swap3A_1013 = vector.shape_cast %add3A_1009 : vector<16xi32> to vector<16xi32>
    tpu.vector_store %arg5[%swap3A_1010], %swap3A_1013 {strides = array<i32>} : memref<2048xi32, #tpu.memory_space<vmem>>, vector<16xi32>,
    %get3A_1014 = arith.constant 1568 : index
    %get3A_1015 = tpu.vector_load %arg5[%get3A_1014] {strides = array<i32>} : memref<2048xi32, #tpu.memory_space<vmem>>, vector<16xi32>,
    %get3A_1016 = vector.shape_cast %get3A_1015 : vector<16xi32> to vector<16xi32>
    %add3A_1017 = arith.addi %get3A_1016, %mul3A_7 : vector<16xi32>
    %swap3A_1018 = arith.constant 1568 : index
    %swap3A_1019 = tpu.vector_load %arg5[%swap3A_1018] {strides = array<i32>} : memref<2048xi32, #tpu.memory_space<vmem>>, vector<16xi32>,
    %swap3A_1020 = vector.shape_cast %swap3A_1019 : vector<16xi32> to vector<16xi32>
    %swap3A_1021 = vector.shape_cast %add3A_1017 : vector<16xi32> to vector<16xi32>
    tpu.vector_store %arg5[%swap3A_1018], %swap3A_1021 {strides = array<i32>} : memref<2048xi32, #tpu.memory_space<vmem>>, vector<16xi32>,
    %get3A_1022 = arith.constant 1584 : index
    %get3A_1023 = tpu.vector_load %arg5[%get3A_1022] {strides = array<i32>} : memref<2048xi32, #tpu.memory_space<vmem>>, vector<16xi32>,
    %get3A_1024 = vector.shape_cast %get3A_1023 : vector<16xi32> to vector<16xi32>
    %add3A_1025 = arith.addi %get3A_1024, %mul3A_7 : vector<16xi32>
    %swap3A_1026 = arith.constant 1584 : index
    %swap3A_1027 = tpu.vector_load %arg5[%swap3A_1026] {strides = array<i32>} : memref<2048xi32, #tpu.memory_space<vmem>>, vector<16xi32>,
    %swap3A_1028 = vector.shape_cast %swap3A_1027 : vector<16xi32> to vector<16xi32>
    %swap3A_1029 = vector.shape_cast %add3A_1025 : vector<16xi32> to vector<16xi32>
    tpu.vector_store %arg5[%swap3A_1026], %swap3A_1029 {strides = array<i32>} : memref<2048xi32, #tpu.memory_space<vmem>>, vector<16xi32>,
    %get3A_1030 = arith.constant 1600 : index
    %get3A_1031 = tpu.vector_load %arg5[%get3A_1030] {strides = array<i32>} : memref<2048xi32, #tpu.memory_space<vmem>>, vector<16xi32>,
    %get3A_1032 = vector.shape_cast %get3A_1031 : vector<16xi32> to vector<16xi32>
    %add3A_1033 = arith.addi %get3A_1032, %mul3A_7 : vector<16xi32>
    %swap3A_1034 = arith.constant 1600 : index
    %swap3A_1035 = tpu.vector_load %arg5[%swap3A_1034] {strides = array<i32>} : memref<2048xi32, #tpu.memory_space<vmem>>, vector<16xi32>,
    %swap3A_1036 = vector.shape_cast %swap3A_1035 : vector<16xi32> to vector<16xi32>
    %swap3A_1037 = vector.shape_cast %add3A_1033 : vector<16xi32> to vector<16xi32>
    tpu.vector_store %arg5[%swap3A_1034], %swap3A_1037 {strides = array<i32>} : memref<2048xi32, #tpu.memory_space<vmem>>, vector<16xi32>,
    %get3A_1038 = arith.constant 1616 : index
    %get3A_1039 = tpu.vector_load %arg5[%get3A_1038] {strides = array<i32>} : memref<2048xi32, #tpu.memory_space<vmem>>, vector<16xi32>,
    %get3A_1040 = vector.shape_cast %get3A_1039 : vector<16xi32> to vector<16xi32>
    %add3A_1041 = arith.addi %get3A_1040, %mul3A_7 : vector<16xi32>
    %swap3A_1042 = arith.constant 1616 : index
    %swap3A_1043 = tpu.vector_load %arg5[%swap3A_1042] {strides = array<i32>} : memref<2048xi32, #tpu.memory_space<vmem>>, vector<16xi32>,
    %swap3A_1044 = vector.shape_cast %swap3A_1043 : vector<16xi32> to vector<16xi32>
    %swap3A_1045 = vector.shape_cast %add3A_1041 : vector<16xi32> to vector<16xi32>
    tpu.vector_store %arg5[%swap3A_1042], %swap3A_1045 {strides = array<i32>} : memref<2048xi32, #tpu.memory_space<vmem>>, vector<16xi32>,
    %get3A_1046 = arith.constant 1632 : index
    %get3A_1047 = tpu.vector_load %arg5[%get3A_1046] {strides = array<i32>} : memref<2048xi32, #tpu.memory_space<vmem>>, vector<16xi32>,
    %get3A_1048 = vector.shape_cast %get3A_1047 : vector<16xi32> to vector<16xi32>
    %add3A_1049 = arith.addi %get3A_1048, %mul3A_7 : vector<16xi32>
    %swap3A_1050 = arith.constant 1632 : index
    %swap3A_1051 = tpu.vector_load %arg5[%swap3A_1050] {strides = array<i32>} : memref<2048xi32, #tpu.memory_space<vmem>>, vector<16xi32>,
    %swap3A_1052 = vector.shape_cast %swap3A_1051 : vector<16xi32> to vector<16xi32>
    %swap3A_1053 = vector.shape_cast %add3A_1049 : vector<16xi32> to vector<16xi32>
    tpu.vector_store %arg5[%swap3A_1050], %swap3A_1053 {strides = array<i32>} : memref<2048xi32, #tpu.memory_space<vmem>>, vector<16xi32>,
    %get3A_1054 = arith.constant 1648 : index
    %get3A_1055 = tpu.vector_load %arg5[%get3A_1054] {strides = array<i32>} : memref<2048xi32, #tpu.memory_space<vmem>>, vector<16xi32>,
    %get3A_1056 = vector.shape_cast %get3A_1055 : vector<16xi32> to vector<16xi32>
    %add3A_1057 = arith.addi %get3A_1056, %mul3A_7 : vector<16xi32>
    %swap3A_1058 = arith.constant 1648 : index
    %swap3A_1059 = tpu.vector_load %arg5[%swap3A_1058] {strides = array<i32>} : memref<2048xi32, #tpu.memory_space<vmem>>, vector<16xi32>,
    %swap3A_1060 = vector.shape_cast %swap3A_1059 : vector<16xi32> to vector<16xi32>
    %swap3A_1061 = vector.shape_cast %add3A_1057 : vector<16xi32> to vector<16xi32>
    tpu.vector_store %arg5[%swap3A_1058], %swap3A_1061 {strides = array<i32>} : memref<2048xi32, #tpu.memory_space<vmem>>, vector<16xi32>,
    %dma_start3A_1062 = arith.constant 1536 : i32
    %dma_start3A_1063 = tpu.memref_slice %arg5[%dma_start3A_1062] : memref<2048xi32, #tpu.memory_space<vmem>> -> memref<128xi32, #tpu.memory_space<vmem>>
    %dma_start3A_1064 = arith.constant 0 : i32
    %dma_start3A_1065 = arith.constant 0 : i32
    %dma_start3A_1066 = tpu.memref_slice %arg3[%dma_start3A_1064, %dma_start3A_1065] : memref<800000x128xf32, #tpu.memory_space<hbm>> -> memref<800000x128xf32, #tpu.memory_space<hbm>>
    tpu.enqueue_indirect_dma source(%dma_start3A_1066 : memref<800000x128xf32, #tpu.memory_space<hbm>>) target(%arg6 : memref<128x128xf32, #tpu.memory_space<vmem>>) offsets(%dma_start3A_1063 : memref<128xi32, #tpu.memory_space<vmem>>) semaphore(%arg12 : memref<!tpu.dma_semaphore, #tpu.memory_space<semaphore_mem>>)
    %dma_start3A_1067 = arith.constant 7 : i32
    %dma_start3A_1068 = arith.constant 0 : i32
    %dma_start3A_1069 = arith.constant 0 : i32
    %dma_start3A_1070 = tpu.memref_slice %arg4[%add3A, %dma_start3A_1067, %dma_start3A_1068, %dma_start3A_1069] : memref<32x16x128x128xf32, #tpu.memory_space<hbm>> -> memref<1x1x128x128xf32, #tpu.memory_space<hbm>>
    %dma_start3A_1071 = tpu.memref_squeeze %dma_start3A_1070 : memref<1x1x128x128xf32, #tpu.memory_space<hbm>> -> memref<128x128xf32, #tpu.memory_space<hbm>>
    %dma_start3A_1072 = arith.constant 0 : i32
    %dma_start3A_1073 = arith.constant 0 : i32
    %dma_start3A_1074 = tpu.memref_slice %arg4[%add3A, %dma_start3A_1067, %dma_start3A_1072, %dma_start3A_1073] : memref<32x16x128x128xf32, #tpu.memory_space<hbm>> -> memref<1x1x128x128xf32, #tpu.memory_space<hbm>>
    %dma_start3A_1075 = tpu.memref_squeeze %dma_start3A_1074 : memref<1x1x128x128xf32, #tpu.memory_space<hbm>> -> memref<128x128xf32, #tpu.memory_space<hbm>>
    tpu.enqueue_dma source(%arg7 : memref<128x128xf32, #tpu.memory_space<vmem>>) target(%dma_start3A_1075 : memref<128x128xf32, #tpu.memory_space<hbm>>) target_semaphore(%arg19 : memref<!tpu.dma_semaphore, #tpu.memory_space<semaphore_mem>>)
    %dma_wait3A_1076 = arith.constant 1024 : i32
    %dma_wait3A_1077 = tpu.memref_slice %arg5[%dma_wait3A_1076] : memref<2048xi32, #tpu.memory_space<vmem>> -> memref<128xi32, #tpu.memory_space<vmem>>
    %dma_wait3A_1078 = arith.constant 0 : i32
    %dma_wait3A_1079 = arith.constant 0 : i32
    %dma_wait3A_1080 = tpu.memref_slice %arg3[%dma_wait3A_1078, %dma_wait3A_1079] : memref<800000x128xf32, #tpu.memory_space<hbm>> -> memref<800000x128xf32, #tpu.memory_space<hbm>>
    tpu.wait_indirect_dma semaphore(%arg14 : memref<!tpu.dma_semaphore, #tpu.memory_space<semaphore_mem>>) src(%dma_wait3A_1080 : memref<800000x128xf32, #tpu.memory_space<hbm>>) dst(%arg8 : memref<128x128xf32, #tpu.memory_space<vmem>>)
    %dma_wait3A_1081 = arith.constant 7 : i32
    %dma_wait3A_1082 = arith.constant 0 : i32
    %dma_wait3A_1083 = arith.constant 0 : i32
    %dma_wait3A_1084 = tpu.memref_slice %arg4[%add3A, %dma_wait3A_1081, %dma_wait3A_1082, %dma_wait3A_1083] : memref<32x16x128x128xf32, #tpu.memory_space<hbm>> -> memref<1x1x128x128xf32, #tpu.memory_space<hbm>>
    %dma_wait3A_1085 = tpu.memref_squeeze %dma_wait3A_1084 : memref<1x1x128x128xf32, #tpu.memory_space<hbm>> -> memref<128x128xf32, #tpu.memory_space<hbm>>
    %dma_wait3A_1086 = arith.constant 0 : i32
    %dma_wait3A_1087 = arith.constant 0 : i32
    %dma_wait3A_1088 = tpu.memref_slice %arg4[%add3A, %dma_wait3A_1081, %dma_wait3A_1086, %dma_wait3A_1087] : memref<32x16x128x128xf32, #tpu.memory_space<hbm>> -> memref<1x1x128x128xf32, #tpu.memory_space<hbm>>
    %dma_wait3A_1089 = tpu.memref_squeeze %dma_wait3A_1088 : memref<1x1x128x128xf32, #tpu.memory_space<hbm>> -> memref<128x128xf32, #tpu.memory_space<hbm>>
    tpu.wait_dma2 semaphore(%arg19 : memref<!tpu.dma_semaphore, #tpu.memory_space<semaphore_mem>>) src(%arg7 : memref<128x128xf32, #tpu.memory_space<vmem>>) dst(%dma_wait3A_1089 : memref<128x128xf32, #tpu.memory_space<hbm>>)
    %get3A_1090 = arith.constant 1664 : index
    %get3A_1091 = tpu.vector_load %arg5[%get3A_1090] {strides = array<i32>} : memref<2048xi32, #tpu.memory_space<vmem>>, vector<16xi32>,
    %get3A_1092 = vector.shape_cast %get3A_1091 : vector<16xi32> to vector<16xi32>
    %add3A_1093 = arith.addi %get3A_1092, %mul3A_7 : vector<16xi32>
    %swap3A_1094 = arith.constant 1664 : index
    %swap3A_1095 = tpu.vector_load %arg5[%swap3A_1094] {strides = array<i32>} : memref<2048xi32, #tpu.memory_space<vmem>>, vector<16xi32>,
    %swap3A_1096 = vector.shape_cast %swap3A_1095 : vector<16xi32> to vector<16xi32>
    %swap3A_1097 = vector.shape_cast %add3A_1093 : vector<16xi32> to vector<16xi32>
    tpu.vector_store %arg5[%swap3A_1094], %swap3A_1097 {strides = array<i32>} : memref<2048xi32, #tpu.memory_space<vmem>>, vector<16xi32>,
    %get3A_1098 = arith.constant 1680 : index
    %get3A_1099 = tpu.vector_load %arg5[%get3A_1098] {strides = array<i32>} : memref<2048xi32, #tpu.memory_space<vmem>>, vector<16xi32>,
    %get3A_1100 = vector.shape_cast %get3A_1099 : vector<16xi32> to vector<16xi32>
    %add3A_1101 = arith.addi %get3A_1100, %mul3A_7 : vector<16xi32>
    %swap3A_1102 = arith.constant 1680 : index
    %swap3A_1103 = tpu.vector_load %arg5[%swap3A_1102] {strides = array<i32>} : memref<2048xi32, #tpu.memory_space<vmem>>, vector<16xi32>,
    %swap3A_1104 = vector.shape_cast %swap3A_1103 : vector<16xi32> to vector<16xi32>
    %swap3A_1105 = vector.shape_cast %add3A_1101 : vector<16xi32> to vector<16xi32>
    tpu.vector_store %arg5[%swap3A_1102], %swap3A_1105 {strides = array<i32>} : memref<2048xi32, #tpu.memory_space<vmem>>, vector<16xi32>,
    %get3A_1106 = arith.constant 1696 : index
    %get3A_1107 = tpu.vector_load %arg5[%get3A_1106] {strides = array<i32>} : memref<2048xi32, #tpu.memory_space<vmem>>, vector<16xi32>,
    %get3A_1108 = vector.shape_cast %get3A_1107 : vector<16xi32> to vector<16xi32>
    %add3A_1109 = arith.addi %get3A_1108, %mul3A_7 : vector<16xi32>
    %swap3A_1110 = arith.constant 1696 : index
    %swap3A_1111 = tpu.vector_load %arg5[%swap3A_1110] {strides = array<i32>} : memref<2048xi32, #tpu.memory_space<vmem>>, vector<16xi32>,
    %swap3A_1112 = vector.shape_cast %swap3A_1111 : vector<16xi32> to vector<16xi32>
    %swap3A_1113 = vector.shape_cast %add3A_1109 : vector<16xi32> to vector<16xi32>
    tpu.vector_store %arg5[%swap3A_1110], %swap3A_1113 {strides = array<i32>} : memref<2048xi32, #tpu.memory_space<vmem>>, vector<16xi32>,
    %get3A_1114 = arith.constant 1712 : index
    %get3A_1115 = tpu.vector_load %arg5[%get3A_1114] {strides = array<i32>} : memref<2048xi32, #tpu.memory_space<vmem>>, vector<16xi32>,
    %get3A_1116 = vector.shape_cast %get3A_1115 : vector<16xi32> to vector<16xi32>
    %add3A_1117 = arith.addi %get3A_1116, %mul3A_7 : vector<16xi32>
    %swap3A_1118 = arith.constant 1712 : index
    %swap3A_1119 = tpu.vector_load %arg5[%swap3A_1118] {strides = array<i32>} : memref<2048xi32, #tpu.memory_space<vmem>>, vector<16xi32>,
    %swap3A_1120 = vector.shape_cast %swap3A_1119 : vector<16xi32> to vector<16xi32>
    %swap3A_1121 = vector.shape_cast %add3A_1117 : vector<16xi32> to vector<16xi32>
    tpu.vector_store %arg5[%swap3A_1118], %swap3A_1121 {strides = array<i32>} : memref<2048xi32, #tpu.memory_space<vmem>>, vector<16xi32>,
    %get3A_1122 = arith.constant 1728 : index
    %get3A_1123 = tpu.vector_load %arg5[%get3A_1122] {strides = array<i32>} : memref<2048xi32, #tpu.memory_space<vmem>>, vector<16xi32>,
    %get3A_1124 = vector.shape_cast %get3A_1123 : vector<16xi32> to vector<16xi32>
    %add3A_1125 = arith.addi %get3A_1124, %mul3A_7 : vector<16xi32>
    %swap3A_1126 = arith.constant 1728 : index
    %swap3A_1127 = tpu.vector_load %arg5[%swap3A_1126] {strides = array<i32>} : memref<2048xi32, #tpu.memory_space<vmem>>, vector<16xi32>,
    %swap3A_1128 = vector.shape_cast %swap3A_1127 : vector<16xi32> to vector<16xi32>
    %swap3A_1129 = vector.shape_cast %add3A_1125 : vector<16xi32> to vector<16xi32>
    tpu.vector_store %arg5[%swap3A_1126], %swap3A_1129 {strides = array<i32>} : memref<2048xi32, #tpu.memory_space<vmem>>, vector<16xi32>,
    %get3A_1130 = arith.constant 1744 : index
    %get3A_1131 = tpu.vector_load %arg5[%get3A_1130] {strides = array<i32>} : memref<2048xi32, #tpu.memory_space<vmem>>, vector<16xi32>,
    %get3A_1132 = vector.shape_cast %get3A_1131 : vector<16xi32> to vector<16xi32>
    %add3A_1133 = arith.addi %get3A_1132, %mul3A_7 : vector<16xi32>
    %swap3A_1134 = arith.constant 1744 : index
    %swap3A_1135 = tpu.vector_load %arg5[%swap3A_1134] {strides = array<i32>} : memref<2048xi32, #tpu.memory_space<vmem>>, vector<16xi32>,
    %swap3A_1136 = vector.shape_cast %swap3A_1135 : vector<16xi32> to vector<16xi32>
    %swap3A_1137 = vector.shape_cast %add3A_1133 : vector<16xi32> to vector<16xi32>
    tpu.vector_store %arg5[%swap3A_1134], %swap3A_1137 {strides = array<i32>} : memref<2048xi32, #tpu.memory_space<vmem>>, vector<16xi32>,
    %get3A_1138 = arith.constant 1760 : index
    %get3A_1139 = tpu.vector_load %arg5[%get3A_1138] {strides = array<i32>} : memref<2048xi32, #tpu.memory_space<vmem>>, vector<16xi32>,
    %get3A_1140 = vector.shape_cast %get3A_1139 : vector<16xi32> to vector<16xi32>
    %add3A_1141 = arith.addi %get3A_1140, %mul3A_7 : vector<16xi32>
    %swap3A_1142 = arith.constant 1760 : index
    %swap3A_1143 = tpu.vector_load %arg5[%swap3A_1142] {strides = array<i32>} : memref<2048xi32, #tpu.memory_space<vmem>>, vector<16xi32>,
    %swap3A_1144 = vector.shape_cast %swap3A_1143 : vector<16xi32> to vector<16xi32>
    %swap3A_1145 = vector.shape_cast %add3A_1141 : vector<16xi32> to vector<16xi32>
    tpu.vector_store %arg5[%swap3A_1142], %swap3A_1145 {strides = array<i32>} : memref<2048xi32, #tpu.memory_space<vmem>>, vector<16xi32>,
    %get3A_1146 = arith.constant 1776 : index
    %get3A_1147 = tpu.vector_load %arg5[%get3A_1146] {strides = array<i32>} : memref<2048xi32, #tpu.memory_space<vmem>>, vector<16xi32>,
    %get3A_1148 = vector.shape_cast %get3A_1147 : vector<16xi32> to vector<16xi32>
    %add3A_1149 = arith.addi %get3A_1148, %mul3A_7 : vector<16xi32>
    %swap3A_1150 = arith.constant 1776 : index
    %swap3A_1151 = tpu.vector_load %arg5[%swap3A_1150] {strides = array<i32>} : memref<2048xi32, #tpu.memory_space<vmem>>, vector<16xi32>,
    %swap3A_1152 = vector.shape_cast %swap3A_1151 : vector<16xi32> to vector<16xi32>
    %swap3A_1153 = vector.shape_cast %add3A_1149 : vector<16xi32> to vector<16xi32>
    tpu.vector_store %arg5[%swap3A_1150], %swap3A_1153 {strides = array<i32>} : memref<2048xi32, #tpu.memory_space<vmem>>, vector<16xi32>,
    %dma_start3A_1154 = arith.constant 1664 : i32
    %dma_start3A_1155 = tpu.memref_slice %arg5[%dma_start3A_1154] : memref<2048xi32, #tpu.memory_space<vmem>> -> memref<128xi32, #tpu.memory_space<vmem>>
    %dma_start3A_1156 = arith.constant 0 : i32
    %dma_start3A_1157 = arith.constant 0 : i32
    %dma_start3A_1158 = tpu.memref_slice %arg3[%dma_start3A_1156, %dma_start3A_1157] : memref<800000x128xf32, #tpu.memory_space<hbm>> -> memref<800000x128xf32, #tpu.memory_space<hbm>>
    tpu.enqueue_indirect_dma source(%dma_start3A_1158 : memref<800000x128xf32, #tpu.memory_space<hbm>>) target(%arg7 : memref<128x128xf32, #tpu.memory_space<vmem>>) offsets(%dma_start3A_1155 : memref<128xi32, #tpu.memory_space<vmem>>) semaphore(%arg13 : memref<!tpu.dma_semaphore, #tpu.memory_space<semaphore_mem>>)
    %dma_start3A_1159 = arith.constant 8 : i32
    %dma_start3A_1160 = arith.constant 0 : i32
    %dma_start3A_1161 = arith.constant 0 : i32
    %dma_start3A_1162 = tpu.memref_slice %arg4[%add3A, %dma_start3A_1159, %dma_start3A_1160, %dma_start3A_1161] : memref<32x16x128x128xf32, #tpu.memory_space<hbm>> -> memref<1x1x128x128xf32, #tpu.memory_space<hbm>>
    %dma_start3A_1163 = tpu.memref_squeeze %dma_start3A_1162 : memref<1x1x128x128xf32, #tpu.memory_space<hbm>> -> memref<128x128xf32, #tpu.memory_space<hbm>>
    %dma_start3A_1164 = arith.constant 0 : i32
    %dma_start3A_1165 = arith.constant 0 : i32
    %dma_start3A_1166 = tpu.memref_slice %arg4[%add3A, %dma_start3A_1159, %dma_start3A_1164, %dma_start3A_1165] : memref<32x16x128x128xf32, #tpu.memory_space<hbm>> -> memref<1x1x128x128xf32, #tpu.memory_space<hbm>>
    %dma_start3A_1167 = tpu.memref_squeeze %dma_start3A_1166 : memref<1x1x128x128xf32, #tpu.memory_space<hbm>> -> memref<128x128xf32, #tpu.memory_space<hbm>>
    tpu.enqueue_dma source(%arg8 : memref<128x128xf32, #tpu.memory_space<vmem>>) target(%dma_start3A_1167 : memref<128x128xf32, #tpu.memory_space<hbm>>) target_semaphore(%arg20 : memref<!tpu.dma_semaphore, #tpu.memory_space<semaphore_mem>>)
    %dma_wait3A_1168 = arith.constant 1152 : i32
    %dma_wait3A_1169 = tpu.memref_slice %arg5[%dma_wait3A_1168] : memref<2048xi32, #tpu.memory_space<vmem>> -> memref<128xi32, #tpu.memory_space<vmem>>
    %dma_wait3A_1170 = arith.constant 0 : i32
    %dma_wait3A_1171 = arith.constant 0 : i32
    %dma_wait3A_1172 = tpu.memref_slice %arg3[%dma_wait3A_1170, %dma_wait3A_1171] : memref<800000x128xf32, #tpu.memory_space<hbm>> -> memref<800000x128xf32, #tpu.memory_space<hbm>>
    tpu.wait_indirect_dma semaphore(%arg15 : memref<!tpu.dma_semaphore, #tpu.memory_space<semaphore_mem>>) src(%dma_wait3A_1172 : memref<800000x128xf32, #tpu.memory_space<hbm>>) dst(%arg9 : memref<128x128xf32, #tpu.memory_space<vmem>>)
    %dma_wait3A_1173 = arith.constant 8 : i32
    %dma_wait3A_1174 = arith.constant 0 : i32
    %dma_wait3A_1175 = arith.constant 0 : i32
    %dma_wait3A_1176 = tpu.memref_slice %arg4[%add3A, %dma_wait3A_1173, %dma_wait3A_1174, %dma_wait3A_1175] : memref<32x16x128x128xf32, #tpu.memory_space<hbm>> -> memref<1x1x128x128xf32, #tpu.memory_space<hbm>>
    %dma_wait3A_1177 = tpu.memref_squeeze %dma_wait3A_1176 : memref<1x1x128x128xf32, #tpu.memory_space<hbm>> -> memref<128x128xf32, #tpu.memory_space<hbm>>
    %dma_wait3A_1178 = arith.constant 0 : i32
    %dma_wait3A_1179 = arith.constant 0 : i32
    %dma_wait3A_1180 = tpu.memref_slice %arg4[%add3A, %dma_wait3A_1173, %dma_wait3A_1178, %dma_wait3A_1179] : memref<32x16x128x128xf32, #tpu.memory_space<hbm>> -> memref<1x1x128x128xf32, #tpu.memory_space<hbm>>
    %dma_wait3A_1181 = tpu.memref_squeeze %dma_wait3A_1180 : memref<1x1x128x128xf32, #tpu.memory_space<hbm>> -> memref<128x128xf32, #tpu.memory_space<hbm>>
    tpu.wait_dma2 semaphore(%arg20 : memref<!tpu.dma_semaphore, #tpu.memory_space<semaphore_mem>>) src(%arg8 : memref<128x128xf32, #tpu.memory_space<vmem>>) dst(%dma_wait3A_1181 : memref<128x128xf32, #tpu.memory_space<hbm>>)
    %get3A_1182 = arith.constant 1792 : index
    %get3A_1183 = tpu.vector_load %arg5[%get3A_1182] {strides = array<i32>} : memref<2048xi32, #tpu.memory_space<vmem>>, vector<16xi32>,
    %get3A_1184 = vector.shape_cast %get3A_1183 : vector<16xi32> to vector<16xi32>
    %add3A_1185 = arith.addi %get3A_1184, %mul3A_7 : vector<16xi32>
    %swap3A_1186 = arith.constant 1792 : index
    %swap3A_1187 = tpu.vector_load %arg5[%swap3A_1186] {strides = array<i32>} : memref<2048xi32, #tpu.memory_space<vmem>>, vector<16xi32>,
    %swap3A_1188 = vector.shape_cast %swap3A_1187 : vector<16xi32> to vector<16xi32>
    %swap3A_1189 = vector.shape_cast %add3A_1185 : vector<16xi32> to vector<16xi32>
    tpu.vector_store %arg5[%swap3A_1186], %swap3A_1189 {strides = array<i32>} : memref<2048xi32, #tpu.memory_space<vmem>>, vector<16xi32>,
    %get3A_1190 = arith.constant 1808 : index
    %get3A_1191 = tpu.vector_load %arg5[%get3A_1190] {strides = array<i32>} : memref<2048xi32, #tpu.memory_space<vmem>>, vector<16xi32>,
    %get3A_1192 = vector.shape_cast %get3A_1191 : vector<16xi32> to vector<16xi32>
    %add3A_1193 = arith.addi %get3A_1192, %mul3A_7 : vector<16xi32>
    %swap3A_1194 = arith.constant 1808 : index
    %swap3A_1195 = tpu.vector_load %arg5[%swap3A_1194] {strides = array<i32>} : memref<2048xi32, #tpu.memory_space<vmem>>, vector<16xi32>,
    %swap3A_1196 = vector.shape_cast %swap3A_1195 : vector<16xi32> to vector<16xi32>
    %swap3A_1197 = vector.shape_cast %add3A_1193 : vector<16xi32> to vector<16xi32>
    tpu.vector_store %arg5[%swap3A_1194], %swap3A_1197 {strides = array<i32>} : memref<2048xi32, #tpu.memory_space<vmem>>, vector<16xi32>,
    %get3A_1198 = arith.constant 1824 : index
    %get3A_1199 = tpu.vector_load %arg5[%get3A_1198] {strides = array<i32>} : memref<2048xi32, #tpu.memory_space<vmem>>, vector<16xi32>,
    %get3A_1200 = vector.shape_cast %get3A_1199 : vector<16xi32> to vector<16xi32>
    %add3A_1201 = arith.addi %get3A_1200, %mul3A_7 : vector<16xi32>
    %swap3A_1202 = arith.constant 1824 : index
    %swap3A_1203 = tpu.vector_load %arg5[%swap3A_1202] {strides = array<i32>} : memref<2048xi32, #tpu.memory_space<vmem>>, vector<16xi32>,
    %swap3A_1204 = vector.shape_cast %swap3A_1203 : vector<16xi32> to vector<16xi32>
    %swap3A_1205 = vector.shape_cast %add3A_1201 : vector<16xi32> to vector<16xi32>
    tpu.vector_store %arg5[%swap3A_1202], %swap3A_1205 {strides = array<i32>} : memref<2048xi32, #tpu.memory_space<vmem>>, vector<16xi32>,
    %get3A_1206 = arith.constant 1840 : index
    %get3A_1207 = tpu.vector_load %arg5[%get3A_1206] {strides = array<i32>} : memref<2048xi32, #tpu.memory_space<vmem>>, vector<16xi32>,
    %get3A_1208 = vector.shape_cast %get3A_1207 : vector<16xi32> to vector<16xi32>
    %add3A_1209 = arith.addi %get3A_1208, %mul3A_7 : vector<16xi32>
    %swap3A_1210 = arith.constant 1840 : index
    %swap3A_1211 = tpu.vector_load %arg5[%swap3A_1210] {strides = array<i32>} : memref<2048xi32, #tpu.memory_space<vmem>>, vector<16xi32>,
    %swap3A_1212 = vector.shape_cast %swap3A_1211 : vector<16xi32> to vector<16xi32>
    %swap3A_1213 = vector.shape_cast %add3A_1209 : vector<16xi32> to vector<16xi32>
    tpu.vector_store %arg5[%swap3A_1210], %swap3A_1213 {strides = array<i32>} : memref<2048xi32, #tpu.memory_space<vmem>>, vector<16xi32>,
    %get3A_1214 = arith.constant 1856 : index
    %get3A_1215 = tpu.vector_load %arg5[%get3A_1214] {strides = array<i32>} : memref<2048xi32, #tpu.memory_space<vmem>>, vector<16xi32>,
    %get3A_1216 = vector.shape_cast %get3A_1215 : vector<16xi32> to vector<16xi32>
    %add3A_1217 = arith.addi %get3A_1216, %mul3A_7 : vector<16xi32>
    %swap3A_1218 = arith.constant 1856 : index
    %swap3A_1219 = tpu.vector_load %arg5[%swap3A_1218] {strides = array<i32>} : memref<2048xi32, #tpu.memory_space<vmem>>, vector<16xi32>,
    %swap3A_1220 = vector.shape_cast %swap3A_1219 : vector<16xi32> to vector<16xi32>
    %swap3A_1221 = vector.shape_cast %add3A_1217 : vector<16xi32> to vector<16xi32>
    tpu.vector_store %arg5[%swap3A_1218], %swap3A_1221 {strides = array<i32>} : memref<2048xi32, #tpu.memory_space<vmem>>, vector<16xi32>,
    %get3A_1222 = arith.constant 1872 : index
    %get3A_1223 = tpu.vector_load %arg5[%get3A_1222] {strides = array<i32>} : memref<2048xi32, #tpu.memory_space<vmem>>, vector<16xi32>,
    %get3A_1224 = vector.shape_cast %get3A_1223 : vector<16xi32> to vector<16xi32>
    %add3A_1225 = arith.addi %get3A_1224, %mul3A_7 : vector<16xi32>
    %swap3A_1226 = arith.constant 1872 : index
    %swap3A_1227 = tpu.vector_load %arg5[%swap3A_1226] {strides = array<i32>} : memref<2048xi32, #tpu.memory_space<vmem>>, vector<16xi32>,
    %swap3A_1228 = vector.shape_cast %swap3A_1227 : vector<16xi32> to vector<16xi32>
    %swap3A_1229 = vector.shape_cast %add3A_1225 : vector<16xi32> to vector<16xi32>
    tpu.vector_store %arg5[%swap3A_1226], %swap3A_1229 {strides = array<i32>} : memref<2048xi32, #tpu.memory_space<vmem>>, vector<16xi32>,
    %get3A_1230 = arith.constant 1888 : index
    %get3A_1231 = tpu.vector_load %arg5[%get3A_1230] {strides = array<i32>} : memref<2048xi32, #tpu.memory_space<vmem>>, vector<16xi32>,
    %get3A_1232 = vector.shape_cast %get3A_1231 : vector<16xi32> to vector<16xi32>
    %add3A_1233 = arith.addi %get3A_1232, %mul3A_7 : vector<16xi32>
    %swap3A_1234 = arith.constant 1888 : index
    %swap3A_1235 = tpu.vector_load %arg5[%swap3A_1234] {strides = array<i32>} : memref<2048xi32, #tpu.memory_space<vmem>>, vector<16xi32>,
    %swap3A_1236 = vector.shape_cast %swap3A_1235 : vector<16xi32> to vector<16xi32>
    %swap3A_1237 = vector.shape_cast %add3A_1233 : vector<16xi32> to vector<16xi32>
    tpu.vector_store %arg5[%swap3A_1234], %swap3A_1237 {strides = array<i32>} : memref<2048xi32, #tpu.memory_space<vmem>>, vector<16xi32>,
    %get3A_1238 = arith.constant 1904 : index
    %get3A_1239 = tpu.vector_load %arg5[%get3A_1238] {strides = array<i32>} : memref<2048xi32, #tpu.memory_space<vmem>>, vector<16xi32>,
    %get3A_1240 = vector.shape_cast %get3A_1239 : vector<16xi32> to vector<16xi32>
    %add3A_1241 = arith.addi %get3A_1240, %mul3A_7 : vector<16xi32>
    %swap3A_1242 = arith.constant 1904 : index
    %swap3A_1243 = tpu.vector_load %arg5[%swap3A_1242] {strides = array<i32>} : memref<2048xi32, #tpu.memory_space<vmem>>, vector<16xi32>,
    %swap3A_1244 = vector.shape_cast %swap3A_1243 : vector<16xi32> to vector<16xi32>
    %swap3A_1245 = vector.shape_cast %add3A_1241 : vector<16xi32> to vector<16xi32>
    tpu.vector_store %arg5[%swap3A_1242], %swap3A_1245 {strides = array<i32>} : memref<2048xi32, #tpu.memory_space<vmem>>, vector<16xi32>,
    %dma_start3A_1246 = arith.constant 1792 : i32
    %dma_start3A_1247 = tpu.memref_slice %arg5[%dma_start3A_1246] : memref<2048xi32, #tpu.memory_space<vmem>> -> memref<128xi32, #tpu.memory_space<vmem>>
    %dma_start3A_1248 = arith.constant 0 : i32
    %dma_start3A_1249 = arith.constant 0 : i32
    %dma_start3A_1250 = tpu.memref_slice %arg3[%dma_start3A_1248, %dma_start3A_1249] : memref<800000x128xf32, #tpu.memory_space<hbm>> -> memref<800000x128xf32, #tpu.memory_space<hbm>>
    tpu.enqueue_indirect_dma source(%dma_start3A_1250 : memref<800000x128xf32, #tpu.memory_space<hbm>>) target(%arg8 : memref<128x128xf32, #tpu.memory_space<vmem>>) offsets(%dma_start3A_1247 : memref<128xi32, #tpu.memory_space<vmem>>) semaphore(%arg14 : memref<!tpu.dma_semaphore, #tpu.memory_space<semaphore_mem>>)
    %dma_start3A_1251 = arith.constant 9 : i32
    %dma_start3A_1252 = arith.constant 0 : i32
    %dma_start3A_1253 = arith.constant 0 : i32
    %dma_start3A_1254 = tpu.memref_slice %arg4[%add3A, %dma_start3A_1251, %dma_start3A_1252, %dma_start3A_1253] : memref<32x16x128x128xf32, #tpu.memory_space<hbm>> -> memref<1x1x128x128xf32, #tpu.memory_space<hbm>>
    %dma_start3A_1255 = tpu.memref_squeeze %dma_start3A_1254 : memref<1x1x128x128xf32, #tpu.memory_space<hbm>> -> memref<128x128xf32, #tpu.memory_space<hbm>>
    %dma_start3A_1256 = arith.constant 0 : i32
    %dma_start3A_1257 = arith.constant 0 : i32
    %dma_start3A_1258 = tpu.memref_slice %arg4[%add3A, %dma_start3A_1251, %dma_start3A_1256, %dma_start3A_1257] : memref<32x16x128x128xf32, #tpu.memory_space<hbm>> -> memref<1x1x128x128xf32, #tpu.memory_space<hbm>>
    %dma_start3A_1259 = tpu.memref_squeeze %dma_start3A_1258 : memref<1x1x128x128xf32, #tpu.memory_space<hbm>> -> memref<128x128xf32, #tpu.memory_space<hbm>>
    tpu.enqueue_dma source(%arg9 : memref<128x128xf32, #tpu.memory_space<vmem>>) target(%dma_start3A_1259 : memref<128x128xf32, #tpu.memory_space<hbm>>) target_semaphore(%arg21 : memref<!tpu.dma_semaphore, #tpu.memory_space<semaphore_mem>>)
    %dma_wait3A_1260 = arith.constant 1280 : i32
    %dma_wait3A_1261 = tpu.memref_slice %arg5[%dma_wait3A_1260] : memref<2048xi32, #tpu.memory_space<vmem>> -> memref<128xi32, #tpu.memory_space<vmem>>
    %dma_wait3A_1262 = arith.constant 0 : i32
    %dma_wait3A_1263 = arith.constant 0 : i32
    %dma_wait3A_1264 = tpu.memref_slice %arg3[%dma_wait3A_1262, %dma_wait3A_1263] : memref<800000x128xf32, #tpu.memory_space<hbm>> -> memref<800000x128xf32, #tpu.memory_space<hbm>>
    tpu.wait_indirect_dma semaphore(%arg16 : memref<!tpu.dma_semaphore, #tpu.memory_space<semaphore_mem>>) src(%dma_wait3A_1264 : memref<800000x128xf32, #tpu.memory_space<hbm>>) dst(%arg10 : memref<128x128xf32, #tpu.memory_space<vmem>>)
    %dma_wait3A_1265 = arith.constant 9 : i32
    %dma_wait3A_1266 = arith.constant 0 : i32
    %dma_wait3A_1267 = arith.constant 0 : i32
    %dma_wait3A_1268 = tpu.memref_slice %arg4[%add3A, %dma_wait3A_1265, %dma_wait3A_1266, %dma_wait3A_1267] : memref<32x16x128x128xf32, #tpu.memory_space<hbm>> -> memref<1x1x128x128xf32, #tpu.memory_space<hbm>>
    %dma_wait3A_1269 = tpu.memref_squeeze %dma_wait3A_1268 : memref<1x1x128x128xf32, #tpu.memory_space<hbm>> -> memref<128x128xf32, #tpu.memory_space<hbm>>
    %dma_wait3A_1270 = arith.constant 0 : i32
    %dma_wait3A_1271 = arith.constant 0 : i32
    %dma_wait3A_1272 = tpu.memref_slice %arg4[%add3A, %dma_wait3A_1265, %dma_wait3A_1270, %dma_wait3A_1271] : memref<32x16x128x128xf32, #tpu.memory_space<hbm>> -> memref<1x1x128x128xf32, #tpu.memory_space<hbm>>
    %dma_wait3A_1273 = tpu.memref_squeeze %dma_wait3A_1272 : memref<1x1x128x128xf32, #tpu.memory_space<hbm>> -> memref<128x128xf32, #tpu.memory_space<hbm>>
    tpu.wait_dma2 semaphore(%arg21 : memref<!tpu.dma_semaphore, #tpu.memory_space<semaphore_mem>>) src(%arg9 : memref<128x128xf32, #tpu.memory_space<vmem>>) dst(%dma_wait3A_1273 : memref<128x128xf32, #tpu.memory_space<hbm>>)
    %get3A_1274 = arith.constant 1920 : index
    %get3A_1275 = tpu.vector_load %arg5[%get3A_1274] {strides = array<i32>} : memref<2048xi32, #tpu.memory_space<vmem>>, vector<16xi32>,
    %get3A_1276 = vector.shape_cast %get3A_1275 : vector<16xi32> to vector<16xi32>
    %add3A_1277 = arith.addi %get3A_1276, %mul3A_7 : vector<16xi32>
    %swap3A_1278 = arith.constant 1920 : index
    %swap3A_1279 = tpu.vector_load %arg5[%swap3A_1278] {strides = array<i32>} : memref<2048xi32, #tpu.memory_space<vmem>>, vector<16xi32>,
    %swap3A_1280 = vector.shape_cast %swap3A_1279 : vector<16xi32> to vector<16xi32>
    %swap3A_1281 = vector.shape_cast %add3A_1277 : vector<16xi32> to vector<16xi32>
    tpu.vector_store %arg5[%swap3A_1278], %swap3A_1281 {strides = array<i32>} : memref<2048xi32, #tpu.memory_space<vmem>>, vector<16xi32>,
    %get3A_1282 = arith.constant 1936 : index
    %get3A_1283 = tpu.vector_load %arg5[%get3A_1282] {strides = array<i32>} : memref<2048xi32, #tpu.memory_space<vmem>>, vector<16xi32>,
    %get3A_1284 = vector.shape_cast %get3A_1283 : vector<16xi32> to vector<16xi32>
    %add3A_1285 = arith.addi %get3A_1284, %mul3A_7 : vector<16xi32>
    %swap3A_1286 = arith.constant 1936 : index
    %swap3A_1287 = tpu.vector_load %arg5[%swap3A_1286] {strides = array<i32>} : memref<2048xi32, #tpu.memory_space<vmem>>, vector<16xi32>,
    %swap3A_1288 = vector.shape_cast %swap3A_1287 : vector<16xi32> to vector<16xi32>
    %swap3A_1289 = vector.shape_cast %add3A_1285 : vector<16xi32> to vector<16xi32>
    tpu.vector_store %arg5[%swap3A_1286], %swap3A_1289 {strides = array<i32>} : memref<2048xi32, #tpu.memory_space<vmem>>, vector<16xi32>,
    %get3A_1290 = arith.constant 1952 : index
    %get3A_1291 = tpu.vector_load %arg5[%get3A_1290] {strides = array<i32>} : memref<2048xi32, #tpu.memory_space<vmem>>, vector<16xi32>,
    %get3A_1292 = vector.shape_cast %get3A_1291 : vector<16xi32> to vector<16xi32>
    %add3A_1293 = arith.addi %get3A_1292, %mul3A_7 : vector<16xi32>
    %swap3A_1294 = arith.constant 1952 : index
    %swap3A_1295 = tpu.vector_load %arg5[%swap3A_1294] {strides = array<i32>} : memref<2048xi32, #tpu.memory_space<vmem>>, vector<16xi32>,
    %swap3A_1296 = vector.shape_cast %swap3A_1295 : vector<16xi32> to vector<16xi32>
    %swap3A_1297 = vector.shape_cast %add3A_1293 : vector<16xi32> to vector<16xi32>
    tpu.vector_store %arg5[%swap3A_1294], %swap3A_1297 {strides = array<i32>} : memref<2048xi32, #tpu.memory_space<vmem>>, vector<16xi32>,
    %get3A_1298 = arith.constant 1968 : index
    %get3A_1299 = tpu.vector_load %arg5[%get3A_1298] {strides = array<i32>} : memref<2048xi32, #tpu.memory_space<vmem>>, vector<16xi32>,
    %get3A_1300 = vector.shape_cast %get3A_1299 : vector<16xi32> to vector<16xi32>
    %add3A_1301 = arith.addi %get3A_1300, %mul3A_7 : vector<16xi32>
    %swap3A_1302 = arith.constant 1968 : index
    %swap3A_1303 = tpu.vector_load %arg5[%swap3A_1302] {strides = array<i32>} : memref<2048xi32, #tpu.memory_space<vmem>>, vector<16xi32>,
    %swap3A_1304 = vector.shape_cast %swap3A_1303 : vector<16xi32> to vector<16xi32>
    %swap3A_1305 = vector.shape_cast %add3A_1301 : vector<16xi32> to vector<16xi32>
    tpu.vector_store %arg5[%swap3A_1302], %swap3A_1305 {strides = array<i32>} : memref<2048xi32, #tpu.memory_space<vmem>>, vector<16xi32>,
    %get3A_1306 = arith.constant 1984 : index
    %get3A_1307 = tpu.vector_load %arg5[%get3A_1306] {strides = array<i32>} : memref<2048xi32, #tpu.memory_space<vmem>>, vector<16xi32>,
    %get3A_1308 = vector.shape_cast %get3A_1307 : vector<16xi32> to vector<16xi32>
    %add3A_1309 = arith.addi %get3A_1308, %mul3A_7 : vector<16xi32>
    %swap3A_1310 = arith.constant 1984 : index
    %swap3A_1311 = tpu.vector_load %arg5[%swap3A_1310] {strides = array<i32>} : memref<2048xi32, #tpu.memory_space<vmem>>, vector<16xi32>,
    %swap3A_1312 = vector.shape_cast %swap3A_1311 : vector<16xi32> to vector<16xi32>
    %swap3A_1313 = vector.shape_cast %add3A_1309 : vector<16xi32> to vector<16xi32>
    tpu.vector_store %arg5[%swap3A_1310], %swap3A_1313 {strides = array<i32>} : memref<2048xi32, #tpu.memory_space<vmem>>, vector<16xi32>,
    %get3A_1314 = arith.constant 2000 : index
    %get3A_1315 = tpu.vector_load %arg5[%get3A_1314] {strides = array<i32>} : memref<2048xi32, #tpu.memory_space<vmem>>, vector<16xi32>,
    %get3A_1316 = vector.shape_cast %get3A_1315 : vector<16xi32> to vector<16xi32>
    %add3A_1317 = arith.addi %get3A_1316, %mul3A_7 : vector<16xi32>
    %swap3A_1318 = arith.constant 2000 : index
    %swap3A_1319 = tpu.vector_load %arg5[%swap3A_1318] {strides = array<i32>} : memref<2048xi32, #tpu.memory_space<vmem>>, vector<16xi32>,
    %swap3A_1320 = vector.shape_cast %swap3A_1319 : vector<16xi32> to vector<16xi32>
    %swap3A_1321 = vector.shape_cast %add3A_1317 : vector<16xi32> to vector<16xi32>
    tpu.vector_store %arg5[%swap3A_1318], %swap3A_1321 {strides = array<i32>} : memref<2048xi32, #tpu.memory_space<vmem>>, vector<16xi32>,
    %get3A_1322 = arith.constant 2016 : index
    %get3A_1323 = tpu.vector_load %arg5[%get3A_1322] {strides = array<i32>} : memref<2048xi32, #tpu.memory_space<vmem>>, vector<16xi32>,
    %get3A_1324 = vector.shape_cast %get3A_1323 : vector<16xi32> to vector<16xi32>
    %add3A_1325 = arith.addi %get3A_1324, %mul3A_7 : vector<16xi32>
    %swap3A_1326 = arith.constant 2016 : index
    %swap3A_1327 = tpu.vector_load %arg5[%swap3A_1326] {strides = array<i32>} : memref<2048xi32, #tpu.memory_space<vmem>>, vector<16xi32>,
    %swap3A_1328 = vector.shape_cast %swap3A_1327 : vector<16xi32> to vector<16xi32>
    %swap3A_1329 = vector.shape_cast %add3A_1325 : vector<16xi32> to vector<16xi32>
    tpu.vector_store %arg5[%swap3A_1326], %swap3A_1329 {strides = array<i32>} : memref<2048xi32, #tpu.memory_space<vmem>>, vector<16xi32>,
    %get3A_1330 = arith.constant 2032 : index
    %get3A_1331 = tpu.vector_load %arg5[%get3A_1330] {strides = array<i32>} : memref<2048xi32, #tpu.memory_space<vmem>>, vector<16xi32>,
    %get3A_1332 = vector.shape_cast %get3A_1331 : vector<16xi32> to vector<16xi32>
    %add3A_1333 = arith.addi %get3A_1332, %mul3A_7 : vector<16xi32>
    %swap3A_1334 = arith.constant 2032 : index
    %swap3A_1335 = tpu.vector_load %arg5[%swap3A_1334] {strides = array<i32>} : memref<2048xi32, #tpu.memory_space<vmem>>, vector<16xi32>,
    %swap3A_1336 = vector.shape_cast %swap3A_1335 : vector<16xi32> to vector<16xi32>
    %swap3A_1337 = vector.shape_cast %add3A_1333 : vector<16xi32> to vector<16xi32>
    tpu.vector_store %arg5[%swap3A_1334], %swap3A_1337 {strides = array<i32>} : memref<2048xi32, #tpu.memory_space<vmem>>, vector<16xi32>,
    %dma_start3A_1338 = arith.constant 1920 : i32
    %dma_start3A_1339 = tpu.memref_slice %arg5[%dma_start3A_1338] : memref<2048xi32, #tpu.memory_space<vmem>> -> memref<128xi32, #tpu.memory_space<vmem>>
    %dma_start3A_1340 = arith.constant 0 : i32
    %dma_start3A_1341 = arith.constant 0 : i32
    %dma_start3A_1342 = tpu.memref_slice %arg3[%dma_start3A_1340, %dma_start3A_1341] : memref<800000x128xf32, #tpu.memory_space<hbm>> -> memref<800000x128xf32, #tpu.memory_space<hbm>>
    tpu.enqueue_indirect_dma source(%dma_start3A_1342 : memref<800000x128xf32, #tpu.memory_space<hbm>>) target(%arg9 : memref<128x128xf32, #tpu.memory_space<vmem>>) offsets(%dma_start3A_1339 : memref<128xi32, #tpu.memory_space<vmem>>) semaphore(%arg15 : memref<!tpu.dma_semaphore, #tpu.memory_space<semaphore_mem>>)
    %dma_start3A_1343 = arith.constant 10 : i32
    %dma_start3A_1344 = arith.constant 0 : i32
    %dma_start3A_1345 = arith.constant 0 : i32
    %dma_start3A_1346 = tpu.memref_slice %arg4[%add3A, %dma_start3A_1343, %dma_start3A_1344, %dma_start3A_1345] : memref<32x16x128x128xf32, #tpu.memory_space<hbm>> -> memref<1x1x128x128xf32, #tpu.memory_space<hbm>>
    %dma_start3A_1347 = tpu.memref_squeeze %dma_start3A_1346 : memref<1x1x128x128xf32, #tpu.memory_space<hbm>> -> memref<128x128xf32, #tpu.memory_space<hbm>>
    %dma_start3A_1348 = arith.constant 0 : i32
    %dma_start3A_1349 = arith.constant 0 : i32
    %dma_start3A_1350 = tpu.memref_slice %arg4[%add3A, %dma_start3A_1343, %dma_start3A_1348, %dma_start3A_1349] : memref<32x16x128x128xf32, #tpu.memory_space<hbm>> -> memref<1x1x128x128xf32, #tpu.memory_space<hbm>>
    %dma_start3A_1351 = tpu.memref_squeeze %dma_start3A_1350 : memref<1x1x128x128xf32, #tpu.memory_space<hbm>> -> memref<128x128xf32, #tpu.memory_space<hbm>>
    tpu.enqueue_dma source(%arg10 : memref<128x128xf32, #tpu.memory_space<vmem>>) target(%dma_start3A_1351 : memref<128x128xf32, #tpu.memory_space<hbm>>) target_semaphore(%arg22 : memref<!tpu.dma_semaphore, #tpu.memory_space<semaphore_mem>>)
    %dma_wait3A_1352 = arith.constant 1408 : i32
    %dma_wait3A_1353 = tpu.memref_slice %arg5[%dma_wait3A_1352] : memref<2048xi32, #tpu.memory_space<vmem>> -> memref<128xi32, #tpu.memory_space<vmem>>
    %dma_wait3A_1354 = arith.constant 0 : i32
    %dma_wait3A_1355 = arith.constant 0 : i32
    %dma_wait3A_1356 = tpu.memref_slice %arg3[%dma_wait3A_1354, %dma_wait3A_1355] : memref<800000x128xf32, #tpu.memory_space<hbm>> -> memref<800000x128xf32, #tpu.memory_space<hbm>>
    tpu.wait_indirect_dma semaphore(%arg17 : memref<!tpu.dma_semaphore, #tpu.memory_space<semaphore_mem>>) src(%dma_wait3A_1356 : memref<800000x128xf32, #tpu.memory_space<hbm>>) dst(%arg11 : memref<128x128xf32, #tpu.memory_space<vmem>>)
    %dma_start3A_1357 = arith.constant 11 : i32
    %dma_start3A_1358 = arith.constant 0 : i32
    %dma_start3A_1359 = arith.constant 0 : i32
    %dma_start3A_1360 = tpu.memref_slice %arg4[%add3A, %dma_start3A_1357, %dma_start3A_1358, %dma_start3A_1359] : memref<32x16x128x128xf32, #tpu.memory_space<hbm>> -> memref<1x1x128x128xf32, #tpu.memory_space<hbm>>
    %dma_start3A_1361 = tpu.memref_squeeze %dma_start3A_1360 : memref<1x1x128x128xf32, #tpu.memory_space<hbm>> -> memref<128x128xf32, #tpu.memory_space<hbm>>
    %dma_start3A_1362 = arith.constant 0 : i32
    %dma_start3A_1363 = arith.constant 0 : i32
    %dma_start3A_1364 = tpu.memref_slice %arg4[%add3A, %dma_start3A_1357, %dma_start3A_1362, %dma_start3A_1363] : memref<32x16x128x128xf32, #tpu.memory_space<hbm>> -> memref<1x1x128x128xf32, #tpu.memory_space<hbm>>
    %dma_start3A_1365 = tpu.memref_squeeze %dma_start3A_1364 : memref<1x1x128x128xf32, #tpu.memory_space<hbm>> -> memref<128x128xf32, #tpu.memory_space<hbm>>
    tpu.enqueue_dma source(%arg11 : memref<128x128xf32, #tpu.memory_space<vmem>>) target(%dma_start3A_1365 : memref<128x128xf32, #tpu.memory_space<hbm>>) target_semaphore(%arg23 : memref<!tpu.dma_semaphore, #tpu.memory_space<semaphore_mem>>)
    %dma_wait3A_1366 = arith.constant 1536 : i32
    %dma_wait3A_1367 = tpu.memref_slice %arg5[%dma_wait3A_1366] : memref<2048xi32, #tpu.memory_space<vmem>> -> memref<128xi32, #tpu.memory_space<vmem>>
    %dma_wait3A_1368 = arith.constant 0 : i32
    %dma_wait3A_1369 = arith.constant 0 : i32
    %dma_wait3A_1370 = tpu.memref_slice %arg3[%dma_wait3A_1368, %dma_wait3A_1369] : memref<800000x128xf32, #tpu.memory_space<hbm>> -> memref<800000x128xf32, #tpu.memory_space<hbm>>
    tpu.wait_indirect_dma semaphore(%arg12 : memref<!tpu.dma_semaphore, #tpu.memory_space<semaphore_mem>>) src(%dma_wait3A_1370 : memref<800000x128xf32, #tpu.memory_space<hbm>>) dst(%arg6 : memref<128x128xf32, #tpu.memory_space<vmem>>)
    %dma_start3A_1371 = arith.constant 12 : i32
    %dma_start3A_1372 = arith.constant 0 : i32
    %dma_start3A_1373 = arith.constant 0 : i32
    %dma_start3A_1374 = tpu.memref_slice %arg4[%add3A, %dma_start3A_1371, %dma_start3A_1372, %dma_start3A_1373] : memref<32x16x128x128xf32, #tpu.memory_space<hbm>> -> memref<1x1x128x128xf32, #tpu.memory_space<hbm>>
    %dma_start3A_1375 = tpu.memref_squeeze %dma_start3A_1374 : memref<1x1x128x128xf32, #tpu.memory_space<hbm>> -> memref<128x128xf32, #tpu.memory_space<hbm>>
    %dma_start3A_1376 = arith.constant 0 : i32
    %dma_start3A_1377 = arith.constant 0 : i32
    %dma_start3A_1378 = tpu.memref_slice %arg4[%add3A, %dma_start3A_1371, %dma_start3A_1376, %dma_start3A_1377] : memref<32x16x128x128xf32, #tpu.memory_space<hbm>> -> memref<1x1x128x128xf32, #tpu.memory_space<hbm>>
    %dma_start3A_1379 = tpu.memref_squeeze %dma_start3A_1378 : memref<1x1x128x128xf32, #tpu.memory_space<hbm>> -> memref<128x128xf32, #tpu.memory_space<hbm>>
    tpu.enqueue_dma source(%arg6 : memref<128x128xf32, #tpu.memory_space<vmem>>) target(%dma_start3A_1379 : memref<128x128xf32, #tpu.memory_space<hbm>>) target_semaphore(%arg18 : memref<!tpu.dma_semaphore, #tpu.memory_space<semaphore_mem>>)
    %dma_wait3A_1380 = arith.constant 1664 : i32
    %dma_wait3A_1381 = tpu.memref_slice %arg5[%dma_wait3A_1380] : memref<2048xi32, #tpu.memory_space<vmem>> -> memref<128xi32, #tpu.memory_space<vmem>>
    %dma_wait3A_1382 = arith.constant 0 : i32
    %dma_wait3A_1383 = arith.constant 0 : i32
    %dma_wait3A_1384 = tpu.memref_slice %arg3[%dma_wait3A_1382, %dma_wait3A_1383] : memref<800000x128xf32, #tpu.memory_space<hbm>> -> memref<800000x128xf32, #tpu.memory_space<hbm>>
    tpu.wait_indirect_dma semaphore(%arg13 : memref<!tpu.dma_semaphore, #tpu.memory_space<semaphore_mem>>) src(%dma_wait3A_1384 : memref<800000x128xf32, #tpu.memory_space<hbm>>) dst(%arg7 : memref<128x128xf32, #tpu.memory_space<vmem>>)
    %dma_start3A_1385 = arith.constant 13 : i32
    %dma_start3A_1386 = arith.constant 0 : i32
    %dma_start3A_1387 = arith.constant 0 : i32
    %dma_start3A_1388 = tpu.memref_slice %arg4[%add3A, %dma_start3A_1385, %dma_start3A_1386, %dma_start3A_1387] : memref<32x16x128x128xf32, #tpu.memory_space<hbm>> -> memref<1x1x128x128xf32, #tpu.memory_space<hbm>>
    %dma_start3A_1389 = tpu.memref_squeeze %dma_start3A_1388 : memref<1x1x128x128xf32, #tpu.memory_space<hbm>> -> memref<128x128xf32, #tpu.memory_space<hbm>>
    %dma_start3A_1390 = arith.constant 0 : i32
    %dma_start3A_1391 = arith.constant 0 : i32
    %dma_start3A_1392 = tpu.memref_slice %arg4[%add3A, %dma_start3A_1385, %dma_start3A_1390, %dma_start3A_1391] : memref<32x16x128x128xf32, #tpu.memory_space<hbm>> -> memref<1x1x128x128xf32, #tpu.memory_space<hbm>>
    %dma_start3A_1393 = tpu.memref_squeeze %dma_start3A_1392 : memref<1x1x128x128xf32, #tpu.memory_space<hbm>> -> memref<128x128xf32, #tpu.memory_space<hbm>>
    tpu.enqueue_dma source(%arg7 : memref<128x128xf32, #tpu.memory_space<vmem>>) target(%dma_start3A_1393 : memref<128x128xf32, #tpu.memory_space<hbm>>) target_semaphore(%arg19 : memref<!tpu.dma_semaphore, #tpu.memory_space<semaphore_mem>>)
    %dma_wait3A_1394 = arith.constant 1792 : i32
    %dma_wait3A_1395 = tpu.memref_slice %arg5[%dma_wait3A_1394] : memref<2048xi32, #tpu.memory_space<vmem>> -> memref<128xi32, #tpu.memory_space<vmem>>
    %dma_wait3A_1396 = arith.constant 0 : i32
    %dma_wait3A_1397 = arith.constant 0 : i32
    %dma_wait3A_1398 = tpu.memref_slice %arg3[%dma_wait3A_1396, %dma_wait3A_1397] : memref<800000x128xf32, #tpu.memory_space<hbm>> -> memref<800000x128xf32, #tpu.memory_space<hbm>>
    tpu.wait_indirect_dma semaphore(%arg14 : memref<!tpu.dma_semaphore, #tpu.memory_space<semaphore_mem>>) src(%dma_wait3A_1398 : memref<800000x128xf32, #tpu.memory_space<hbm>>) dst(%arg8 : memref<128x128xf32, #tpu.memory_space<vmem>>)
    %dma_start3A_1399 = arith.constant 14 : i32
    %dma_start3A_1400 = arith.constant 0 : i32
    %dma_start3A_1401 = arith.constant 0 : i32
    %dma_start3A_1402 = tpu.memref_slice %arg4[%add3A, %dma_start3A_1399, %dma_start3A_1400, %dma_start3A_1401] : memref<32x16x128x128xf32, #tpu.memory_space<hbm>> -> memref<1x1x128x128xf32, #tpu.memory_space<hbm>>
    %dma_start3A_1403 = tpu.memref_squeeze %dma_start3A_1402 : memref<1x1x128x128xf32, #tpu.memory_space<hbm>> -> memref<128x128xf32, #tpu.memory_space<hbm>>
    %dma_start3A_1404 = arith.constant 0 : i32
    %dma_start3A_1405 = arith.constant 0 : i32
    %dma_start3A_1406 = tpu.memref_slice %arg4[%add3A, %dma_start3A_1399, %dma_start3A_1404, %dma_start3A_1405] : memref<32x16x128x128xf32, #tpu.memory_space<hbm>> -> memref<1x1x128x128xf32, #tpu.memory_space<hbm>>
    %dma_start3A_1407 = tpu.memref_squeeze %dma_start3A_1406 : memref<1x1x128x128xf32, #tpu.memory_space<hbm>> -> memref<128x128xf32, #tpu.memory_space<hbm>>
    tpu.enqueue_dma source(%arg8 : memref<128x128xf32, #tpu.memory_space<vmem>>) target(%dma_start3A_1407 : memref<128x128xf32, #tpu.memory_space<hbm>>) target_semaphore(%arg20 : memref<!tpu.dma_semaphore, #tpu.memory_space<semaphore_mem>>)
    %dma_wait3A_1408 = arith.constant 1920 : i32
    %dma_wait3A_1409 = tpu.memref_slice %arg5[%dma_wait3A_1408] : memref<2048xi32, #tpu.memory_space<vmem>> -> memref<128xi32, #tpu.memory_space<vmem>>
    %dma_wait3A_1410 = arith.constant 0 : i32
    %dma_wait3A_1411 = arith.constant 0 : i32
    %dma_wait3A_1412 = tpu.memref_slice %arg3[%dma_wait3A_1410, %dma_wait3A_1411] : memref<800000x128xf32, #tpu.memory_space<hbm>> -> memref<800000x128xf32, #tpu.memory_space<hbm>>
    tpu.wait_indirect_dma semaphore(%arg15 : memref<!tpu.dma_semaphore, #tpu.memory_space<semaphore_mem>>) src(%dma_wait3A_1412 : memref<800000x128xf32, #tpu.memory_space<hbm>>) dst(%arg9 : memref<128x128xf32, #tpu.memory_space<vmem>>)
    %dma_start3A_1413 = arith.constant 15 : i32
    %dma_start3A_1414 = arith.constant 0 : i32
    %dma_start3A_1415 = arith.constant 0 : i32
    %dma_start3A_1416 = tpu.memref_slice %arg4[%add3A, %dma_start3A_1413, %dma_start3A_1414, %dma_start3A_1415] : memref<32x16x128x128xf32, #tpu.memory_space<hbm>> -> memref<1x1x128x128xf32, #tpu.memory_space<hbm>>
    %dma_start3A_1417 = tpu.memref_squeeze %dma_start3A_1416 : memref<1x1x128x128xf32, #tpu.memory_space<hbm>> -> memref<128x128xf32, #tpu.memory_space<hbm>>
    %dma_start3A_1418 = arith.constant 0 : i32
    %dma_start3A_1419 = arith.constant 0 : i32
    %dma_start3A_1420 = tpu.memref_slice %arg4[%add3A, %dma_start3A_1413, %dma_start3A_1418, %dma_start3A_1419] : memref<32x16x128x128xf32, #tpu.memory_space<hbm>> -> memref<1x1x128x128xf32, #tpu.memory_space<hbm>>
    %dma_start3A_1421 = tpu.memref_squeeze %dma_start3A_1420 : memref<1x1x128x128xf32, #tpu.memory_space<hbm>> -> memref<128x128xf32, #tpu.memory_space<hbm>>
    tpu.enqueue_dma source(%arg9 : memref<128x128xf32, #tpu.memory_space<vmem>>) target(%dma_start3A_1421 : memref<128x128xf32, #tpu.memory_space<hbm>>) target_semaphore(%arg21 : memref<!tpu.dma_semaphore, #tpu.memory_space<semaphore_mem>>)
    %dma_wait3A_1422 = arith.constant 10 : i32
    %dma_wait3A_1423 = arith.constant 0 : i32
    %dma_wait3A_1424 = arith.constant 0 : i32
    %dma_wait3A_1425 = tpu.memref_slice %arg4[%add3A, %dma_wait3A_1422, %dma_wait3A_1423, %dma_wait3A_1424] : memref<32x16x128x128xf32, #tpu.memory_space<hbm>> -> memref<1x1x128x128xf32, #tpu.memory_space<hbm>>
    %dma_wait3A_1426 = tpu.memref_squeeze %dma_wait3A_1425 : memref<1x1x128x128xf32, #tpu.memory_space<hbm>> -> memref<128x128xf32, #tpu.memory_space<hbm>>
    %dma_wait3A_1427 = arith.constant 0 : i32
    %dma_wait3A_1428 = arith.constant 0 : i32
    %dma_wait3A_1429 = tpu.memref_slice %arg4[%add3A, %dma_wait3A_1422, %dma_wait3A_1427, %dma_wait3A_1428] : memref<32x16x128x128xf32, #tpu.memory_space<hbm>> -> memref<1x1x128x128xf32, #tpu.memory_space<hbm>>
    %dma_wait3A_1430 = tpu.memref_squeeze %dma_wait3A_1429 : memref<1x1x128x128xf32, #tpu.memory_space<hbm>> -> memref<128x128xf32, #tpu.memory_space<hbm>>
    tpu.wait_dma2 semaphore(%arg22 : memref<!tpu.dma_semaphore, #tpu.memory_space<semaphore_mem>>) src(%arg10 : memref<128x128xf32, #tpu.memory_space<vmem>>) dst(%dma_wait3A_1430 : memref<128x128xf32, #tpu.memory_space<hbm>>)
    %dma_wait3A_1431 = arith.constant 11 : i32
    %dma_wait3A_1432 = arith.constant 0 : i32
    %dma_wait3A_1433 = arith.constant 0 : i32
    %dma_wait3A_1434 = tpu.memref_slice %arg4[%add3A, %dma_wait3A_1431, %dma_wait3A_1432, %dma_wait3A_1433] : memref<32x16x128x128xf32, #tpu.memory_space<hbm>> -> memref<1x1x128x128xf32, #tpu.memory_space<hbm>>
    %dma_wait3A_1435 = tpu.memref_squeeze %dma_wait3A_1434 : memref<1x1x128x128xf32, #tpu.memory_space<hbm>> -> memref<128x128xf32, #tpu.memory_space<hbm>>
    %dma_wait3A_1436 = arith.constant 0 : i32
    %dma_wait3A_1437 = arith.constant 0 : i32
    %dma_wait3A_1438 = tpu.memref_slice %arg4[%add3A, %dma_wait3A_1431, %dma_wait3A_1436, %dma_wait3A_1437] : memref<32x16x128x128xf32, #tpu.memory_space<hbm>> -> memref<1x1x128x128xf32, #tpu.memory_space<hbm>>
    %dma_wait3A_1439 = tpu.memref_squeeze %dma_wait3A_1438 : memref<1x1x128x128xf32, #tpu.memory_space<hbm>> -> memref<128x128xf32, #tpu.memory_space<hbm>>
    tpu.wait_dma2 semaphore(%arg23 : memref<!tpu.dma_semaphore, #tpu.memory_space<semaphore_mem>>) src(%arg11 : memref<128x128xf32, #tpu.memory_space<vmem>>) dst(%dma_wait3A_1439 : memref<128x128xf32, #tpu.memory_space<hbm>>)
    %dma_wait3A_1440 = arith.constant 12 : i32
    %dma_wait3A_1441 = arith.constant 0 : i32
    %dma_wait3A_1442 = arith.constant 0 : i32
    %dma_wait3A_1443 = tpu.memref_slice %arg4[%add3A, %dma_wait3A_1440, %dma_wait3A_1441, %dma_wait3A_1442] : memref<32x16x128x128xf32, #tpu.memory_space<hbm>> -> memref<1x1x128x128xf32, #tpu.memory_space<hbm>>
    %dma_wait3A_1444 = tpu.memref_squeeze %dma_wait3A_1443 : memref<1x1x128x128xf32, #tpu.memory_space<hbm>> -> memref<128x128xf32, #tpu.memory_space<hbm>>
    %dma_wait3A_1445 = arith.constant 0 : i32
    %dma_wait3A_1446 = arith.constant 0 : i32
    %dma_wait3A_1447 = tpu.memref_slice %arg4[%add3A, %dma_wait3A_1440, %dma_wait3A_1445, %dma_wait3A_1446] : memref<32x16x128x128xf32, #tpu.memory_space<hbm>> -> memref<1x1x128x128xf32, #tpu.memory_space<hbm>>
    %dma_wait3A_1448 = tpu.memref_squeeze %dma_wait3A_1447 : memref<1x1x128x128xf32, #tpu.memory_space<hbm>> -> memref<128x128xf32, #tpu.memory_space<hbm>>
    tpu.wait_dma2 semaphore(%arg18 : memref<!tpu.dma_semaphore, #tpu.memory_space<semaphore_mem>>) src(%arg6 : memref<128x128xf32, #tpu.memory_space<vmem>>) dst(%dma_wait3A_1448 : memref<128x128xf32, #tpu.memory_space<hbm>>)
    %dma_wait3A_1449 = arith.constant 13 : i32
    %dma_wait3A_1450 = arith.constant 0 : i32
    %dma_wait3A_1451 = arith.constant 0 : i32
    %dma_wait3A_1452 = tpu.memref_slice %arg4[%add3A, %dma_wait3A_1449, %dma_wait3A_1450, %dma_wait3A_1451] : memref<32x16x128x128xf32, #tpu.memory_space<hbm>> -> memref<1x1x128x128xf32, #tpu.memory_space<hbm>>
    %dma_wait3A_1453 = tpu.memref_squeeze %dma_wait3A_1452 : memref<1x1x128x128xf32, #tpu.memory_space<hbm>> -> memref<128x128xf32, #tpu.memory_space<hbm>>
    %dma_wait3A_1454 = arith.constant 0 : i32
    %dma_wait3A_1455 = arith.constant 0 : i32
    %dma_wait3A_1456 = tpu.memref_slice %arg4[%add3A, %dma_wait3A_1449, %dma_wait3A_1454, %dma_wait3A_1455] : memref<32x16x128x128xf32, #tpu.memory_space<hbm>> -> memref<1x1x128x128xf32, #tpu.memory_space<hbm>>
    %dma_wait3A_1457 = tpu.memref_squeeze %dma_wait3A_1456 : memref<1x1x128x128xf32, #tpu.memory_space<hbm>> -> memref<128x128xf32, #tpu.memory_space<hbm>>
    tpu.wait_dma2 semaphore(%arg19 : memref<!tpu.dma_semaphore, #tpu.memory_space<semaphore_mem>>) src(%arg7 : memref<128x128xf32, #tpu.memory_space<vmem>>) dst(%dma_wait3A_1457 : memref<128x128xf32, #tpu.memory_space<hbm>>)
    %dma_wait3A_1458 = arith.constant 14 : i32
    %dma_wait3A_1459 = arith.constant 0 : i32
    %dma_wait3A_1460 = arith.constant 0 : i32
    %dma_wait3A_1461 = tpu.memref_slice %arg4[%add3A, %dma_wait3A_1458, %dma_wait3A_1459, %dma_wait3A_1460] : memref<32x16x128x128xf32, #tpu.memory_space<hbm>> -> memref<1x1x128x128xf32, #tpu.memory_space<hbm>>
    %dma_wait3A_1462 = tpu.memref_squeeze %dma_wait3A_1461 : memref<1x1x128x128xf32, #tpu.memory_space<hbm>> -> memref<128x128xf32, #tpu.memory_space<hbm>>
    %dma_wait3A_1463 = arith.constant 0 : i32
    %dma_wait3A_1464 = arith.constant 0 : i32
    %dma_wait3A_1465 = tpu.memref_slice %arg4[%add3A, %dma_wait3A_1458, %dma_wait3A_1463, %dma_wait3A_1464] : memref<32x16x128x128xf32, #tpu.memory_space<hbm>> -> memref<1x1x128x128xf32, #tpu.memory_space<hbm>>
    %dma_wait3A_1466 = tpu.memref_squeeze %dma_wait3A_1465 : memref<1x1x128x128xf32, #tpu.memory_space<hbm>> -> memref<128x128xf32, #tpu.memory_space<hbm>>
    tpu.wait_dma2 semaphore(%arg20 : memref<!tpu.dma_semaphore, #tpu.memory_space<semaphore_mem>>) src(%arg8 : memref<128x128xf32, #tpu.memory_space<vmem>>) dst(%dma_wait3A_1466 : memref<128x128xf32, #tpu.memory_space<hbm>>)
    %dma_wait3A_1467 = arith.constant 15 : i32
    %dma_wait3A_1468 = arith.constant 0 : i32
    %dma_wait3A_1469 = arith.constant 0 : i32
    %dma_wait3A_1470 = tpu.memref_slice %arg4[%add3A, %dma_wait3A_1467, %dma_wait3A_1468, %dma_wait3A_1469] : memref<32x16x128x128xf32, #tpu.memory_space<hbm>> -> memref<1x1x128x128xf32, #tpu.memory_space<hbm>>
    %dma_wait3A_1471 = tpu.memref_squeeze %dma_wait3A_1470 : memref<1x1x128x128xf32, #tpu.memory_space<hbm>> -> memref<128x128xf32, #tpu.memory_space<hbm>>
    %dma_wait3A_1472 = arith.constant 0 : i32
    %dma_wait3A_1473 = arith.constant 0 : i32
    %dma_wait3A_1474 = tpu.memref_slice %arg4[%add3A, %dma_wait3A_1467, %dma_wait3A_1472, %dma_wait3A_1473] : memref<32x16x128x128xf32, #tpu.memory_space<hbm>> -> memref<1x1x128x128xf32, #tpu.memory_space<hbm>>
    %dma_wait3A_1475 = tpu.memref_squeeze %dma_wait3A_1474 : memref<1x1x128x128xf32, #tpu.memory_space<hbm>> -> memref<128x128xf32, #tpu.memory_space<hbm>>
    tpu.wait_dma2 semaphore(%arg21 : memref<!tpu.dma_semaphore, #tpu.memory_space<semaphore_mem>>) src(%arg9 : memref<128x128xf32, #tpu.memory_space<vmem>>) dst(%dma_wait3A_1475 : memref<128x128xf32, #tpu.memory_space<hbm>>)
    return
  }
}

</mosaic_0001>

<sc_bundles>
// kernel: kernel.3.cloned.1.call-start
scs
__scs_entry_jumppad:
0x0: {  	(pc) =	sbr.rel $0x88, $3  }
0x1: {  	(tag) =	ssettag $0x0;
	lr =	simm.s32 $0x1  }
0x2: {  	[smem:$0x3F9F] =	sst lr;
	_ =	strace $0xD0000000  }
0x3: {  	_ = 	snop  }
0x4: {  	_ = 	snop  }
0x5: {  	_ = 	snop  }
0x6: {  	_ = 	snop  }
0x7: {  	_ = 	snop  }
__scs_overlays_trampoline_lowered:
0x8: {  	[smem:$0x3FAE] =	sst s0  }
0x9: {  	[smem:$0x3FAF] =	sst s1  }
0xa: {  	[smem:$0x3FB0] =	sst s2  }
0xb: {  	[smem:$0x3FB1] =	sst s3  }
0xc: {  	[smem:$0x3FB2] =	sst s4  }
0xd: {  	[smem:$0x3FB3] =	sst s5  }
0xe: {  	[smem:$0x3FB4] =	sst s6  }
0xf: {  	[smem:$0x3FB5] =	sst s7  }
0x10: {  	[smem:$0x3FB6] =	sst s8  }
0x11: {  	[smem:$0x3FB7] =	sst s9;
	s0 =	simm.s32 @!p0 $0x0  }
0x12: {  	s1 =	sld [smem:$0x3F9D];
	s0 =	simm.s32 @p0 $0x1  }
0x13: {  	[smem:$0x3FB8] =	sst s0;
	s0 =	simm.s32 @!p1 $0x0  }
0x14: {  	s2 =	sld [smem:$0x3F9C];
	s0 =	simm.s32 @p1 $0x1  }
0x15: {  	[smem:$0x3FB9] =	sst s0;
	s0 =	simm.s32 @!p2 $0x0  }
0x16: {  	s3 =	sld [smem:$0x3FDB];
	s0 =	simm.s32 @p2 $0x1  }
0x17: {  	s4 =	simm.s32 $0x1BF5;
	[smem:$0x3FBB] =	sst s0  }
0x18: {  	s0 =	sld [smem:$0x3F9E];
	_ =	swait.ge [sflag:s4], $0x0  }
0x19: {  	s7 =	sld [smem:$0x3F9F]  }
0x1a: {  	s8 =	sadd.s32 $0xFFFFE003, lr  }
0x1b: {  	s9 =	sadd.s32 $0xFFFFFEF7, lr;
	s5 =	simm.s32 $0xFFFFFFFF;
	p2 =	slt.u32 s8, $0xFFFFF086  }
0x1c: {  	p1 =	slt.u32 s9, $0xF7A;
	s5 =	simm.s32 @!p2 $0x0  }
0x1d: {  	s5 =	simm.s32 @p1 $0x1;
	p0 =	seq.s32 s7, s2  }
0x1e: {  	s7 =	smul.u32 @!p0 $0xF7A, s2;
	p2 =	seq.s32 @!p0 s5, $0x0  }
0x1f: {  	s9 =	smul.u32 $0xF7A, s1;
	s8 =	simm.s32 @!p0 $0x1BF5;
	p2 =	por !p2, p0  }
0x20: {  	[sflag:s8] =	ssyncset.s32 @!p0 $0xFFFFF086;
	s6 =	sadd.s32 @!p0 s3, s7;
	s7 =	simm.s32 @!p0 $0x108  }
0x21: {  	s3 =	sadd.s32 s3, s9;
	s6 =	sadd.s32 @!p0 $0x88, s6;
	s7 =	simm.s32 @p2 $0x1082  }
0x22: {  	[simem:s7], [sflag:s8] =	dma.local @!p0 [hbm:s6], $0xF7A  }
0x23: {  	s9 =	sor.u32 $0xD0000000, s2;
	s6 =	simm.s32 $0x108;
	_ =	swait.ge @!p0 [sflag:s8], $0x0  }
0x24: {  	s3 =	sadd.s32 $0x88, s3;
	s6 =	simm.s32 @!p1 $0x1082;
	[sflag:s4] =	ssyncset.s32 $0xFFFFF086  }
0x25: {  	[simem:s6], [sflag:s4] =	dma.local [hbm:s3], $0xF7A  }
0x26: {  	[smem:$0x3F9F] =	sst s1;
	(tag) =	ssettag s2;
	_ =	strace s9  }
0x27: {  	s1 =	sld [smem:$0x3FAF]  }
0x28: {  	s2 =	sld [smem:$0x3FB0]  }
0x29: {  	s4 =	sld [smem:$0x3FB2]  }
0x2a: {  	p0 =	seq.s32 s5, $0x0;
	s5 =	sld [smem:$0x3FB3]  }
0x2b: {  	s6 =	sld [smem:$0x3FB4]  }
0x2c: {  	s7 =	sld [smem:$0x3FB5]  }
0x2d: {  	s3 =	simm.s32 $0x108;
	s8 =	sld [smem:$0x3FB6]  }
0x2e: {  	s3 =	simm.s32 @!p0 $0x1082;
	s9 =	sld [smem:$0x3FB7]  }
0x2f: {  	lr =	sadd.s32 s0, s3;
	s0 =	sld [smem:$0x3FAE]  }
0x30: {  	s3 =	sld [smem:$0x3FB1]  }
0x31: {  	[smem:$0x3FBA] =	sst s10  }
0x32: {  	s10 =	sld [smem:$0x3FB8];
	_ =	sdelay $0x3  }
0x33: {  	p0 =	seq.s32 s10, $0x1;
	s10 =	sld [smem:$0x3FBA];
	_ =	sdelay $0x3  }
0x34: {  	[smem:$0x3FBA] =	sst s10  }
0x35: {  	s10 =	sld [smem:$0x3FB9];
	_ =	sdelay $0x3  }
0x36: {  	p1 =	seq.s32 s10, $0x1;
	s10 =	sld [smem:$0x3FBA];
	_ =	sdelay $0x3  }
0x37: {  	[smem:$0x3FBA] =	sst s10  }
0x38: {  	s10 =	sld [smem:$0x3FBB]  }
0x39: {  	_ = 	snop;
	(pc) =	sbr.ind lr, $3  }
0x3a: {  	_ = 	snop  }
0x3b: {  	_ = 	snop  }
0x3c: {  	p2 =	seq.s32 s10, $0x1;
	s10 =	sld [smem:$0x3FBA]  }
0x3d: {  	_ =	shalt  }
0x3e: {  	_ =	shalt  }
0x3f: {  	_ =	shalt  }
0x40: {  	_ =	shalt  }
0x41: {  	_ =	shalt  }
0x42: {  	_ =	shalt  }
0x43: {  	_ =	shalt  }
0x44: {  	_ =	shalt  }
0x45: {  	_ =	shalt  }
0x46: {  	_ =	shalt  }
0x47: {  	_ =	shalt  }
0x48: {  	_ =	shalt  }
0x49: {  	_ =	shalt  }
0x4a: {  	_ =	shalt  }
0x4b: {  	_ =	shalt  }
0x4c: {  	_ =	shalt  }
0x4d: {  	_ =	shalt  }
0x4e: {  	_ =	shalt  }
0x4f: {  	_ =	shalt  }
0x50: {  	_ =	shalt  }
0x51: {  	_ =	shalt  }
0x52: {  	_ =	shalt  }
0x53: {  	_ =	shalt  }
0x54: {  	_ =	shalt  }
0x55: {  	_ =	shalt  }
0x56: {  	_ =	shalt  }
0x57: {  	_ =	shalt  }
0x58: {  	_ =	shalt  }
0x59: {  	_ =	shalt  }
0x5a: {  	_ =	shalt  }
0x5b: {  	_ =	shalt  }
0x5c: {  	_ =	shalt  }
0x5d: {  	_ =	shalt  }
0x5e: {  	_ =	shalt  }
0x5f: {  	_ =	shalt  }
0x60: {  	_ =	shalt  }
0x61: {  	_ =	shalt  }
0x62: {  	_ =	shalt  }
0x63: {  	_ =	shalt  }
0x64: {  	_ =	shalt  }
0x65: {  	_ =	shalt  }
0x66: {  	_ =	shalt  }
0x67: {  	_ =	shalt  }
0x68: {  	_ =	shalt  }
0x69: {  	_ =	shalt  }
0x6a: {  	_ =	shalt  }
0x6b: {  	_ =	shalt  }
0x6c: {  	_ =	shalt  }
0x6d: {  	_ =	shalt  }
0x6e: {  	_ =	shalt  }
0x6f: {  	_ =	shalt  }
0x70: {  	_ =	shalt  }
0x71: {  	_ =	shalt  }
0x72: {  	_ =	shalt  }
0x73: {  	_ =	shalt  }
0x74: {  	_ =	shalt  }
0x75: {  	_ =	shalt  }
0x76: {  	_ =	shalt  }
0x77: {  	_ =	shalt  }
0x78: {  	_ =	shalt  }
0x79: {  	_ =	shalt  }
0x7a: {  	_ =	shalt  }
0x7b: {  	_ =	shalt  }
0x7c: {  	_ =	shalt  }
0x7d: {  	_ =	shalt  }
0x7e: {  	_ =	shalt  }
0x7f: {  	_ =	shalt  }
0x80: {  	_ =	shalt  }
0x81: {  	_ =	shalt  }
0x82: {  	_ =	shalt  }
0x83: {  	_ =	shalt  }
0x84: {  	_ =	shalt  }
0x85: {  	_ =	shalt  }
0x86: {  	_ =	shalt  }
0x87: {  	_ =	shalt  }
.Lfunc_end0:
.L_simem_size_0:
called_computation_lowered:
.L_overlay_start_0:
0x88: {  	s2 =	sld [smem:$0x3FD9]  }
0x89: {  	s3 =	sld [smem:$0x3FFE];
	_ =	sdelay $0x1  }
0x8a: {  	s1 =	srdreg.scid  }
0x8b: {  	s0 =	sand.u32 $0x1, s1  }
0x8c: {  	s17 =	sshll.u32 s0, $0xA;
	s2 =	sadd.s32 s3, s2  }
0x8d: {  	s2 =	sadd.s32 s2, s17  }
0x8e: {  	[smem:$0x3FC6] =	sst s2  }
0x8f: {  	_ = 	snop  }
0x90: {  	s2 =	sld [smem:$0x3FC8]  }
0x91: {  	s18 =	sld [smem:$0x3FD0];
	(tm) =	ssettm $0x1  }
0x92: {  	s4 =	sld [smem:$0x3FFB];
	_ =	sdelay $0x3  }
0x93: {  	_ =	strace s4  }
0x94: {  	s4 =	sld [smem:$0x3FFC];
	_ =	sdelay $0x3  }
0x95: {  	_ =	strace s4  }
0x96: {  	s4 =	sld [smem:$0x3FFD];
	_ =	sdelay $0x3  }
0x97: {  	_ =	strace s4  }
0x98: {  	_ =	strace $0x8FFFFFFF  }
0x99: {  	s19 =	sld [smem:$0x3FDB];
	_ =	sdelay $0x1  }
0x9a: {  	s5 =	simm.s32 $_scs_section_size  }
0x9b: {  	s6 =	simm.s32 $_size__tile_overlayer_lowered;
	s7 =	simm.s32 $_tile_overlayer_lowered  }
0x9c: {  	s22 =	simm.s32 $0x1BFF;
	s21 =	sshll.u32 s7, $0x1;
	s4 =	sadd.s32 s5, s19  }
0x9d: {  	s8 =	simm.s32 $0x0;
	s20 =	sshll.u32 s6, $0x1;
	s6 =	sadd.s32 s21, s4  }
0x9e: {  	[timem:s8], [sflag:s22] =	dma.local [hbm:s6], s20  }
0x9f: {  	_ =	swait.ge [sflag:s22], s20  }
0xa0: {  	s5 =	ssub.s32 $0x0, s20;
	[sflag:s22] =	ssyncset.done $0x0  }
0xa1: {  	[sflag:s22] =	ssyncadd.s32 s5;
	_ =	sdelay $0x1  }
0xa2: {  	s23 =	simm.s32 $0x1B8B  }
0xa3: {  	_ =	swait.ge [sflag:s23], $0x1  }
0xa4: {  	[sflag:s23] =	ssyncset.done $0x0  }
0xa5: {  	s25 =	simm.s32 $0x1B8E;
	s24 =	sld [smem:$0x3FFE];
	[sflag:s23] =	ssyncadd.s32 $0xFFFFFFFF  }
0xa6: {  	s26 =	simm.s32 $execute0_lowered;
	[smem:$0x3FD2] =	sst s25  }
0xa7: {  	s6 =	sshll.u32 s26, $0x1;
	_ =	strace $0x80000046;
	[dreg:$0x1] =	wrdreg $0xFFFFFFFF  }
0xa8: {  	s28 =	simm.s32 $_size_execute0_lowered;
	s4 =	sadd.s32 s4, s6;
	[dreg:$0x0] =	wrdreg $0x0  }
0xa9: {  	s6 =	sshll.u32 s28, $0x1;
	[dreg:$0x2] =	wrdreg s4  }
0xaa: {  	[dreg:$0x3] =	wrdreg s6  }
0xab: {  	[dreg:$0x4] =	wrdreg $0xC0  }
0xac: {  	_ =	task [dreg:s8], $0x5FFFF  }
0xad: {  	[dreg:$0x1] =	wrdreg $0xFFFFFFFF  }
0xae: {  	[dreg:$0x0] =	wrdreg $0x60  }
0xaf: {  	[dreg:$0x2] =	wrdreg s24  }
0xb0: {  	[dreg:$0x3] =	wrdreg s2  }
0xb1: {  	[dreg:$0x4] =	wrdreg s18  }
0xb2: {  	[dreg:$0x5] =	wrdreg $0x9  }
0xb3: {  	_ =	task.clear_ibuf [dreg:s8], $0x6FFFF;
	_ =	strace $0x90000046  }
0xb4: {  	s29 =	simm.s32 $0x9;
	_ =	strace $0x80000048  }
0xb5: {  	_ =	swait.ge [sflag:s29], $0x1  }
0xb6: {  	[sflag:s29] =	ssyncadd.s32 $0xFFFFFFFF  }
0xb7: {  	_ =	strace $0x90000048  }
0xb8: {  	_ =	sfence  }
0xb9: {  	s30 =	sld [smem:$0x0];
	_ =	sdelay $0x2  }
0xba: {  	s31 =	sshll.u32 s1, $0xD;
	s1 =	sshrl.u32 s1, $0x2  }
0xbb: {  	s3 =	sand.u32 $0x4000, s31;
	s1 =	sadd.s32 s1, s30  }
0xbc: {  	s0 =	sor.u32 s3, s0;
	s1 =	sshll.u32 s1, $0x11  }
0xbd: {  	s0 =	sor.u32 s1, s0  }
0xbe: {  	s0 =	sadd.s32 $0x8F2B, s0  }
0xbf: {  	[sflag:s0] =	ssyncadd.remote.s32 $0x1  }
0xc0: {  	_ =	sfence.sel $0xFFFF  }
0xc1: {  	[dreg:$0x0] =	wrdreg $0xFFFFFFFF;
	(pc) =	sbr.abs _section_cstart, $3  }
0xc2: {  	[dreg:$0x1] =	wrdreg $0xFFFFFFFF  }
0xc3: {  	_ =	task.clear_ibuf [dreg:s8], $0x2FFFF;
	_ =	strace $0x9FFFFFFF  }
0xc4: {  	(tm) =	ssettm $0x7FFFFFFF  }
0xc5: {  	_ =	shalt  }
tec
execute0_lowered:
.L_overlay_start_1:
0x0: {  	(tag) =	ssettag $0x1  }
0x1: {  	s1 =	rddreg [dreg:$0x0];
	s3 =	srdreg.scid  }
0x2: {  	s0 =	stileid.u32;
	s2 =	rddreg [dreg:$0x1]  }
0x3: {  	s4 =	rddreg [dreg:$0x2];
	s5 =	sand.u32 $0x1, s3;
	s3 =	simm.s32 $0x0  }
0x4: {  	s19 =	simm.s32 $0x100;
	s20 =	simm.s32 $0x180;
	[smem:$0x7FF] =	sst s3  }
0x5: {  	s21 =	simm.s32 $0x200;
	_ =	strace $0x80000047;
	[dreg:$0x14] =	wrdreg s19  }
0x6: {  	s22 =	simm.s32 $0x280;
	s24 =	sshll.u32 s0, $0x1;
	[dreg:$0x15] =	wrdreg s20  }
0x7: {  	s23 =	simm.s32 $0x300;
	s6 =	sor.u32 s5, s24;
	[dreg:$0x16] =	wrdreg s21  }
0x8: {  	s24 =	simm.s32 $0x380;
	s7 =	sshll.u32 s6, $0x8;
	[dreg:$0x17] =	wrdreg s22  }
0x9: {  	s6 =	sshll.u32 s6, $0xF;
	[dreg:$0x18] =	wrdreg s23;
	s1 =	sadd.s32 s7, s1  }
0xa: {  	[dreg:$0x19] =	wrdreg s24;
	s4 =	sadd.s32 s4, s6;
	s1 =	sadd.s32 $0x400, s1  }
0xb: {  	s25 =	sadd.s32 $0x800, s4;
	[dreg:$0x4] =	wrdreg s1  }
0xc: {  	s26 =	sadd.s32 $0x1000, s4;
	[dreg:$0x5] =	wrdreg s25  }
0xd: {  	s28 =	simm.s32 $0x580;
	s0 =	sadd.s32 $0x1800, s4;
	[dreg:$0x6] =	wrdreg s26  }
0xe: {  	s29 =	simm.s32 $0x600;
	s6 =	sadd.s32 $0x2000, s4;
	[dreg:$0x7] =	wrdreg s0  }
0xf: {  	s30 =	simm.s32 $0x680;
	s7 =	sadd.s32 $0x2800, s4;
	[dreg:$0x8] =	wrdreg s6  }
0x10: {  	s31 =	simm.s32 $0x700;
	s8 =	sadd.s32 $0x3000, s4;
	[dreg:$0x9] =	wrdreg s7  }
0x11: {  	s5 =	ssub.s32 $0x2, s5;
	s9 =	sadd.s32 $0x3800, s4;
	[dreg:$0xa] =	wrdreg s8  }
0x12: {  	s16 =	sshrl.u32 s5, $0x1;
	s10 =	sadd.s32 $0x4000, s4;
	[dreg:$0xb] =	wrdreg s9  }
0x13: {  	s19 =	simm.s32 $0x4;
	s11 =	sadd.s32 $0x4800, s4;
	[dreg:$0xc] =	wrdreg s10  }
0x14: {  	s20 =	simm.s32 $0x9;
	s12 =	sadd.s32 $0x5000, s4;
	[dreg:$0xd] =	wrdreg s11  }
0x15: {  	s21 =	simm.s32 $0x5;
	s13 =	sadd.s32 $0x5800, s4;
	[dreg:$0xe] =	wrdreg s12  }
0x16: {  	s22 =	simm.s32 $0xA;
	s14 =	sadd.s32 $0x6000, s4;
	[dreg:$0xf] =	wrdreg s13  }
0x17: {  	s23 =	simm.s32 $0x6;
	s15 =	sadd.s32 $0x6800, s4;
	[dreg:$0x10] =	wrdreg s14  }
0x18: {  	s24 =	simm.s32 $0xB;
	s17 =	sadd.s32 $0x7000, s4;
	[dreg:$0x11] =	wrdreg s15  }
0x19: {  	s5 =	ssub.s32 s5, s16;
	s18 =	sadd.s32 $0x7800, s4;
	[dreg:$0x12] =	wrdreg s17  }
0x1a: {  	s16 =	simm.s32 $0x7;
	s5 =	smax.u32 s5, $0x1;
	[dreg:$0x13] =	wrdreg s18  }
0x1b: {  	s6 =	simm.s32 $0xD;
	s7 =	simm.s32 $0x80;
	s8 =	simm.s32 $0x800  }
0x1c: {  	s9 =	simm.s32 $0x4800;
	s10 =	simm.s32 $0x8800;
	s11 =	simm.s32 $0xC800  }
0x1d: {  	s12 =	simm.s32 $0x10800;
	s13 =	simm.s32 $0x1;
	s14 =	simm.s32 $0x14800  }
0x1e: {  	v0 =	vlaneseq.u32;
	s15 =	simm.s32 $0x2;
	s17 =	simm.s32 $0x3;
	s25 =	simm.s32 $0x400  }
0x1f: {  	v0 =	vand.u32 $0x7, v0;
	s18 =	simm.s32 $0x8;
	s26 =	simm.s32 $0x480;
	[dreg:$0x1a] =	wrdreg s25  }
0x20: {  	v0 =	vmul.u32 $0x186A0, v0;
	s1 =	simm.s32 $0x780;
	[dreg:$0x1b] =	wrdreg s26;
	s26 =	simm.s32 $0xC  }
.LBB2_1:
0x21: {  	s0 =	rddreg [dreg:$0x4]  }
0x22: {  	[tilespmem:s3], [sflag:$0xD] =	stream.linear.gather [hbm4b:s0+s3], $0x800, $0x38;
	[tilespmem:$0x18800] =	vst v63  }
0x23: {  	_ =	swait.ge [sflag:s6], $0x800  }
0x24: {  	[sflag:s6] =	ssyncset.done $0x0  }
0x25: {  	[sflag:s6] =	ssyncadd.s32 $0xFFFFF800  }
0x26: {  	v1 =	vld [tilespmem:$0x0]  }
0x27: {  	v2 =	vld [tilespmem:$0x10]  }
0x28: {  	v3 =	vld [tilespmem:$0x20]  }
0x29: {  	v4 =	vld [tilespmem:$0x30]  }
0x2a: {  	v5 =	vld [tilespmem:$0x40]  }
0x2b: {  	v6 =	vld [tilespmem:$0x50];
	v1 =	vadd.s32 v0, v1  }
0x2c: {  	[tilespmem:$0x0] =	vst v1;
	v1 =	vadd.s32 v0, v2;
	v2 =	vld [tilespmem:$0x60]  }
0x2d: {  	[tilespmem:$0x10] =	vst v1;
	v1 =	vadd.s32 v0, v3;
	v3 =	vld [tilespmem:$0x70]  }
0x2e: {  	[tilespmem:$0x20] =	vst v1;
	v1 =	vadd.s32 v0, v4  }
0x2f: {  	[tilespmem:$0x30] =	vst v1;
	v1 =	vadd.s32 v0, v5  }
0x30: {  	[tilespmem:$0x40] =	vst v1;
	v1 =	vadd.s32 v0, v6  }
0x31: {  	[tilespmem:$0x50] =	vst v1;
	v1 =	vadd.s32 v0, v2  }
0x32: {  	[tilespmem:$0x60] =	vst v1;
	v1 =	vadd.s32 v0, v3  }
0x33: {  	[tilespmem:$0x70] =	vst v1  }
0x34: {  	[tilespmem:s8], [sflag:$0x1] =	stream.indirect.gather [hbm4b:s2+s7], $0x80, s3, s7, $0xb8;
	[tilespmem:$0x18800] =	vst v63  }
0x35: {  	v1 =	vld [tilespmem:$0x80]  }
0x36: {  	v2 =	vld [tilespmem:$0x90]  }
0x37: {  	v3 =	vld [tilespmem:$0xA0]  }
0x38: {  	v19 =	vld [tilespmem:$0xB0]  }
0x39: {  	v20 =	vld [tilespmem:$0xC0]  }
0x3a: {  	v21 =	vld [tilespmem:$0xD0];
	v1 =	vadd.s32 v0, v1  }
0x3b: {  	[tilespmem:$0x80] =	vst v1;
	v1 =	vadd.s32 v0, v2;
	v2 =	vld [tilespmem:$0xE0]  }
0x3c: {  	[tilespmem:$0x90] =	vst v1;
	v1 =	vadd.s32 v0, v3;
	v3 =	vld [tilespmem:$0xF0]  }
0x3d: {  	[tilespmem:$0xA0] =	vst v1;
	v1 =	vadd.s32 v0, v19  }
0x3e: {  	[tilespmem:$0xB0] =	vst v1;
	v1 =	vadd.s32 v0, v20  }
0x3f: {  	[tilespmem:$0xC0] =	vst v1;
	v1 =	vadd.s32 v0, v21  }
0x40: {  	[tilespmem:$0xD0] =	vst v1;
	v1 =	vadd.s32 v0, v2  }
0x41: {  	[tilespmem:$0xE0] =	vst v1;
	v1 =	vadd.s32 v0, v3  }
0x42: {  	[tilespmem:$0xF0] =	vst v1  }
0x43: {  	[tilespmem:s9], [sflag:$0x2] =	stream.indirect.gather [hbm4b:s2+s7], $0x80, s7, s7, $0xb8;
	[tilespmem:$0x18800] =	vst v63  }
0x44: {  	v1 =	vld [tilespmem:$0x100]  }
0x45: {  	v2 =	vld [tilespmem:$0x110]  }
0x46: {  	v3 =	vld [tilespmem:$0x120]  }
0x47: {  	v22 =	vld [tilespmem:$0x130]  }
0x48: {  	v23 =	vld [tilespmem:$0x140]  }
0x49: {  	v24 =	vld [tilespmem:$0x150];
	v1 =	vadd.s32 v0, v1  }
0x4a: {  	[tilespmem:$0x100] =	vst v1;
	v1 =	vadd.s32 v0, v2;
	v2 =	vld [tilespmem:$0x160]  }
0x4b: {  	[tilespmem:$0x110] =	vst v1;
	v1 =	vadd.s32 v0, v3;
	v3 =	vld [tilespmem:$0x170]  }
0x4c: {  	[tilespmem:$0x120] =	vst v1;
	v1 =	vadd.s32 v0, v22  }
0x4d: {  	[tilespmem:$0x130] =	vst v1;
	v1 =	vadd.s32 v0, v23  }
0x4e: {  	[tilespmem:$0x140] =	vst v1;
	v1 =	vadd.s32 v0, v24  }
0x4f: {  	[tilespmem:$0x150] =	vst v1;
	v1 =	vadd.s32 v0, v2  }
0x50: {  	[tilespmem:$0x160] =	vst v1;
	v1 =	vadd.s32 v0, v3  }
0x51: {  	s25 =	rddreg [dreg:$0x14];
	[tilespmem:$0x170] =	vst v1  }
0x52: {  	[tilespmem:s10], [sflag:$0x3] =	stream.indirect.gather [hbm4b:s2+s7], $0x80, s25, s7, $0xb8;
	[tilespmem:$0x18800] =	vst v63  }
0x53: {  	v1 =	vld [tilespmem:$0x180]  }
0x54: {  	v2 =	vld [tilespmem:$0x190]  }
0x55: {  	v3 =	vld [tilespmem:$0x1A0]  }
0x56: {  	v25 =	vld [tilespmem:$0x1B0]  }
0x57: {  	v26 =	vld [tilespmem:$0x1C0]  }
0x58: {  	v27 =	vld [tilespmem:$0x1D0];
	v1 =	vadd.s32 v0, v1  }
0x59: {  	[tilespmem:$0x180] =	vst v1;
	v1 =	vadd.s32 v0, v2;
	v2 =	vld [tilespmem:$0x1E0]  }
0x5a: {  	[tilespmem:$0x190] =	vst v1;
	v1 =	vadd.s32 v0, v3;
	v3 =	vld [tilespmem:$0x1F0]  }
0x5b: {  	[tilespmem:$0x1A0] =	vst v1;
	v1 =	vadd.s32 v0, v25  }
0x5c: {  	[tilespmem:$0x1B0] =	vst v1;
	v1 =	vadd.s32 v0, v26  }
0x5d: {  	[tilespmem:$0x1C0] =	vst v1;
	v1 =	vadd.s32 v0, v27  }
0x5e: {  	[tilespmem:$0x1D0] =	vst v1;
	v1 =	vadd.s32 v0, v2  }
0x5f: {  	[tilespmem:$0x1E0] =	vst v1;
	v1 =	vadd.s32 v0, v3  }
0x60: {  	s25 =	rddreg [dreg:$0x15];
	[tilespmem:$0x1F0] =	vst v1  }
0x61: {  	[tilespmem:s11], [sflag:$0x4] =	stream.indirect.gather [hbm4b:s2+s7], $0x80, s25, s7, $0xb8;
	[tilespmem:$0x18800] =	vst v63  }
0x62: {  	v1 =	vld [tilespmem:$0x200]  }
0x63: {  	v2 =	vld [tilespmem:$0x210]  }
0x64: {  	v3 =	vld [tilespmem:$0x220]  }
0x65: {  	v28 =	vld [tilespmem:$0x230]  }
0x66: {  	v29 =	vld [tilespmem:$0x240]  }
0x67: {  	v30 =	vld [tilespmem:$0x250];
	v1 =	vadd.s32 v0, v1  }
0x68: {  	[tilespmem:$0x200] =	vst v1;
	v1 =	vadd.s32 v0, v2;
	v2 =	vld [tilespmem:$0x260]  }
0x69: {  	[tilespmem:$0x210] =	vst v1;
	v1 =	vadd.s32 v0, v3;
	v3 =	vld [tilespmem:$0x270]  }
0x6a: {  	[tilespmem:$0x220] =	vst v1;
	v1 =	vadd.s32 v0, v28  }
0x6b: {  	[tilespmem:$0x230] =	vst v1;
	v1 =	vadd.s32 v0, v29  }
0x6c: {  	[tilespmem:$0x240] =	vst v1;
	v1 =	vadd.s32 v0, v30  }
0x6d: {  	[tilespmem:$0x250] =	vst v1;
	v1 =	vadd.s32 v0, v2  }
0x6e: {  	[tilespmem:$0x260] =	vst v1;
	v1 =	vadd.s32 v0, v3  }
0x6f: {  	s25 =	rddreg [dreg:$0x16];
	[tilespmem:$0x270] =	vst v1  }
0x70: {  	[tilespmem:s12], [sflag:$0x5] =	stream.indirect.gather [hbm4b:s2+s7], $0x80, s25, s7, $0xb8;
	[tilespmem:$0x18800] =	vst v63  }
0x71: {  	_ =	swait.ge [sflag:s13], $0x4000  }
0x72: {  	[sflag:s13] =	ssyncset.done $0x0  }
0x73: {  	[sflag:s13] =	ssyncadd.s32 $0xFFFFC000  }
0x74: {  	v1 =	vld [tilespmem:$0x280]  }
0x75: {  	v2 =	vld [tilespmem:$0x290]  }
0x76: {  	v3 =	vld [tilespmem:$0x2A0]  }
0x77: {  	v31 =	vld [tilespmem:$0x2B0]  }
0x78: {  	v32 =	vld [tilespmem:$0x2C0]  }
0x79: {  	v33 =	vld [tilespmem:$0x2D0];
	v1 =	vadd.s32 v0, v1  }
0x7a: {  	[tilespmem:$0x280] =	vst v1;
	v1 =	vadd.s32 v0, v2;
	v2 =	vld [tilespmem:$0x2E0]  }
0x7b: {  	[tilespmem:$0x290] =	vst v1;
	v1 =	vadd.s32 v0, v3;
	v3 =	vld [tilespmem:$0x2F0]  }
0x7c: {  	[tilespmem:$0x2A0] =	vst v1;
	v1 =	vadd.s32 v0, v31  }
0x7d: {  	[tilespmem:$0x2B0] =	vst v1;
	v1 =	vadd.s32 v0, v32  }
0x7e: {  	[tilespmem:$0x2C0] =	vst v1;
	v1 =	vadd.s32 v0, v33  }
0x7f: {  	[tilespmem:$0x2D0] =	vst v1;
	v1 =	vadd.s32 v0, v2  }
0x80: {  	[tilespmem:$0x2E0] =	vst v1;
	v1 =	vadd.s32 v0, v3  }
0x81: {  	s25 =	rddreg [dreg:$0x17];
	[tilespmem:$0x2F0] =	vst v1  }
0x82: {  	[tilespmem:s14], [sflag:$0x6] =	stream.indirect.gather [hbm4b:s2+s7], $0x80, s25, s7, $0xb8;
	[tilespmem:$0x18800] =	vst v63  }
0x83: {  	_ = 	snop  }
0x84: {  	[hbm4b:s4+s3] =	stream.linear.scatter [tilespmem:s8], [sflag:$0x7], $0x4000, $0x38;
	[tilespmem:$0x18800] =	vst v63  }
0x85: {  	_ =	swait.ge [sflag:s15], $0x4000  }
0x86: {  	[sflag:s15] =	ssyncset.done $0x0  }
0x87: {  	[sflag:s15] =	ssyncadd.s32 $0xFFFFC000  }
0x88: {  	_ =	swait.ge [sflag:s16], $0x4000  }
0x89: {  	[sflag:s16] =	ssyncset.done $0x0  }
0x8a: {  	[sflag:s16] =	ssyncadd.s32 $0xFFFFC000  }
0x8b: {  	v1 =	vld [tilespmem:$0x300]  }
0x8c: {  	v2 =	vld [tilespmem:$0x310]  }
0x8d: {  	v3 =	vld [tilespmem:$0x320]  }
0x8e: {  	v34 =	vld [tilespmem:$0x330]  }
0x8f: {  	v35 =	vld [tilespmem:$0x340]  }
0x90: {  	v36 =	vld [tilespmem:$0x350];
	v1 =	vadd.s32 v0, v1  }
0x91: {  	[tilespmem:$0x300] =	vst v1;
	v1 =	vadd.s32 v0, v2;
	v2 =	vld [tilespmem:$0x360]  }
0x92: {  	[tilespmem:$0x310] =	vst v1;
	v1 =	vadd.s32 v0, v3;
	v3 =	vld [tilespmem:$0x370]  }
0x93: {  	[tilespmem:$0x320] =	vst v1;
	v1 =	vadd.s32 v0, v34  }
0x94: {  	[tilespmem:$0x330] =	vst v1;
	v1 =	vadd.s32 v0, v35  }
0x95: {  	[tilespmem:$0x340] =	vst v1;
	v1 =	vadd.s32 v0, v36  }
0x96: {  	[tilespmem:$0x350] =	vst v1;
	v1 =	vadd.s32 v0, v2  }
0x97: {  	[tilespmem:$0x360] =	vst v1;
	v1 =	vadd.s32 v0, v3  }
0x98: {  	s0 =	rddreg [dreg:$0x18];
	[tilespmem:$0x370] =	vst v1  }
0x99: {  	[tilespmem:s8], [sflag:$0x1] =	stream.indirect.gather [hbm4b:s2+s7], $0x80, s0, s7, $0xb8;
	[tilespmem:$0x18800] =	vst v63  }
0x9a: {  	s25 =	rddreg [dreg:$0x5]  }
0x9b: {  	[hbm4b:s25+s3] =	stream.linear.scatter [tilespmem:s9], [sflag:$0x8], $0x4000, $0x38;
	[tilespmem:$0x18800] =	vst v63  }
0x9c: {  	_ =	swait.ge [sflag:s17], $0x4000  }
0x9d: {  	[sflag:s17] =	ssyncset.done $0x0  }
0x9e: {  	[sflag:s17] =	ssyncadd.s32 $0xFFFFC000  }
0x9f: {  	_ =	swait.ge [sflag:s18], $0x4000  }
0xa0: {  	[sflag:s18] =	ssyncset.done $0x0  }
0xa1: {  	[sflag:s18] =	ssyncadd.s32 $0xFFFFC000  }
0xa2: {  	v1 =	vld [tilespmem:$0x380]  }
0xa3: {  	v2 =	vld [tilespmem:$0x390]  }
0xa4: {  	v3 =	vld [tilespmem:$0x3A0]  }
0xa5: {  	v37 =	vld [tilespmem:$0x3B0]  }
0xa6: {  	v38 =	vld [tilespmem:$0x3C0]  }
0xa7: {  	v39 =	vld [tilespmem:$0x3D0];
	v1 =	vadd.s32 v0, v1  }
0xa8: {  	[tilespmem:$0x380] =	vst v1;
	v1 =	vadd.s32 v0, v2;
	v2 =	vld [tilespmem:$0x3E0]  }
0xa9: {  	[tilespmem:$0x390] =	vst v1;
	v1 =	vadd.s32 v0, v3;
	v3 =	vld [tilespmem:$0x3F0]  }
0xaa: {  	[tilespmem:$0x3A0] =	vst v1;
	v1 =	vadd.s32 v0, v37  }
0xab: {  	[tilespmem:$0x3B0] =	vst v1;
	v1 =	vadd.s32 v0, v38  }
0xac: {  	[tilespmem:$0x3C0] =	vst v1;
	v1 =	vadd.s32 v0, v39  }
0xad: {  	[tilespmem:$0x3D0] =	vst v1;
	v1 =	vadd.s32 v0, v2  }
0xae: {  	[tilespmem:$0x3E0] =	vst v1;
	v1 =	vadd.s32 v0, v3  }
0xaf: {  	s0 =	rddreg [dreg:$0x19];
	[tilespmem:$0x3F0] =	vst v1  }
0xb0: {  	[tilespmem:s9], [sflag:$0x2] =	stream.indirect.gather [hbm4b:s2+s7], $0x80, s0, s7, $0xb8;
	[tilespmem:$0x18800] =	vst v63  }
0xb1: {  	s25 =	rddreg [dreg:$0x6]  }
0xb2: {  	[hbm4b:s25+s3] =	stream.linear.scatter [tilespmem:s10], [sflag:$0x9], $0x4000, $0x38;
	[tilespmem:$0x18800] =	vst v63  }
0xb3: {  	_ =	swait.ge [sflag:s19], $0x4000  }
0xb4: {  	[sflag:s19] =	ssyncset.done $0x0  }
0xb5: {  	[sflag:s19] =	ssyncadd.s32 $0xFFFFC000  }
0xb6: {  	_ =	swait.ge [sflag:s20], $0x4000  }
0xb7: {  	[sflag:s20] =	ssyncset.done $0x0  }
0xb8: {  	[sflag:s20] =	ssyncadd.s32 $0xFFFFC000  }
0xb9: {  	v1 =	vld [tilespmem:$0x400]  }
0xba: {  	v2 =	vld [tilespmem:$0x410]  }
0xbb: {  	v3 =	vld [tilespmem:$0x420]  }
0xbc: {  	v40 =	vld [tilespmem:$0x430]  }
0xbd: {  	v41 =	vld [tilespmem:$0x440]  }
0xbe: {  	v42 =	vld [tilespmem:$0x450];
	v1 =	vadd.s32 v0, v1  }
0xbf: {  	[tilespmem:$0x400] =	vst v1;
	v1 =	vadd.s32 v0, v2;
	v2 =	vld [tilespmem:$0x460]  }
0xc0: {  	[tilespmem:$0x410] =	vst v1;
	v1 =	vadd.s32 v0, v3;
	v3 =	vld [tilespmem:$0x470]  }
0xc1: {  	[tilespmem:$0x420] =	vst v1;
	v1 =	vadd.s32 v0, v40  }
0xc2: {  	[tilespmem:$0x430] =	vst v1;
	v1 =	vadd.s32 v0, v41  }
0xc3: {  	[tilespmem:$0x440] =	vst v1;
	v1 =	vadd.s32 v0, v42  }
0xc4: {  	[tilespmem:$0x450] =	vst v1;
	v1 =	vadd.s32 v0, v2  }
0xc5: {  	[tilespmem:$0x460] =	vst v1;
	v1 =	vadd.s32 v0, v3  }
0xc6: {  	s0 =	rddreg [dreg:$0x1a];
	[tilespmem:$0x470] =	vst v1  }
0xc7: {  	[tilespmem:s10], [sflag:$0x3] =	stream.indirect.gather [hbm4b:s2+s7], $0x80, s0, s7, $0xb8;
	[tilespmem:$0x18800] =	vst v63  }
0xc8: {  	s25 =	rddreg [dreg:$0x7]  }
0xc9: {  	[hbm4b:s25+s3] =	stream.linear.scatter [tilespmem:s11], [sflag:$0xA], $0x4000, $0x38;
	[tilespmem:$0x18800] =	vst v63  }
0xca: {  	_ =	swait.ge [sflag:s21], $0x4000  }
0xcb: {  	[sflag:s21] =	ssyncset.done $0x0  }
0xcc: {  	[sflag:s21] =	ssyncadd.s32 $0xFFFFC000  }
0xcd: {  	_ =	swait.ge [sflag:s22], $0x4000  }
0xce: {  	[sflag:s22] =	ssyncset.done $0x0  }
0xcf: {  	[sflag:s22] =	ssyncadd.s32 $0xFFFFC000  }
0xd0: {  	v1 =	vld [tilespmem:$0x480]  }
0xd1: {  	v2 =	vld [tilespmem:$0x490]  }
0xd2: {  	v3 =	vld [tilespmem:$0x4A0]  }
0xd3: {  	v43 =	vld [tilespmem:$0x4B0]  }
0xd4: {  	v44 =	vld [tilespmem:$0x4C0]  }
0xd5: {  	v45 =	vld [tilespmem:$0x4D0];
	v1 =	vadd.s32 v0, v1  }
0xd6: {  	[tilespmem:$0x480] =	vst v1;
	v1 =	vadd.s32 v0, v2;
	v2 =	vld [tilespmem:$0x4E0]  }
0xd7: {  	[tilespmem:$0x490] =	vst v1;
	v1 =	vadd.s32 v0, v3;
	v3 =	vld [tilespmem:$0x4F0]  }
0xd8: {  	[tilespmem:$0x4A0] =	vst v1;
	v1 =	vadd.s32 v0, v43  }
0xd9: {  	[tilespmem:$0x4B0] =	vst v1;
	v1 =	vadd.s32 v0, v44  }
0xda: {  	[tilespmem:$0x4C0] =	vst v1;
	v1 =	vadd.s32 v0, v45  }
0xdb: {  	[tilespmem:$0x4D0] =	vst v1;
	v1 =	vadd.s32 v0, v2  }
0xdc: {  	[tilespmem:$0x4E0] =	vst v1;
	v1 =	vadd.s32 v0, v3  }
0xdd: {  	s0 =	rddreg [dreg:$0x1b];
	[tilespmem:$0x4F0] =	vst v1  }
0xde: {  	[tilespmem:s11], [sflag:$0x4] =	stream.indirect.gather [hbm4b:s2+s7], $0x80, s0, s7, $0xb8;
	[tilespmem:$0x18800] =	vst v63  }
0xdf: {  	s25 =	rddreg [dreg:$0x8]  }
0xe0: {  	[hbm4b:s25+s3] =	stream.linear.scatter [tilespmem:s12], [sflag:$0xB], $0x4000, $0x38;
	[tilespmem:$0x18800] =	vst v63  }
0xe1: {  	_ =	swait.ge [sflag:s23], $0x4000  }
0xe2: {  	[sflag:s23] =	ssyncset.done $0x0  }
0xe3: {  	[sflag:s23] =	ssyncadd.s32 $0xFFFFC000  }
0xe4: {  	_ =	swait.ge [sflag:s24], $0x4000  }
0xe5: {  	[sflag:s24] =	ssyncset.done $0x0  }
0xe6: {  	[sflag:s24] =	ssyncadd.s32 $0xFFFFC000  }
0xe7: {  	v1 =	vld [tilespmem:$0x500]  }
0xe8: {  	v2 =	vld [tilespmem:$0x510]  }
0xe9: {  	v3 =	vld [tilespmem:$0x520]  }
0xea: {  	v46 =	vld [tilespmem:$0x530]  }
0xeb: {  	v47 =	vld [tilespmem:$0x540]  }
0xec: {  	v48 =	vld [tilespmem:$0x550];
	v1 =	vadd.s32 v0, v1  }
0xed: {  	[tilespmem:$0x500] =	vst v1;
	v1 =	vadd.s32 v0, v2;
	v2 =	vld [tilespmem:$0x560]  }
0xee: {  	[tilespmem:$0x510] =	vst v1;
	v1 =	vadd.s32 v0, v3;
	v3 =	vld [tilespmem:$0x570]  }
0xef: {  	[tilespmem:$0x520] =	vst v1;
	v1 =	vadd.s32 v0, v46  }
0xf0: {  	[tilespmem:$0x530] =	vst v1;
	v1 =	vadd.s32 v0, v47  }
0xf1: {  	[tilespmem:$0x540] =	vst v1;
	v1 =	vadd.s32 v0, v48  }
0xf2: {  	[tilespmem:$0x550] =	vst v1;
	v1 =	vadd.s32 v0, v2  }
0xf3: {  	[tilespmem:$0x560] =	vst v1;
	v1 =	vadd.s32 v0, v3  }
0xf4: {  	s25 =	simm.s32 $0x500;
	[tilespmem:$0x570] =	vst v1  }
0xf5: {  	[tilespmem:s12], [sflag:$0x5] =	stream.indirect.gather [hbm4b:s2+s7], $0x80, s25, s7, $0xb8;
	[tilespmem:$0x18800] =	vst v63  }
0xf6: {  	s0 =	rddreg [dreg:$0x9]  }
0xf7: {  	[hbm4b:s0+s3] =	stream.linear.scatter [tilespmem:s14], [sflag:$0xC], $0x4000, $0x38;
	[tilespmem:$0x18800] =	vst v63  }
0xf8: {  	_ =	swait.ge [sflag:s13], $0x4000  }
0xf9: {  	[sflag:s13] =	ssyncset.done $0x0  }
0xfa: {  	[sflag:s13] =	ssyncadd.s32 $0xFFFFC000  }
0xfb: {  	_ =	swait.ge [sflag:s26], $0x4000  }
0xfc: {  	[sflag:s26] =	ssyncset.done $0x0  }
0xfd: {  	[sflag:s26] =	ssyncadd.s32 $0xFFFFC000  }
0xfe: {  	v1 =	vld [tilespmem:$0x580]  }
0xff: {  	v2 =	vld [tilespmem:$0x590]  }
0x100: {  	v3 =	vld [tilespmem:$0x5A0]  }
0x101: {  	v49 =	vld [tilespmem:$0x5B0]  }
0x102: {  	v50 =	vld [tilespmem:$0x5C0]  }
0x103: {  	v51 =	vld [tilespmem:$0x5D0];
	v1 =	vadd.s32 v0, v1  }
0x104: {  	[tilespmem:$0x580] =	vst v1;
	v1 =	vadd.s32 v0, v2;
	v2 =	vld [tilespmem:$0x5E0]  }
0x105: {  	[tilespmem:$0x590] =	vst v1;
	v1 =	vadd.s32 v0, v3;
	v3 =	vld [tilespmem:$0x5F0]  }
0x106: {  	[tilespmem:$0x5A0] =	vst v1;
	v1 =	vadd.s32 v0, v49  }
0x107: {  	[tilespmem:$0x5B0] =	vst v1;
	v1 =	vadd.s32 v0, v50  }
0x108: {  	[tilespmem:$0x5C0] =	vst v1;
	v1 =	vadd.s32 v0, v51  }
0x109: {  	[tilespmem:$0x5D0] =	vst v1;
	v1 =	vadd.s32 v0, v2  }
0x10a: {  	[tilespmem:$0x5E0] =	vst v1;
	v1 =	vadd.s32 v0, v3  }
0x10b: {  	[tilespmem:$0x5F0] =	vst v1  }
0x10c: {  	[tilespmem:s14], [sflag:$0x6] =	stream.indirect.gather [hbm4b:s2+s7], $0x80, s28, s7, $0xb8;
	[tilespmem:$0x18800] =	vst v63  }
0x10d: {  	s25 =	rddreg [dreg:$0xa]  }
0x10e: {  	[hbm4b:s25+s3] =	stream.linear.scatter [tilespmem:s8], [sflag:$0x7], $0x4000, $0x38;
	[tilespmem:$0x18800] =	vst v63  }
0x10f: {  	_ =	swait.ge [sflag:s15], $0x4000  }
0x110: {  	[sflag:s15] =	ssyncset.done $0x0  }
0x111: {  	[sflag:s15] =	ssyncadd.s32 $0xFFFFC000  }
0x112: {  	_ =	swait.ge [sflag:s16], $0x4000  }
0x113: {  	[sflag:s16] =	ssyncset.done $0x0  }
0x114: {  	[sflag:s16] =	ssyncadd.s32 $0xFFFFC000  }
0x115: {  	v1 =	vld [tilespmem:$0x600]  }
0x116: {  	v2 =	vld [tilespmem:$0x610]  }
0x117: {  	v3 =	vld [tilespmem:$0x620]  }
0x118: {  	v52 =	vld [tilespmem:$0x630]  }
0x119: {  	v53 =	vld [tilespmem:$0x640]  }
0x11a: {  	v54 =	vld [tilespmem:$0x650];
	v1 =	vadd.s32 v0, v1  }
0x11b: {  	[tilespmem:$0x600] =	vst v1;
	v1 =	vadd.s32 v0, v2;
	v2 =	vld [tilespmem:$0x660]  }
0x11c: {  	[tilespmem:$0x610] =	vst v1;
	v1 =	vadd.s32 v0, v3;
	v3 =	vld [tilespmem:$0x670]  }
0x11d: {  	[tilespmem:$0x620] =	vst v1;
	v1 =	vadd.s32 v0, v52  }
0x11e: {  	[tilespmem:$0x630] =	vst v1;
	v1 =	vadd.s32 v0, v53  }
0x11f: {  	[tilespmem:$0x640] =	vst v1;
	v1 =	vadd.s32 v0, v54  }
0x120: {  	[tilespmem:$0x650] =	vst v1;
	v1 =	vadd.s32 v0, v2  }
0x121: {  	[tilespmem:$0x660] =	vst v1;
	v1 =	vadd.s32 v0, v3  }
0x122: {  	[tilespmem:$0x670] =	vst v1  }
0x123: {  	[tilespmem:s8], [sflag:$0x1] =	stream.indirect.gather [hbm4b:s2+s7], $0x80, s29, s7, $0xb8;
	[tilespmem:$0x18800] =	vst v63  }
0x124: {  	s25 =	rddreg [dreg:$0xb]  }
0x125: {  	[hbm4b:s25+s3] =	stream.linear.scatter [tilespmem:s9], [sflag:$0x8], $0x4000, $0x38;
	[tilespmem:$0x18800] =	vst v63  }
0x126: {  	_ =	swait.ge [sflag:s17], $0x4000  }
0x127: {  	[sflag:s17] =	ssyncset.done $0x0  }
0x128: {  	[sflag:s17] =	ssyncadd.s32 $0xFFFFC000  }
0x129: {  	_ =	swait.ge [sflag:s18], $0x4000  }
0x12a: {  	[sflag:s18] =	ssyncset.done $0x0  }
0x12b: {  	[sflag:s18] =	ssyncadd.s32 $0xFFFFC000  }
0x12c: {  	v1 =	vld [tilespmem:$0x680]  }
0x12d: {  	v2 =	vld [tilespmem:$0x690]  }
0x12e: {  	v3 =	vld [tilespmem:$0x6A0]  }
0x12f: {  	v55 =	vld [tilespmem:$0x6B0]  }
0x130: {  	v56 =	vld [tilespmem:$0x6C0]  }
0x131: {  	v57 =	vld [tilespmem:$0x6D0];
	v1 =	vadd.s32 v0, v1  }
0x132: {  	[tilespmem:$0x680] =	vst v1;
	v1 =	vadd.s32 v0, v2;
	v2 =	vld [tilespmem:$0x6E0]  }
0x133: {  	[tilespmem:$0x690] =	vst v1;
	v1 =	vadd.s32 v0, v3;
	v3 =	vld [tilespmem:$0x6F0]  }
0x134: {  	[tilespmem:$0x6A0] =	vst v1;
	v1 =	vadd.s32 v0, v55  }
0x135: {  	[tilespmem:$0x6B0] =	vst v1;
	v1 =	vadd.s32 v0, v56  }
0x136: {  	[tilespmem:$0x6C0] =	vst v1;
	v1 =	vadd.s32 v0, v57  }
0x137: {  	[tilespmem:$0x6D0] =	vst v1;
	v1 =	vadd.s32 v0, v2  }
0x138: {  	[tilespmem:$0x6E0] =	vst v1;
	v1 =	vadd.s32 v0, v3  }
0x139: {  	[tilespmem:$0x6F0] =	vst v1  }
0x13a: {  	[tilespmem:s9], [sflag:$0x2] =	stream.indirect.gather [hbm4b:s2+s7], $0x80, s30, s7, $0xb8;
	[tilespmem:$0x18800] =	vst v63  }
0x13b: {  	s25 =	rddreg [dreg:$0xc]  }
0x13c: {  	[hbm4b:s25+s3] =	stream.linear.scatter [tilespmem:s10], [sflag:$0x9], $0x4000, $0x38;
	[tilespmem:$0x18800] =	vst v63  }
0x13d: {  	_ =	swait.ge [sflag:s19], $0x4000  }
0x13e: {  	[sflag:s19] =	ssyncset.done $0x0  }
0x13f: {  	[sflag:s19] =	ssyncadd.s32 $0xFFFFC000  }
0x140: {  	_ =	swait.ge [sflag:s20], $0x4000  }
0x141: {  	[sflag:s20] =	ssyncset.done $0x0  }
0x142: {  	[sflag:s20] =	ssyncadd.s32 $0xFFFFC000  }
0x143: {  	v1 =	vld [tilespmem:$0x700]  }
0x144: {  	v2 =	vld [tilespmem:$0x710]  }
0x145: {  	v3 =	vld [tilespmem:$0x720]  }
0x146: {  	v58 =	vld [tilespmem:$0x730]  }
0x147: {  	v59 =	vld [tilespmem:$0x740]  }
0x148: {  	v60 =	vld [tilespmem:$0x750];
	v1 =	vadd.s32 v0, v1  }
0x149: {  	[tilespmem:$0x700] =	vst v1;
	v1 =	vadd.s32 v0, v2;
	v2 =	vld [tilespmem:$0x760]  }
0x14a: {  	[tilespmem:$0x710] =	vst v1;
	v1 =	vadd.s32 v0, v3;
	v3 =	vld [tilespmem:$0x770]  }
0x14b: {  	[tilespmem:$0x720] =	vst v1;
	v1 =	vadd.s32 v0, v58  }
0x14c: {  	[tilespmem:$0x730] =	vst v1;
	v1 =	vadd.s32 v0, v59  }
0x14d: {  	[tilespmem:$0x740] =	vst v1;
	v1 =	vadd.s32 v0, v60  }
0x14e: {  	[tilespmem:$0x750] =	vst v1;
	v1 =	vadd.s32 v0, v2  }
0x14f: {  	[tilespmem:$0x760] =	vst v1;
	v1 =	vadd.s32 v0, v3  }
0x150: {  	[tilespmem:$0x770] =	vst v1  }
0x151: {  	[tilespmem:s10], [sflag:$0x3] =	stream.indirect.gather [hbm4b:s2+s7], $0x80, s31, s7, $0xb8;
	[tilespmem:$0x18800] =	vst v63  }
0x152: {  	s25 =	rddreg [dreg:$0xd]  }
0x153: {  	[hbm4b:s25+s3] =	stream.linear.scatter [tilespmem:s11], [sflag:$0xA], $0x4000, $0x38;
	[tilespmem:$0x18800] =	vst v63  }
0x154: {  	_ =	swait.ge [sflag:s21], $0x4000  }
0x155: {  	[sflag:s21] =	ssyncset.done $0x0  }
0x156: {  	[sflag:s21] =	ssyncadd.s32 $0xFFFFC000  }
0x157: {  	_ =	swait.ge [sflag:s22], $0x4000  }
0x158: {  	[sflag:s22] =	ssyncset.done $0x0  }
0x159: {  	[sflag:s22] =	ssyncadd.s32 $0xFFFFC000  }
0x15a: {  	v1 =	vld [tilespmem:$0x780]  }
0x15b: {  	v2 =	vld [tilespmem:$0x790]  }
0x15c: {  	v3 =	vld [tilespmem:$0x7A0]  }
0x15d: {  	v61 =	vld [tilespmem:$0x7B0]  }
0x15e: {  	v62 =	vld [tilespmem:$0x7C0]  }
0x15f: {  	v63 =	vld [tilespmem:$0x7D0];
	v1 =	vadd.s32 v0, v1  }
0x160: {  	[tilespmem:$0x780] =	vst v1;
	v1 =	vadd.s32 v0, v2;
	v2 =	vld [tilespmem:$0x7E0]  }
0x161: {  	[tilespmem:$0x790] =	vst v1;
	v1 =	vadd.s32 v0, v3;
	v3 =	vld [tilespmem:$0x7F0]  }
0x162: {  	[tilespmem:$0x7A0] =	vst v1;
	v1 =	vadd.s32 v0, v61  }
0x163: {  	[tilespmem:$0x7B0] =	vst v1;
	v1 =	vadd.s32 v0, v62  }
0x164: {  	[tilespmem:$0x7C0] =	vst v1;
	v1 =	vadd.s32 v0, v63  }
0x165: {  	[tilespmem:$0x7D0] =	vst v1;
	v1 =	vadd.s32 v0, v2  }
0x166: {  	[tilespmem:$0x7E0] =	vst v1;
	v1 =	vadd.s32 v0, v3  }
0x167: {  	[tilespmem:$0x7F0] =	vst v1  }
0x168: {  	[tilespmem:s11], [sflag:$0x4] =	stream.indirect.gather [hbm4b:s2+s7], $0x80, s1, s7, $0xb8;
	[tilespmem:$0x18800] =	vst v63  }
0x169: {  	s25 =	rddreg [dreg:$0xe]  }
0x16a: {  	[hbm4b:s25+s3] =	stream.linear.scatter [tilespmem:s12], [sflag:$0xB], $0x4000, $0x38;
	[tilespmem:$0x18800] =	vst v63  }
0x16b: {  	_ =	swait.ge [sflag:s23], $0x4000  }
0x16c: {  	[sflag:s23] =	ssyncset.done $0x0  }
0x16d: {  	s25 =	rddreg [dreg:$0xf];
	[sflag:s23] =	ssyncadd.s32 $0xFFFFC000  }
0x16e: {  	[hbm4b:s25+s3] =	stream.linear.scatter [tilespmem:s14], [sflag:$0xC], $0x4000, $0x38;
	[tilespmem:$0x18800] =	vst v63  }
0x16f: {  	_ =	swait.ge [sflag:s13], $0x4000  }
0x170: {  	[sflag:s13] =	ssyncset.done $0x0  }
0x171: {  	s25 =	rddreg [dreg:$0x10];
	[sflag:s13] =	ssyncadd.s32 $0xFFFFC000  }
0x172: {  	[hbm4b:s25+s3] =	stream.linear.scatter [tilespmem:s8], [sflag:$0x7], $0x4000, $0x38;
	[tilespmem:$0x18800] =	vst v63  }
0x173: {  	_ =	swait.ge [sflag:s15], $0x4000  }
0x174: {  	[sflag:s15] =	ssyncset.done $0x0  }
0x175: {  	s25 =	rddreg [dreg:$0x11];
	[sflag:s15] =	ssyncadd.s32 $0xFFFFC000  }
0x176: {  	[hbm4b:s25+s3] =	stream.linear.scatter [tilespmem:s9], [sflag:$0x8], $0x4000, $0x38;
	[tilespmem:$0x18800] =	vst v63  }
0x177: {  	_ =	swait.ge [sflag:s17], $0x4000  }
0x178: {  	[sflag:s17] =	ssyncset.done $0x0  }
0x179: {  	s25 =	rddreg [dreg:$0x12];
	[sflag:s17] =	ssyncadd.s32 $0xFFFFC000  }
0x17a: {  	[hbm4b:s25+s3] =	stream.linear.scatter [tilespmem:s10], [sflag:$0x9], $0x4000, $0x38;
	[tilespmem:$0x18800] =	vst v63  }
0x17b: {  	_ =	swait.ge [sflag:s19], $0x4000  }
0x17c: {  	[sflag:s19] =	ssyncset.done $0x0  }
0x17d: {  	s25 =	rddreg [dreg:$0x13];
	[sflag:s19] =	ssyncadd.s32 $0xFFFFC000  }
0x17e: {  	[hbm4b:s25+s3] =	stream.linear.scatter [tilespmem:s11], [sflag:$0xA], $0x4000, $0x38;
	[tilespmem:$0x18800] =	vst v63  }
0x17f: {  	_ =	swait.ge [sflag:s24], $0x4000  }
0x180: {  	[sflag:s24] =	ssyncset.done $0x0  }
0x181: {  	[sflag:s24] =	ssyncadd.s32 $0xFFFFC000  }
0x182: {  	_ =	swait.ge [sflag:s26], $0x4000  }
0x183: {  	[sflag:s26] =	ssyncset.done $0x0  }
0x184: {  	[sflag:s26] =	ssyncadd.s32 $0xFFFFC000  }
0x185: {  	_ =	swait.ge [sflag:s16], $0x4000  }
0x186: {  	[sflag:s16] =	ssyncset.done $0x0  }
0x187: {  	[sflag:s16] =	ssyncadd.s32 $0xFFFFC000  }
0x188: {  	_ =	swait.ge [sflag:s18], $0x4000  }
0x189: {  	[sflag:s18] =	ssyncset.done $0x0  }
0x18a: {  	[sflag:s18] =	ssyncadd.s32 $0xFFFFC000  }
0x18b: {  	p0 =	sne.s32 s5, $0x1;
	_ =	swait.ge [sflag:s20], $0x4000  }
.Ltmp0:
0x18c: {  	[sflag:s20] =	ssyncset.done $0x0;
	(pc) =	sbr.rel @p0 .LBB2_1-.Ltmp0, $4  }
0x18d: {  	[sflag:s20] =	ssyncadd.s32 $0xFFFFC000  }
0x18e: {  	_ =	swait.ge [sflag:s22], $0x4000  }
0x18f: {  	[sflag:s22] =	ssyncset.done $0x0  }
0x190: {  	s5 =	sadd.s32 $0xFFFFFFFF, s5;
	[sflag:s22] =	ssyncadd.s32 $0xFFFFC000  }
0x191: {  	_ =	sfence.sel $0x180000  }
0x192: {  	[bflag:$0x0] =	sbarrier.arrive $0xFFFF  }
0x193: {  	_ =	strace $0x90000047  }
0x194: {  	s0 =	stileid.u32;
	[bflag:$0x2] =	sbarrier.arrive $0xFFFF  }
0x195: {  	p0 =	sne.s32 s0, $0x0;
	s0 =	rddreg [dreg:$0x3]  }
0x196: {  	s0 =	sadd.s32 @!p0 $0x100000, s0  }
0x197: {  	[sflag:s0] =	ssyncadd.tile.s32 @!p0 $0x1;
	_ =	shalt  }
.Lfunc_end2:
_tile_overlayer_lowered:
.L_overlay_start_2:
0x198: {  	(tag) =	ssettag $0x2  }
0x199: {  	s0 =	rddreg [dreg:$0x0];
	s2 =	stileid.u32  }
0x19a: {  	s1 =	rddreg [dreg:$0x1];
	p0 =	sne.s32 s2, $0x0  }
0x19b: {  	s3 =	rddreg [dreg:$0x2];
	[bflag:$0x3] =	sbarrier.arrive $0xFFFF;
	s2 =	simm.s32 @!p0 $0x1C0D  }
0x19c: {  	[timem:s3], [sflag:s2] =	dma.local @!p0 [hbm:s0], s1  }
0x19d: {  	s0 =	simm.s32 @!p0 $0xD  }
0x19e: {  	_ =	swait.ge @!p0 [sflag:s0], s1  }
0x19f: {  	s1 =	ssub.s32 @!p0 $0x0, s1;
	[sflag:s0] =	ssyncset.done @!p0 $0x0  }
0x1a0: {  	[sflag:s0] =	ssyncadd.s32 @!p0 s1  }
0x1a1: {  	[bflag:$0x3] =	sbarrier.arrive $0xFFFF  }
0x1a2: {  	_ =	shalt  }

</sc_bundles>
